<compile_context>
chip_gen: v7x
topology: tpu7x:2x2x1
jax: 0.10.2.dev20260603
libtpu: 0.0.44.dev20260713+nightly
codegen_flags: <defaults>
</compile_context>

<pallas_src>
import functools

import jax
import jax.numpy as jnp
from jax import lax
from jax.experimental import pallas as pl
from jax.experimental.pallas import tpu as pltpu
from jax.experimental.pallas import tpu_sc as plsc

_B, _H, _W, _D = 32, 16, 16, 256
_DEPTH = 4
_E = 8192
_N = _B * _H * _W

_TM = 512
_TN = 4096
_TF = 1024


def _dist_argmin(r, cbt_ref, j):
    cbt = cbt_ref[...]
    scores = lax.dot_general(r, cbt, (((1,), (0,)), ((), ())),
                             preferred_element_type=jnp.float32)
    csq = jnp.sum(cbt * cbt, axis=0, keepdims=True)
    rsq = jnp.sum(r * r, axis=1, keepdims=True)
    dist = (rsq + csq) - 2.0 * scores
    tmin = jnp.min(dist, axis=1, keepdims=True)
    col = lax.broadcasted_iota(jnp.int32, dist.shape, 1)
    targ = jnp.min(jnp.where(dist == tmin, col, jnp.int32(2**30)),
                   axis=1, keepdims=True)
    return tmin, targ + j * _TN


def _argmin_update(minv, mini, tmin, targ, j):
    @pl.when(j == 0)
    def _():
        minv[...] = tmin
        mini[...] = targ

    @pl.when(j > 0)
    def _():
        better = tmin < minv[...]
        mini[...] = jnp.where(better, targ, mini[...])
        minv[...] = jnp.where(better, tmin, minv[...])


def _argmin0_body(r_ref, cbt_ref, idx_ref, minv, mini):
    j = pl.program_id(1)
    tmin, targ = _dist_argmin(r_ref[...], cbt_ref, j)
    _argmin_update(minv, mini, tmin, targ, j)

    @pl.when(j == pl.num_programs(1) - 1)
    def _():
        idx_ref[...] = mini[...]


def _argmin_sub_body(r_ref, q_ref, cbt_ref, idx_ref, rnew_ref, minv, mini):
    j = pl.program_id(1)
    r = r_ref[...] - q_ref[...]

    @pl.when(j == 0)
    def _():
        rnew_ref[...] = r

    tmin, targ = _dist_argmin(r, cbt_ref, j)
    _argmin_update(minv, mini, tmin, targ, j)

    @pl.when(j == pl.num_programs(1) - 1)
    def _():
        idx_ref[...] = mini[...]


_TT = 512


def _transpose_body(in_ref, out_ref):
    out_ref[...] = in_ref[...].T


def _transpose(cb):
    return pl.pallas_call(
        _transpose_body,
        grid=(_E // _TT,),
        in_specs=[pl.BlockSpec((_TT, _D), lambda i: (i, 0))],
        out_specs=pl.BlockSpec((_D, _TT), lambda i: (0, i)),
        out_shape=jax.ShapeDtypeStruct((_D, _E), jnp.float32),
    )(cb)


def _argmin0(r, cbt):
    return pl.pallas_call(
        _argmin0_body,
        grid=(_N // _TM, _E // _TN),
        in_specs=[pl.BlockSpec((_TM, _D), lambda i, j: (i, 0)),
                  pl.BlockSpec((_D, _TN), lambda i, j: (0, j))],
        out_specs=pl.BlockSpec((_TM, 1), lambda i, j: (i, 0)),
        out_shape=jax.ShapeDtypeStruct((_N, 1), jnp.int32),
        scratch_shapes=[pltpu.VMEM((_TM, 1), jnp.float32),
                        pltpu.VMEM((_TM, 1), jnp.int32)],
        compiler_params=pltpu.CompilerParams(
            dimension_semantics=("arbitrary", "arbitrary")),
    )(r, cbt)


def _argmin_sub(r_prev, q_prev, cbt):
    return pl.pallas_call(
        _argmin_sub_body,
        grid=(_N // _TM, _E // _TN),
        in_specs=[pl.BlockSpec((_TM, _D), lambda i, j: (i, 0)),
                  pl.BlockSpec((_TM, _D), lambda i, j: (i, 0)),
                  pl.BlockSpec((_D, _TN), lambda i, j: (0, j))],
        out_specs=[pl.BlockSpec((_TM, 1), lambda i, j: (i, 0)),
                   pl.BlockSpec((_TM, _D), lambda i, j: (i, 0))],
        out_shape=[jax.ShapeDtypeStruct((_N, 1), jnp.int32),
                   jax.ShapeDtypeStruct((_N, _D), jnp.float32)],
        scratch_shapes=[pltpu.VMEM((_TM, 1), jnp.float32),
                        pltpu.VMEM((_TM, 1), jnp.int32)],
        compiler_params=pltpu.CompilerParams(
            dimension_semantics=("arbitrary", "arbitrary")),
    )(r_prev, q_prev, cbt)


def _sc_gather(cb, idx):
    info = plsc.get_sparse_core_info()
    nc, ns = info.num_cores, info.num_subcores
    nw = nc * ns
    bpw = _N // nw
    chunk = 128
    nchunk = bpw // chunk
    mesh = plsc.VectorSubcoreMesh(core_axis_name="c", subcore_axis_name="s")

    @functools.partial(
        pl.kernel, mesh=mesh,
        out_type=jax.ShapeDtypeStruct((_N, _D), jnp.float32),
        scratch_types=[pltpu.VMEM((nchunk, chunk), jnp.int32),
                       pltpu.VMEM((bpw, _D), jnp.float32),
                       pltpu.SemaphoreType.DMA],
    )
    def k(cb_hbm, idx_hbm, out_hbm, idx_v, rows_v, sem):
        wid = lax.axis_index("s") * nc + lax.axis_index("c")
        base = wid * bpw
        for c in range(nchunk):
            pltpu.sync_copy(idx_hbm.at[pl.ds(base + c * chunk, chunk)],
                            idx_v.at[c])
        copies = [
            pltpu.async_copy(cb_hbm.at[idx_v.at[c]],
                             rows_v.at[pl.ds(c * chunk, chunk)], sem)
            for c in range(nchunk)
        ]
        for cp in copies:
            cp.wait()
        pltpu.sync_copy(rows_v, out_hbm.at[pl.ds(base, bpw)])

    return k(cb, idx)


def _finalize(x, r1, r2, r3, q3):
    def body(x_ref, r1_ref, r2_ref, r3_ref, q3_ref, quants_ref, loss_ref, acc):
        i = pl.program_id(0)

        @pl.when(i == 0)
        def _():
            acc[0] = 0.0
            acc[1] = 0.0
            acc[2] = 0.0
            acc[3] = 0.0

        r4 = r3_ref[...] - q3_ref[...]
        quants_ref[...] = x_ref[...] - r4
        acc[0] += jnp.sum(r1_ref[...] * r1_ref[...])
        acc[1] += jnp.sum(r2_ref[...] * r2_ref[...])
        acc[2] += jnp.sum(r3_ref[...] * r3_ref[...])
        acc[3] += jnp.sum(r4 * r4)

        @pl.when(i == pl.num_programs(0) - 1)
        def _():
            loss_ref[0, 0] = (acc[0] + acc[1] + acc[2] + acc[3]) / (4.0 * _N * _D)

    return pl.pallas_call(
        body,
        grid=(_N // _TF,),
        in_specs=[pl.BlockSpec((_TF, _D), lambda i: (i, 0))] * 5,
        out_specs=[pl.BlockSpec((_TF, _D), lambda i: (i, 0)),
                   pl.BlockSpec((1, 1), lambda i: (0, 0),
                                memory_space=pltpu.SMEM)],
        out_shape=[jax.ShapeDtypeStruct((_N, _D), jnp.float32),
                   jax.ShapeDtypeStruct((1, 1), jnp.float32)],
        scratch_shapes=[pltpu.SMEM((4,), jnp.float32)],
        compiler_params=pltpu.CompilerParams(
            dimension_semantics=("arbitrary",)),
    )(x, r1, r2, r3, q3)


def kernel(x, codebooks):
    x_flat = x.reshape(_N, _D)
    cbs = [codebooks[lvl] for lvl in range(_DEPTH)]
    cbts = [_transpose(cb) for cb in cbs]

    idx0 = _argmin0(x_flat, cbts[0])
    q0 = _sc_gather(cbs[0], idx0.reshape(_N))
    idx1, r1 = _argmin_sub(x_flat, q0, cbts[1])
    q1 = _sc_gather(cbs[1], idx1.reshape(_N))
    idx2, r2 = _argmin_sub(r1, q1, cbts[2])
    q2 = _sc_gather(cbs[2], idx2.reshape(_N))
    idx3, r3 = _argmin_sub(r2, q2, cbts[3])
    q3 = _sc_gather(cbs[3], idx3.reshape(_N))

    quants_flat, loss = _finalize(x_flat, r1, r2, r3, q3)
    quants = quants_flat.reshape(_B, _H, _W, _D)
    codes = jnp.concatenate([idx0, idx1, idx2, idx3],
                            axis=1).reshape(_B, _H, _W, _DEPTH)
    return quants, loss[0, 0], codes

# --- scband reference (transcript-rebuilt; emitter-appended) ---
"""Pipeline reference for scband-rqbottleneck-27032524161608 (READ-ONLY COPY).

The authoritative reference and input builder live on the scoring server;
editing this copy changes nothing except your own understanding.
"""

import jax, jax.numpy as jnp
import numpy as np

B, H, W, D = 32, 16, 16, 256
DEPTH = 4
N_EMBED = 8192

def setup_inputs(seed: int = 0) -> dict:
    key = jax.random.key(seed)
    k1, k2 = jax.random.split(key)
    x = jax.random.normal(k1, (B, H, W, D), dtype=jnp.float32)
    codebooks = jax.random.normal(k2, (DEPTH, N_EMBED, D), dtype=jnp.float32) * (1.0 / np.sqrt(D))
    return {"x": x, "codebooks": codebooks}

def _nearest(residual, cb):
    # L2 distance: ||r||^2 + ||c||^2 - 2 r.c  (torch.addmm equivalent)
    r_sq = jnp.sum(residual * residual, axis=-1, keepdims=True)
    c_sq = jnp.sum(cb * cb, axis=-1)[None, :]
    dist = r_sq + c_sq - 2.0 * (residual @ cb.T)
    idx = jnp.argmin(dist, axis=-1)
    return idx

def reference(x, codebooks):
    # Residual quantization (eval path: argmin nearest-neighbor, no sinkhorn/EMA)
    b, h, w, d = x.shape
    x_flat = x.reshape(-1, d)
    residual = x_flat
    quant_sum = jnp.zeros_like(x_flat)
    codes = []
    losses = []
    for lvl in range(DEPTH):
        cb = codebooks[lvl]
        idx = _nearest(residual, cb)
        q = jnp.take(cb, idx, axis=0)
        residual = residual - q
        quant_sum = quant_sum + q
        codes.append(idx)
        # commitment loss on partial cumulative quantization (detached target)
        losses.append(jnp.mean((x_flat - jax.lax.stop_gradient(quant_sum)) ** 2))
    commitment_loss = jnp.mean(jnp.stack(losses))
    # straight-through estimator
    quants = x + jax.lax.stop_gradient(quant_sum.reshape(x.shape) - x)
    codes = jnp.stack(codes, axis=-1).reshape(b, h, w, DEPTH)
    return quants, commitment_loss, codes

if __name__ == "__main__":
    import jax
    _d = setup_inputs()
    print(jax.jit(kernel)(*tuple(_d.values())))

</pallas_src>

<mosaic_0001>
#map = affine_map<(d0, d1) -> (0, 0)>
#map1 = affine_map<(d0, d1) -> (0)>
module attributes {stable_mosaic.version = 14 : i64} {
  func.func @k(%arg0: i32, %arg1: i32, %arg2: memref<8192x256xf32, #tpu.memory_space<hbm>>, %arg3: memref<8192xi32, #tpu.memory_space<hbm>>, %arg4: memref<8192x256xf32, #tpu.memory_space<hbm>>, %arg5: memref<2x128xi32, #tpu.memory_space<vmem>>, %arg6: memref<256x256xf32, #tpu.memory_space<vmem>>, %arg7: memref<!tpu.dma_semaphore, #tpu.memory_space<semaphore_mem>>) attributes {dimension_semantics = [#tpu.dimension_semantics<core_parallel>, #tpu.dimension_semantics<subcore_parallel>], iteration_bounds = array<i64: 2, 16>, scalar_prefetch = 0 : i64, scratch_operands = 3 : i64, tpu.core_type = #tpu.core_type<sc_vector_subcore>, window_params = [{transform_indices = #map}, {transform_indices = #map1}, {transform_indices = #map}]} {
    %mul3A = arith.constant 2 : i32
    %mul3A_0 = arith.muli %arg1, %mul3A : i32
    %add3A = arith.addi %mul3A_0, %arg0 : i32
    %mul3A_1 = arith.constant 256 : i32
    %mul3A_2 = arith.muli %add3A, %mul3A_1 : i32
    %add3A_3 = arith.constant 0 : i32
    %add3A_4 = arith.addi %mul3A_2, %add3A_3 : i32
    %run_scoped3A = arith.constant 0 : i32
    "tpu.region"() ({
      %run_scoped3A_46 = tpu.sem_alloc : memref<!tpu.dma_semaphore, #tpu.memory_space<semaphore_mem>>
      %dma_start3A_47 = arith.constant 0 : i32
      %dma_start3A_48 = tpu.memref_slice %arg5[%run_scoped3A, %dma_start3A_47] : memref<2x128xi32, #tpu.memory_space<vmem>> -> memref<1x128xi32, #tpu.memory_space<vmem>>
      %dma_start3A_49 = tpu.memref_squeeze %dma_start3A_48 : memref<1x128xi32, #tpu.memory_space<vmem>> -> memref<128xi32, #tpu.memory_space<vmem>>
      %dma_start3A_50 = tpu.memref_slice %arg3[%add3A_4] : memref<8192xi32, #tpu.memory_space<hbm>> -> memref<128xi32, #tpu.memory_space<hbm>>
      %dma_start3A_51 = arith.constant 0 : i32
      %dma_start3A_52 = tpu.memref_slice %arg5[%run_scoped3A, %dma_start3A_51] : memref<2x128xi32, #tpu.memory_space<vmem>> -> memref<1x128xi32, #tpu.memory_space<vmem>>
      %dma_start3A_53 = tpu.memref_squeeze %dma_start3A_52 : memref<1x128xi32, #tpu.memory_space<vmem>> -> memref<128xi32, #tpu.memory_space<vmem>>
      %dma_start3A_54 = tpu.memref_slice %arg3[%add3A_4] : memref<8192xi32, #tpu.memory_space<hbm>> -> memref<128xi32, #tpu.memory_space<hbm>>
      tpu.enqueue_dma source(%dma_start3A_54 : memref<128xi32, #tpu.memory_space<hbm>>) target(%dma_start3A_53 : memref<128xi32, #tpu.memory_space<vmem>>) target_semaphore(%run_scoped3A_46 : memref<!tpu.dma_semaphore, #tpu.memory_space<semaphore_mem>>)
      %dma_wait3A_55 = arith.constant 0 : i32
      %dma_wait3A_56 = tpu.memref_slice %arg5[%run_scoped3A, %dma_wait3A_55] : memref<2x128xi32, #tpu.memory_space<vmem>> -> memref<1x128xi32, #tpu.memory_space<vmem>>
      %dma_wait3A_57 = tpu.memref_squeeze %dma_wait3A_56 : memref<1x128xi32, #tpu.memory_space<vmem>> -> memref<128xi32, #tpu.memory_space<vmem>>
      %dma_wait3A_58 = tpu.memref_slice %arg3[%add3A_4] : memref<8192xi32, #tpu.memory_space<hbm>> -> memref<128xi32, #tpu.memory_space<hbm>>
      %dma_wait3A_59 = arith.constant 0 : i32
      %dma_wait3A_60 = tpu.memref_slice %arg5[%run_scoped3A, %dma_wait3A_59] : memref<2x128xi32, #tpu.memory_space<vmem>> -> memref<1x128xi32, #tpu.memory_space<vmem>>
      %dma_wait3A_61 = tpu.memref_squeeze %dma_wait3A_60 : memref<1x128xi32, #tpu.memory_space<vmem>> -> memref<128xi32, #tpu.memory_space<vmem>>
      %dma_wait3A_62 = tpu.memref_slice %arg3[%add3A_4] : memref<8192xi32, #tpu.memory_space<hbm>> -> memref<128xi32, #tpu.memory_space<hbm>>
      tpu.wait_dma2 semaphore(%run_scoped3A_46 : memref<!tpu.dma_semaphore, #tpu.memory_space<semaphore_mem>>) src(%dma_wait3A_62 : memref<128xi32, #tpu.memory_space<hbm>>) dst(%dma_wait3A_61 : memref<128xi32, #tpu.memory_space<vmem>>)
      tpu.yield
    }) : () -> ()
    %add3A_5 = arith.constant 128 : i32
    %add3A_6 = arith.addi %mul3A_2, %add3A_5 : i32
    %run_scoped3A_7 = arith.constant 1 : i32
    "tpu.region"() ({
      %run_scoped3A_46 = tpu.sem_alloc : memref<!tpu.dma_semaphore, #tpu.memory_space<semaphore_mem>>
      %dma_start3A_47 = arith.constant 0 : i32
      %dma_start3A_48 = tpu.memref_slice %arg5[%run_scoped3A_7, %dma_start3A_47] : memref<2x128xi32, #tpu.memory_space<vmem>> -> memref<1x128xi32, #tpu.memory_space<vmem>>
      %dma_start3A_49 = tpu.memref_squeeze %dma_start3A_48 : memref<1x128xi32, #tpu.memory_space<vmem>> -> memref<128xi32, #tpu.memory_space<vmem>>
      %dma_start3A_50 = tpu.memref_slice %arg3[%add3A_6] : memref<8192xi32, #tpu.memory_space<hbm>> -> memref<128xi32, #tpu.memory_space<hbm>>
      %dma_start3A_51 = arith.constant 0 : i32
      %dma_start3A_52 = tpu.memref_slice %arg5[%run_scoped3A_7, %dma_start3A_51] : memref<2x128xi32, #tpu.memory_space<vmem>> -> memref<1x128xi32, #tpu.memory_space<vmem>>
      %dma_start3A_53 = tpu.memref_squeeze %dma_start3A_52 : memref<1x128xi32, #tpu.memory_space<vmem>> -> memref<128xi32, #tpu.memory_space<vmem>>
      %dma_start3A_54 = tpu.memref_slice %arg3[%add3A_6] : memref<8192xi32, #tpu.memory_space<hbm>> -> memref<128xi32, #tpu.memory_space<hbm>>
      tpu.enqueue_dma source(%dma_start3A_54 : memref<128xi32, #tpu.memory_space<hbm>>) target(%dma_start3A_53 : memref<128xi32, #tpu.memory_space<vmem>>) target_semaphore(%run_scoped3A_46 : memref<!tpu.dma_semaphore, #tpu.memory_space<semaphore_mem>>)
      %dma_wait3A_55 = arith.constant 0 : i32
      %dma_wait3A_56 = tpu.memref_slice %arg5[%run_scoped3A_7, %dma_wait3A_55] : memref<2x128xi32, #tpu.memory_space<vmem>> -> memref<1x128xi32, #tpu.memory_space<vmem>>
      %dma_wait3A_57 = tpu.memref_squeeze %dma_wait3A_56 : memref<1x128xi32, #tpu.memory_space<vmem>> -> memref<128xi32, #tpu.memory_space<vmem>>
      %dma_wait3A_58 = tpu.memref_slice %arg3[%add3A_6] : memref<8192xi32, #tpu.memory_space<hbm>> -> memref<128xi32, #tpu.memory_space<hbm>>
      %dma_wait3A_59 = arith.constant 0 : i32
      %dma_wait3A_60 = tpu.memref_slice %arg5[%run_scoped3A_7, %dma_wait3A_59] : memref<2x128xi32, #tpu.memory_space<vmem>> -> memref<1x128xi32, #tpu.memory_space<vmem>>
      %dma_wait3A_61 = tpu.memref_squeeze %dma_wait3A_60 : memref<1x128xi32, #tpu.memory_space<vmem>> -> memref<128xi32, #tpu.memory_space<vmem>>
      %dma_wait3A_62 = tpu.memref_slice %arg3[%add3A_6] : memref<8192xi32, #tpu.memory_space<hbm>> -> memref<128xi32, #tpu.memory_space<hbm>>
      tpu.wait_dma2 semaphore(%run_scoped3A_46 : memref<!tpu.dma_semaphore, #tpu.memory_space<semaphore_mem>>) src(%dma_wait3A_62 : memref<128xi32, #tpu.memory_space<hbm>>) dst(%dma_wait3A_61 : memref<128xi32, #tpu.memory_space<vmem>>)
      tpu.yield
    }) : () -> ()
    %dma_start3A = arith.constant 0 : i32
    %dma_start3A_8 = arith.constant 0 : i32
    %dma_start3A_9 = arith.constant 0 : i32
    %dma_start3A_10 = tpu.memref_slice %arg6[%dma_start3A_8, %dma_start3A_9] : memref<256x256xf32, #tpu.memory_space<vmem>> -> memref<128x256xf32, #tpu.memory_space<vmem>>
    %dma_start3A_11 = arith.constant 0 : i32
    %dma_start3A_12 = tpu.memref_slice %arg5[%dma_start3A, %dma_start3A_11] : memref<2x128xi32, #tpu.memory_space<vmem>> -> memref<1x128xi32, #tpu.memory_space<vmem>>
    %dma_start3A_13 = tpu.memref_squeeze %dma_start3A_12 : memref<1x128xi32, #tpu.memory_space<vmem>> -> memref<128xi32, #tpu.memory_space<vmem>>
    %dma_start3A_14 = arith.constant 0 : i32
    %dma_start3A_15 = arith.constant 0 : i32
    %dma_start3A_16 = tpu.memref_slice %arg2[%dma_start3A_14, %dma_start3A_15] : memref<8192x256xf32, #tpu.memory_space<hbm>> -> memref<8192x256xf32, #tpu.memory_space<hbm>>
    tpu.enqueue_indirect_dma source(%dma_start3A_16 : memref<8192x256xf32, #tpu.memory_space<hbm>>) target(%dma_start3A_10 : memref<128x256xf32, #tpu.memory_space<vmem>>) offsets(%dma_start3A_13 : memref<128xi32, #tpu.memory_space<vmem>>) semaphore(%arg7 : memref<!tpu.dma_semaphore, #tpu.memory_space<semaphore_mem>>)
    %dma_start3A_17 = arith.constant 1 : i32
    %dma_start3A_18 = arith.constant 128 : i32
    %dma_start3A_19 = arith.constant 0 : i32
    %dma_start3A_20 = tpu.memref_slice %arg6[%dma_start3A_18, %dma_start3A_19] : memref<256x256xf32, #tpu.memory_space<vmem>> -> memref<128x256xf32, #tpu.memory_space<vmem>>
    %dma_start3A_21 = arith.constant 0 : i32
    %dma_start3A_22 = tpu.memref_slice %arg5[%dma_start3A_17, %dma_start3A_21] : memref<2x128xi32, #tpu.memory_space<vmem>> -> memref<1x128xi32, #tpu.memory_space<vmem>>
    %dma_start3A_23 = tpu.memref_squeeze %dma_start3A_22 : memref<1x128xi32, #tpu.memory_space<vmem>> -> memref<128xi32, #tpu.memory_space<vmem>>
    %dma_start3A_24 = arith.constant 0 : i32
    %dma_start3A_25 = arith.constant 0 : i32
    %dma_start3A_26 = tpu.memref_slice %arg2[%dma_start3A_24, %dma_start3A_25] : memref<8192x256xf32, #tpu.memory_space<hbm>> -> memref<8192x256xf32, #tpu.memory_space<hbm>>
    tpu.enqueue_indirect_dma source(%dma_start3A_26 : memref<8192x256xf32, #tpu.memory_space<hbm>>) target(%dma_start3A_20 : memref<128x256xf32, #tpu.memory_space<vmem>>) offsets(%dma_start3A_23 : memref<128xi32, #tpu.memory_space<vmem>>) semaphore(%arg7 : memref<!tpu.dma_semaphore, #tpu.memory_space<semaphore_mem>>)
    %dma_wait3A = arith.constant 0 : i32
    %dma_wait3A_27 = arith.constant 0 : i32
    %dma_wait3A_28 = arith.constant 0 : i32
    %dma_wait3A_29 = tpu.memref_slice %arg6[%dma_wait3A_27, %dma_wait3A_28] : memref<256x256xf32, #tpu.memory_space<vmem>> -> memref<128x256xf32, #tpu.memory_space<vmem>>
    %dma_wait3A_30 = arith.constant 0 : i32
    %dma_wait3A_31 = tpu.memref_slice %arg5[%dma_wait3A, %dma_wait3A_30] : memref<2x128xi32, #tpu.memory_space<vmem>> -> memref<1x128xi32, #tpu.memory_space<vmem>>
    %dma_wait3A_32 = tpu.memref_squeeze %dma_wait3A_31 : memref<1x128xi32, #tpu.memory_space<vmem>> -> memref<128xi32, #tpu.memory_space<vmem>>
    %dma_wait3A_33 = arith.constant 0 : i32
    %dma_wait3A_34 = arith.constant 0 : i32
    %dma_wait3A_35 = tpu.memref_slice %arg2[%dma_wait3A_33, %dma_wait3A_34] : memref<8192x256xf32, #tpu.memory_space<hbm>> -> memref<8192x256xf32, #tpu.memory_space<hbm>>
    tpu.wait_indirect_dma semaphore(%arg7 : memref<!tpu.dma_semaphore, #tpu.memory_space<semaphore_mem>>) src(%dma_wait3A_35 : memref<8192x256xf32, #tpu.memory_space<hbm>>) dst(%dma_wait3A_29 : memref<128x256xf32, #tpu.memory_space<vmem>>)
    %dma_wait3A_36 = arith.constant 1 : i32
    %dma_wait3A_37 = arith.constant 128 : i32
    %dma_wait3A_38 = arith.constant 0 : i32
    %dma_wait3A_39 = tpu.memref_slice %arg6[%dma_wait3A_37, %dma_wait3A_38] : memref<256x256xf32, #tpu.memory_space<vmem>> -> memref<128x256xf32, #tpu.memory_space<vmem>>
    %dma_wait3A_40 = arith.constant 0 : i32
    %dma_wait3A_41 = tpu.memref_slice %arg5[%dma_wait3A_36, %dma_wait3A_40] : memref<2x128xi32, #tpu.memory_space<vmem>> -> memref<1x128xi32, #tpu.memory_space<vmem>>
    %dma_wait3A_42 = tpu.memref_squeeze %dma_wait3A_41 : memref<1x128xi32, #tpu.memory_space<vmem>> -> memref<128xi32, #tpu.memory_space<vmem>>
    %dma_wait3A_43 = arith.constant 0 : i32
    %dma_wait3A_44 = arith.constant 0 : i32
    %dma_wait3A_45 = tpu.memref_slice %arg2[%dma_wait3A_43, %dma_wait3A_44] : memref<8192x256xf32, #tpu.memory_space<hbm>> -> memref<8192x256xf32, #tpu.memory_space<hbm>>
    tpu.wait_indirect_dma semaphore(%arg7 : memref<!tpu.dma_semaphore, #tpu.memory_space<semaphore_mem>>) src(%dma_wait3A_45 : memref<8192x256xf32, #tpu.memory_space<hbm>>) dst(%dma_wait3A_39 : memref<128x256xf32, #tpu.memory_space<vmem>>)
    "tpu.region"() ({
      %run_scoped3A_46 = tpu.sem_alloc : memref<!tpu.dma_semaphore, #tpu.memory_space<semaphore_mem>>
      %dma_start3A_47 = arith.constant 0 : i32
      %dma_start3A_48 = tpu.memref_slice %arg4[%mul3A_2, %dma_start3A_47] : memref<8192x256xf32, #tpu.memory_space<hbm>> -> memref<256x256xf32, #tpu.memory_space<hbm>>
      %dma_start3A_49 = arith.constant 0 : i32
      %dma_start3A_50 = tpu.memref_slice %arg4[%mul3A_2, %dma_start3A_49] : memref<8192x256xf32, #tpu.memory_space<hbm>> -> memref<256x256xf32, #tpu.memory_space<hbm>>
      tpu.enqueue_dma source(%arg6 : memref<256x256xf32, #tpu.memory_space<vmem>>) target(%dma_start3A_50 : memref<256x256xf32, #tpu.memory_space<hbm>>) target_semaphore(%run_scoped3A_46 : memref<!tpu.dma_semaphore, #tpu.memory_space<semaphore_mem>>)
      %dma_wait3A_51 = arith.constant 0 : i32
      %dma_wait3A_52 = tpu.memref_slice %arg4[%mul3A_2, %dma_wait3A_51] : memref<8192x256xf32, #tpu.memory_space<hbm>> -> memref<256x256xf32, #tpu.memory_space<hbm>>
      %dma_wait3A_53 = arith.constant 0 : i32
      %dma_wait3A_54 = tpu.memref_slice %arg4[%mul3A_2, %dma_wait3A_53] : memref<8192x256xf32, #tpu.memory_space<hbm>> -> memref<256x256xf32, #tpu.memory_space<hbm>>
      tpu.wait_dma2 semaphore(%run_scoped3A_46 : memref<!tpu.dma_semaphore, #tpu.memory_space<semaphore_mem>>) src(%arg6 : memref<256x256xf32, #tpu.memory_space<vmem>>) dst(%dma_wait3A_54 : memref<256x256xf32, #tpu.memory_space<hbm>>)
      tpu.yield
    }) : () -> ()
    return
  }
}

#map = affine_map<(d0, d1) -> (0, 0)>
#map1 = affine_map<(d0, d1) -> (0)>
module attributes {stable_mosaic.version = 14 : i64} {
  func.func @k(%arg0: i32, %arg1: i32, %arg2: memref<8192x256xf32, #tpu.memory_space<hbm>>, %arg3: memref<8192xi32, #tpu.memory_space<hbm>>, %arg4: memref<8192x256xf32, #tpu.memory_space<hbm>>, %arg5: memref<2x128xi32, #tpu.memory_space<vmem>>, %arg6: memref<256x256xf32, #tpu.memory_space<vmem>>, %arg7: memref<!tpu.dma_semaphore, #tpu.memory_space<semaphore_mem>>) attributes {dimension_semantics = [#tpu.dimension_semantics<core_parallel>, #tpu.dimension_semantics<subcore_parallel>], iteration_bounds = array<i64: 2, 16>, scalar_prefetch = 0 : i64, scratch_operands = 3 : i64, tpu.core_type = #tpu.core_type<sc_vector_subcore>, window_params = [{transform_indices = #map}, {transform_indices = #map1}, {transform_indices = #map}]} {
    %mul3A = arith.constant 2 : i32
    %mul3A_0 = arith.muli %arg1, %mul3A : i32
    %add3A = arith.addi %mul3A_0, %arg0 : i32
    %mul3A_1 = arith.constant 256 : i32
    %mul3A_2 = arith.muli %add3A, %mul3A_1 : i32
    %add3A_3 = arith.constant 0 : i32
    %add3A_4 = arith.addi %mul3A_2, %add3A_3 : i32
    %run_scoped3A = arith.constant 0 : i32
    "tpu.region"() ({
      %run_scoped3A_46 = tpu.sem_alloc : memref<!tpu.dma_semaphore, #tpu.memory_space<semaphore_mem>>
      %dma_start3A_47 = arith.constant 0 : i32
      %dma_start3A_48 = tpu.memref_slice %arg5[%run_scoped3A, %dma_start3A_47] : memref<2x128xi32, #tpu.memory_space<vmem>> -> memref<1x128xi32, #tpu.memory_space<vmem>>
      %dma_start3A_49 = tpu.memref_squeeze %dma_start3A_48 : memref<1x128xi32, #tpu.memory_space<vmem>> -> memref<128xi32, #tpu.memory_space<vmem>>
      %dma_start3A_50 = tpu.memref_slice %arg3[%add3A_4] : memref<8192xi32, #tpu.memory_space<hbm>> -> memref<128xi32, #tpu.memory_space<hbm>>
      %dma_start3A_51 = arith.constant 0 : i32
      %dma_start3A_52 = tpu.memref_slice %arg5[%run_scoped3A, %dma_start3A_51] : memref<2x128xi32, #tpu.memory_space<vmem>> -> memref<1x128xi32, #tpu.memory_space<vmem>>
      %dma_start3A_53 = tpu.memref_squeeze %dma_start3A_52 : memref<1x128xi32, #tpu.memory_space<vmem>> -> memref<128xi32, #tpu.memory_space<vmem>>
      %dma_start3A_54 = tpu.memref_slice %arg3[%add3A_4] : memref<8192xi32, #tpu.memory_space<hbm>> -> memref<128xi32, #tpu.memory_space<hbm>>
      tpu.enqueue_dma source(%dma_start3A_54 : memref<128xi32, #tpu.memory_space<hbm>>) target(%dma_start3A_53 : memref<128xi32, #tpu.memory_space<vmem>>) target_semaphore(%run_scoped3A_46 : memref<!tpu.dma_semaphore, #tpu.memory_space<semaphore_mem>>)
      %dma_wait3A_55 = arith.constant 0 : i32
      %dma_wait3A_56 = tpu.memref_slice %arg5[%run_scoped3A, %dma_wait3A_55] : memref<2x128xi32, #tpu.memory_space<vmem>> -> memref<1x128xi32, #tpu.memory_space<vmem>>
      %dma_wait3A_57 = tpu.memref_squeeze %dma_wait3A_56 : memref<1x128xi32, #tpu.memory_space<vmem>> -> memref<128xi32, #tpu.memory_space<vmem>>
      %dma_wait3A_58 = tpu.memref_slice %arg3[%add3A_4] : memref<8192xi32, #tpu.memory_space<hbm>> -> memref<128xi32, #tpu.memory_space<hbm>>
      %dma_wait3A_59 = arith.constant 0 : i32
      %dma_wait3A_60 = tpu.memref_slice %arg5[%run_scoped3A, %dma_wait3A_59] : memref<2x128xi32, #tpu.memory_space<vmem>> -> memref<1x128xi32, #tpu.memory_space<vmem>>
      %dma_wait3A_61 = tpu.memref_squeeze %dma_wait3A_60 : memref<1x128xi32, #tpu.memory_space<vmem>> -> memref<128xi32, #tpu.memory_space<vmem>>
      %dma_wait3A_62 = tpu.memref_slice %arg3[%add3A_4] : memref<8192xi32, #tpu.memory_space<hbm>> -> memref<128xi32, #tpu.memory_space<hbm>>
      tpu.wait_dma2 semaphore(%run_scoped3A_46 : memref<!tpu.dma_semaphore, #tpu.memory_space<semaphore_mem>>) src(%dma_wait3A_62 : memref<128xi32, #tpu.memory_space<hbm>>) dst(%dma_wait3A_61 : memref<128xi32, #tpu.memory_space<vmem>>)
      tpu.yield
    }) : () -> ()
    %add3A_5 = arith.constant 128 : i32
    %add3A_6 = arith.addi %mul3A_2, %add3A_5 : i32
    %run_scoped3A_7 = arith.constant 1 : i32
    "tpu.region"() ({
      %run_scoped3A_46 = tpu.sem_alloc : memref<!tpu.dma_semaphore, #tpu.memory_space<semaphore_mem>>
      %dma_start3A_47 = arith.constant 0 : i32
      %dma_start3A_48 = tpu.memref_slice %arg5[%run_scoped3A_7, %dma_start3A_47] : memref<2x128xi32, #tpu.memory_space<vmem>> -> memref<1x128xi32, #tpu.memory_space<vmem>>
      %dma_start3A_49 = tpu.memref_squeeze %dma_start3A_48 : memref<1x128xi32, #tpu.memory_space<vmem>> -> memref<128xi32, #tpu.memory_space<vmem>>
      %dma_start3A_50 = tpu.memref_slice %arg3[%add3A_6] : memref<8192xi32, #tpu.memory_space<hbm>> -> memref<128xi32, #tpu.memory_space<hbm>>
      %dma_start3A_51 = arith.constant 0 : i32
      %dma_start3A_52 = tpu.memref_slice %arg5[%run_scoped3A_7, %dma_start3A_51] : memref<2x128xi32, #tpu.memory_space<vmem>> -> memref<1x128xi32, #tpu.memory_space<vmem>>
      %dma_start3A_53 = tpu.memref_squeeze %dma_start3A_52 : memref<1x128xi32, #tpu.memory_space<vmem>> -> memref<128xi32, #tpu.memory_space<vmem>>
      %dma_start3A_54 = tpu.memref_slice %arg3[%add3A_6] : memref<8192xi32, #tpu.memory_space<hbm>> -> memref<128xi32, #tpu.memory_space<hbm>>
      tpu.enqueue_dma source(%dma_start3A_54 : memref<128xi32, #tpu.memory_space<hbm>>) target(%dma_start3A_53 : memref<128xi32, #tpu.memory_space<vmem>>) target_semaphore(%run_scoped3A_46 : memref<!tpu.dma_semaphore, #tpu.memory_space<semaphore_mem>>)
      %dma_wait3A_55 = arith.constant 0 : i32
      %dma_wait3A_56 = tpu.memref_slice %arg5[%run_scoped3A_7, %dma_wait3A_55] : memref<2x128xi32, #tpu.memory_space<vmem>> -> memref<1x128xi32, #tpu.memory_space<vmem>>
      %dma_wait3A_57 = tpu.memref_squeeze %dma_wait3A_56 : memref<1x128xi32, #tpu.memory_space<vmem>> -> memref<128xi32, #tpu.memory_space<vmem>>
      %dma_wait3A_58 = tpu.memref_slice %arg3[%add3A_6] : memref<8192xi32, #tpu.memory_space<hbm>> -> memref<128xi32, #tpu.memory_space<hbm>>
      %dma_wait3A_59 = arith.constant 0 : i32
      %dma_wait3A_60 = tpu.memref_slice %arg5[%run_scoped3A_7, %dma_wait3A_59] : memref<2x128xi32, #tpu.memory_space<vmem>> -> memref<1x128xi32, #tpu.memory_space<vmem>>
      %dma_wait3A_61 = tpu.memref_squeeze %dma_wait3A_60 : memref<1x128xi32, #tpu.memory_space<vmem>> -> memref<128xi32, #tpu.memory_space<vmem>>
      %dma_wait3A_62 = tpu.memref_slice %arg3[%add3A_6] : memref<8192xi32, #tpu.memory_space<hbm>> -> memref<128xi32, #tpu.memory_space<hbm>>
      tpu.wait_dma2 semaphore(%run_scoped3A_46 : memref<!tpu.dma_semaphore, #tpu.memory_space<semaphore_mem>>) src(%dma_wait3A_62 : memref<128xi32, #tpu.memory_space<hbm>>) dst(%dma_wait3A_61 : memref<128xi32, #tpu.memory_space<vmem>>)
      tpu.yield
    }) : () -> ()
    %dma_start3A = arith.constant 0 : i32
    %dma_start3A_8 = arith.constant 0 : i32
    %dma_start3A_9 = arith.constant 0 : i32
    %dma_start3A_10 = tpu.memref_slice %arg6[%dma_start3A_8, %dma_start3A_9] : memref<256x256xf32, #tpu.memory_space<vmem>> -> memref<128x256xf32, #tpu.memory_space<vmem>>
    %dma_start3A_11 = arith.constant 0 : i32
    %dma_start3A_12 = tpu.memref_slice %arg5[%dma_start3A, %dma_start3A_11] : memref<2x128xi32, #tpu.memory_space<vmem>> -> memref<1x128xi32, #tpu.memory_space<vmem>>
    %dma_start3A_13 = tpu.memref_squeeze %dma_start3A_12 : memref<1x128xi32, #tpu.memory_space<vmem>> -> memref<128xi32, #tpu.memory_space<vmem>>
    %dma_start3A_14 = arith.constant 0 : i32
    %dma_start3A_15 = arith.constant 0 : i32
    %dma_start3A_16 = tpu.memref_slice %arg2[%dma_start3A_14, %dma_start3A_15] : memref<8192x256xf32, #tpu.memory_space<hbm>> -> memref<8192x256xf32, #tpu.memory_space<hbm>>
    tpu.enqueue_indirect_dma source(%dma_start3A_16 : memref<8192x256xf32, #tpu.memory_space<hbm>>) target(%dma_start3A_10 : memref<128x256xf32, #tpu.memory_space<vmem>>) offsets(%dma_start3A_13 : memref<128xi32, #tpu.memory_space<vmem>>) semaphore(%arg7 : memref<!tpu.dma_semaphore, #tpu.memory_space<semaphore_mem>>)
    %dma_start3A_17 = arith.constant 1 : i32
    %dma_start3A_18 = arith.constant 128 : i32
    %dma_start3A_19 = arith.constant 0 : i32
    %dma_start3A_20 = tpu.memref_slice %arg6[%dma_start3A_18, %dma_start3A_19] : memref<256x256xf32, #tpu.memory_space<vmem>> -> memref<128x256xf32, #tpu.memory_space<vmem>>
    %dma_start3A_21 = arith.constant 0 : i32
    %dma_start3A_22 = tpu.memref_slice %arg5[%dma_start3A_17, %dma_start3A_21] : memref<2x128xi32, #tpu.memory_space<vmem>> -> memref<1x128xi32, #tpu.memory_space<vmem>>
    %dma_start3A_23 = tpu.memref_squeeze %dma_start3A_22 : memref<1x128xi32, #tpu.memory_space<vmem>> -> memref<128xi32, #tpu.memory_space<vmem>>
    %dma_start3A_24 = arith.constant 0 : i32
    %dma_start3A_25 = arith.constant 0 : i32
    %dma_start3A_26 = tpu.memref_slice %arg2[%dma_start3A_24, %dma_start3A_25] : memref<8192x256xf32, #tpu.memory_space<hbm>> -> memref<8192x256xf32, #tpu.memory_space<hbm>>
    tpu.enqueue_indirect_dma source(%dma_start3A_26 : memref<8192x256xf32, #tpu.memory_space<hbm>>) target(%dma_start3A_20 : memref<128x256xf32, #tpu.memory_space<vmem>>) offsets(%dma_start3A_23 : memref<128xi32, #tpu.memory_space<vmem>>) semaphore(%arg7 : memref<!tpu.dma_semaphore, #tpu.memory_space<semaphore_mem>>)
    %dma_wait3A = arith.constant 0 : i32
    %dma_wait3A_27 = arith.constant 0 : i32
    %dma_wait3A_28 = arith.constant 0 : i32
    %dma_wait3A_29 = tpu.memref_slice %arg6[%dma_wait3A_27, %dma_wait3A_28] : memref<256x256xf32, #tpu.memory_space<vmem>> -> memref<128x256xf32, #tpu.memory_space<vmem>>
    %dma_wait3A_30 = arith.constant 0 : i32
    %dma_wait3A_31 = tpu.memref_slice %arg5[%dma_wait3A, %dma_wait3A_30] : memref<2x128xi32, #tpu.memory_space<vmem>> -> memref<1x128xi32, #tpu.memory_space<vmem>>
    %dma_wait3A_32 = tpu.memref_squeeze %dma_wait3A_31 : memref<1x128xi32, #tpu.memory_space<vmem>> -> memref<128xi32, #tpu.memory_space<vmem>>
    %dma_wait3A_33 = arith.constant 0 : i32
    %dma_wait3A_34 = arith.constant 0 : i32
    %dma_wait3A_35 = tpu.memref_slice %arg2[%dma_wait3A_33, %dma_wait3A_34] : memref<8192x256xf32, #tpu.memory_space<hbm>> -> memref<8192x256xf32, #tpu.memory_space<hbm>>
    tpu.wait_indirect_dma semaphore(%arg7 : memref<!tpu.dma_semaphore, #tpu.memory_space<semaphore_mem>>) src(%dma_wait3A_35 : memref<8192x256xf32, #tpu.memory_space<hbm>>) dst(%dma_wait3A_29 : memref<128x256xf32, #tpu.memory_space<vmem>>)
    %dma_wait3A_36 = arith.constant 1 : i32
    %dma_wait3A_37 = arith.constant 128 : i32
    %dma_wait3A_38 = arith.constant 0 : i32
    %dma_wait3A_39 = tpu.memref_slice %arg6[%dma_wait3A_37, %dma_wait3A_38] : memref<256x256xf32, #tpu.memory_space<vmem>> -> memref<128x256xf32, #tpu.memory_space<vmem>>
    %dma_wait3A_40 = arith.constant 0 : i32
    %dma_wait3A_41 = tpu.memref_slice %arg5[%dma_wait3A_36, %dma_wait3A_40] : memref<2x128xi32, #tpu.memory_space<vmem>> -> memref<1x128xi32, #tpu.memory_space<vmem>>
    %dma_wait3A_42 = tpu.memref_squeeze %dma_wait3A_41 : memref<1x128xi32, #tpu.memory_space<vmem>> -> memref<128xi32, #tpu.memory_space<vmem>>
    %dma_wait3A_43 = arith.constant 0 : i32
    %dma_wait3A_44 = arith.constant 0 : i32
    %dma_wait3A_45 = tpu.memref_slice %arg2[%dma_wait3A_43, %dma_wait3A_44] : memref<8192x256xf32, #tpu.memory_space<hbm>> -> memref<8192x256xf32, #tpu.memory_space<hbm>>
    tpu.wait_indirect_dma semaphore(%arg7 : memref<!tpu.dma_semaphore, #tpu.memory_space<semaphore_mem>>) src(%dma_wait3A_45 : memref<8192x256xf32, #tpu.memory_space<hbm>>) dst(%dma_wait3A_39 : memref<128x256xf32, #tpu.memory_space<vmem>>)
    "tpu.region"() ({
      %run_scoped3A_46 = tpu.sem_alloc : memref<!tpu.dma_semaphore, #tpu.memory_space<semaphore_mem>>
      %dma_start3A_47 = arith.constant 0 : i32
      %dma_start3A_48 = tpu.memref_slice %arg4[%mul3A_2, %dma_start3A_47] : memref<8192x256xf32, #tpu.memory_space<hbm>> -> memref<256x256xf32, #tpu.memory_space<hbm>>
      %dma_start3A_49 = arith.constant 0 : i32
      %dma_start3A_50 = tpu.memref_slice %arg4[%mul3A_2, %dma_start3A_49] : memref<8192x256xf32, #tpu.memory_space<hbm>> -> memref<256x256xf32, #tpu.memory_space<hbm>>
      tpu.enqueue_dma source(%arg6 : memref<256x256xf32, #tpu.memory_space<vmem>>) target(%dma_start3A_50 : memref<256x256xf32, #tpu.memory_space<hbm>>) target_semaphore(%run_scoped3A_46 : memref<!tpu.dma_semaphore, #tpu.memory_space<semaphore_mem>>)
      %dma_wait3A_51 = arith.constant 0 : i32
      %dma_wait3A_52 = tpu.memref_slice %arg4[%mul3A_2, %dma_wait3A_51] : memref<8192x256xf32, #tpu.memory_space<hbm>> -> memref<256x256xf32, #tpu.memory_space<hbm>>
      %dma_wait3A_53 = arith.constant 0 : i32
      %dma_wait3A_54 = tpu.memref_slice %arg4[%mul3A_2, %dma_wait3A_53] : memref<8192x256xf32, #tpu.memory_space<hbm>> -> memref<256x256xf32, #tpu.memory_space<hbm>>
      tpu.wait_dma2 semaphore(%run_scoped3A_46 : memref<!tpu.dma_semaphore, #tpu.memory_space<semaphore_mem>>) src(%arg6 : memref<256x256xf32, #tpu.memory_space<vmem>>) dst(%dma_wait3A_54 : memref<256x256xf32, #tpu.memory_space<hbm>>)
      tpu.yield
    }) : () -> ()
    return
  }
}

#map = affine_map<(d0, d1) -> (0, 0)>
#map1 = affine_map<(d0, d1) -> (0)>
module attributes {stable_mosaic.version = 14 : i64} {
  func.func @k(%arg0: i32, %arg1: i32, %arg2: memref<8192x256xf32, #tpu.memory_space<hbm>>, %arg3: memref<8192xi32, #tpu.memory_space<hbm>>, %arg4: memref<8192x256xf32, #tpu.memory_space<hbm>>, %arg5: memref<2x128xi32, #tpu.memory_space<vmem>>, %arg6: memref<256x256xf32, #tpu.memory_space<vmem>>, %arg7: memref<!tpu.dma_semaphore, #tpu.memory_space<semaphore_mem>>) attributes {dimension_semantics = [#tpu.dimension_semantics<core_parallel>, #tpu.dimension_semantics<subcore_parallel>], iteration_bounds = array<i64: 2, 16>, scalar_prefetch = 0 : i64, scratch_operands = 3 : i64, tpu.core_type = #tpu.core_type<sc_vector_subcore>, window_params = [{transform_indices = #map}, {transform_indices = #map1}, {transform_indices = #map}]} {
    %mul3A = arith.constant 2 : i32
    %mul3A_0 = arith.muli %arg1, %mul3A : i32
    %add3A = arith.addi %mul3A_0, %arg0 : i32
    %mul3A_1 = arith.constant 256 : i32
    %mul3A_2 = arith.muli %add3A, %mul3A_1 : i32
    %add3A_3 = arith.constant 0 : i32
    %add3A_4 = arith.addi %mul3A_2, %add3A_3 : i32
    %run_scoped3A = arith.constant 0 : i32
    "tpu.region"() ({
      %run_scoped3A_46 = tpu.sem_alloc : memref<!tpu.dma_semaphore, #tpu.memory_space<semaphore_mem>>
      %dma_start3A_47 = arith.constant 0 : i32
      %dma_start3A_48 = tpu.memref_slice %arg5[%run_scoped3A, %dma_start3A_47] : memref<2x128xi32, #tpu.memory_space<vmem>> -> memref<1x128xi32, #tpu.memory_space<vmem>>
      %dma_start3A_49 = tpu.memref_squeeze %dma_start3A_48 : memref<1x128xi32, #tpu.memory_space<vmem>> -> memref<128xi32, #tpu.memory_space<vmem>>
      %dma_start3A_50 = tpu.memref_slice %arg3[%add3A_4] : memref<8192xi32, #tpu.memory_space<hbm>> -> memref<128xi32, #tpu.memory_space<hbm>>
      %dma_start3A_51 = arith.constant 0 : i32
      %dma_start3A_52 = tpu.memref_slice %arg5[%run_scoped3A, %dma_start3A_51] : memref<2x128xi32, #tpu.memory_space<vmem>> -> memref<1x128xi32, #tpu.memory_space<vmem>>
      %dma_start3A_53 = tpu.memref_squeeze %dma_start3A_52 : memref<1x128xi32, #tpu.memory_space<vmem>> -> memref<128xi32, #tpu.memory_space<vmem>>
      %dma_start3A_54 = tpu.memref_slice %arg3[%add3A_4] : memref<8192xi32, #tpu.memory_space<hbm>> -> memref<128xi32, #tpu.memory_space<hbm>>
      tpu.enqueue_dma source(%dma_start3A_54 : memref<128xi32, #tpu.memory_space<hbm>>) target(%dma_start3A_53 : memref<128xi32, #tpu.memory_space<vmem>>) target_semaphore(%run_scoped3A_46 : memref<!tpu.dma_semaphore, #tpu.memory_space<semaphore_mem>>)
      %dma_wait3A_55 = arith.constant 0 : i32
      %dma_wait3A_56 = tpu.memref_slice %arg5[%run_scoped3A, %dma_wait3A_55] : memref<2x128xi32, #tpu.memory_space<vmem>> -> memref<1x128xi32, #tpu.memory_space<vmem>>
      %dma_wait3A_57 = tpu.memref_squeeze %dma_wait3A_56 : memref<1x128xi32, #tpu.memory_space<vmem>> -> memref<128xi32, #tpu.memory_space<vmem>>
      %dma_wait3A_58 = tpu.memref_slice %arg3[%add3A_4] : memref<8192xi32, #tpu.memory_space<hbm>> -> memref<128xi32, #tpu.memory_space<hbm>>
      %dma_wait3A_59 = arith.constant 0 : i32
      %dma_wait3A_60 = tpu.memref_slice %arg5[%run_scoped3A, %dma_wait3A_59] : memref<2x128xi32, #tpu.memory_space<vmem>> -> memref<1x128xi32, #tpu.memory_space<vmem>>
      %dma_wait3A_61 = tpu.memref_squeeze %dma_wait3A_60 : memref<1x128xi32, #tpu.memory_space<vmem>> -> memref<128xi32, #tpu.memory_space<vmem>>
      %dma_wait3A_62 = tpu.memref_slice %arg3[%add3A_4] : memref<8192xi32, #tpu.memory_space<hbm>> -> memref<128xi32, #tpu.memory_space<hbm>>
      tpu.wait_dma2 semaphore(%run_scoped3A_46 : memref<!tpu.dma_semaphore, #tpu.memory_space<semaphore_mem>>) src(%dma_wait3A_62 : memref<128xi32, #tpu.memory_space<hbm>>) dst(%dma_wait3A_61 : memref<128xi32, #tpu.memory_space<vmem>>)
      tpu.yield
    }) : () -> ()
    %add3A_5 = arith.constant 128 : i32
    %add3A_6 = arith.addi %mul3A_2, %add3A_5 : i32
    %run_scoped3A_7 = arith.constant 1 : i32
    "tpu.region"() ({
      %run_scoped3A_46 = tpu.sem_alloc : memref<!tpu.dma_semaphore, #tpu.memory_space<semaphore_mem>>
      %dma_start3A_47 = arith.constant 0 : i32
      %dma_start3A_48 = tpu.memref_slice %arg5[%run_scoped3A_7, %dma_start3A_47] : memref<2x128xi32, #tpu.memory_space<vmem>> -> memref<1x128xi32, #tpu.memory_space<vmem>>
      %dma_start3A_49 = tpu.memref_squeeze %dma_start3A_48 : memref<1x128xi32, #tpu.memory_space<vmem>> -> memref<128xi32, #tpu.memory_space<vmem>>
      %dma_start3A_50 = tpu.memref_slice %arg3[%add3A_6] : memref<8192xi32, #tpu.memory_space<hbm>> -> memref<128xi32, #tpu.memory_space<hbm>>
      %dma_start3A_51 = arith.constant 0 : i32
      %dma_start3A_52 = tpu.memref_slice %arg5[%run_scoped3A_7, %dma_start3A_51] : memref<2x128xi32, #tpu.memory_space<vmem>> -> memref<1x128xi32, #tpu.memory_space<vmem>>
      %dma_start3A_53 = tpu.memref_squeeze %dma_start3A_52 : memref<1x128xi32, #tpu.memory_space<vmem>> -> memref<128xi32, #tpu.memory_space<vmem>>
      %dma_start3A_54 = tpu.memref_slice %arg3[%add3A_6] : memref<8192xi32, #tpu.memory_space<hbm>> -> memref<128xi32, #tpu.memory_space<hbm>>
      tpu.enqueue_dma source(%dma_start3A_54 : memref<128xi32, #tpu.memory_space<hbm>>) target(%dma_start3A_53 : memref<128xi32, #tpu.memory_space<vmem>>) target_semaphore(%run_scoped3A_46 : memref<!tpu.dma_semaphore, #tpu.memory_space<semaphore_mem>>)
      %dma_wait3A_55 = arith.constant 0 : i32
      %dma_wait3A_56 = tpu.memref_slice %arg5[%run_scoped3A_7, %dma_wait3A_55] : memref<2x128xi32, #tpu.memory_space<vmem>> -> memref<1x128xi32, #tpu.memory_space<vmem>>
      %dma_wait3A_57 = tpu.memref_squeeze %dma_wait3A_56 : memref<1x128xi32, #tpu.memory_space<vmem>> -> memref<128xi32, #tpu.memory_space<vmem>>
      %dma_wait3A_58 = tpu.memref_slice %arg3[%add3A_6] : memref<8192xi32, #tpu.memory_space<hbm>> -> memref<128xi32, #tpu.memory_space<hbm>>
      %dma_wait3A_59 = arith.constant 0 : i32
      %dma_wait3A_60 = tpu.memref_slice %arg5[%run_scoped3A_7, %dma_wait3A_59] : memref<2x128xi32, #tpu.memory_space<vmem>> -> memref<1x128xi32, #tpu.memory_space<vmem>>
      %dma_wait3A_61 = tpu.memref_squeeze %dma_wait3A_60 : memref<1x128xi32, #tpu.memory_space<vmem>> -> memref<128xi32, #tpu.memory_space<vmem>>
      %dma_wait3A_62 = tpu.memref_slice %arg3[%add3A_6] : memref<8192xi32, #tpu.memory_space<hbm>> -> memref<128xi32, #tpu.memory_space<hbm>>
      tpu.wait_dma2 semaphore(%run_scoped3A_46 : memref<!tpu.dma_semaphore, #tpu.memory_space<semaphore_mem>>) src(%dma_wait3A_62 : memref<128xi32, #tpu.memory_space<hbm>>) dst(%dma_wait3A_61 : memref<128xi32, #tpu.memory_space<vmem>>)
      tpu.yield
    }) : () -> ()
    %dma_start3A = arith.constant 0 : i32
    %dma_start3A_8 = arith.constant 0 : i32
    %dma_start3A_9 = arith.constant 0 : i32
    %dma_start3A_10 = tpu.memref_slice %arg6[%dma_start3A_8, %dma_start3A_9] : memref<256x256xf32, #tpu.memory_space<vmem>> -> memref<128x256xf32, #tpu.memory_space<vmem>>
    %dma_start3A_11 = arith.constant 0 : i32
    %dma_start3A_12 = tpu.memref_slice %arg5[%dma_start3A, %dma_start3A_11] : memref<2x128xi32, #tpu.memory_space<vmem>> -> memref<1x128xi32, #tpu.memory_space<vmem>>
    %dma_start3A_13 = tpu.memref_squeeze %dma_start3A_12 : memref<1x128xi32, #tpu.memory_space<vmem>> -> memref<128xi32, #tpu.memory_space<vmem>>
    %dma_start3A_14 = arith.constant 0 : i32
    %dma_start3A_15 = arith.constant 0 : i32
    %dma_start3A_16 = tpu.memref_slice %arg2[%dma_start3A_14, %dma_start3A_15] : memref<8192x256xf32, #tpu.memory_space<hbm>> -> memref<8192x256xf32, #tpu.memory_space<hbm>>
    tpu.enqueue_indirect_dma source(%dma_start3A_16 : memref<8192x256xf32, #tpu.memory_space<hbm>>) target(%dma_start3A_10 : memref<128x256xf32, #tpu.memory_space<vmem>>) offsets(%dma_start3A_13 : memref<128xi32, #tpu.memory_space<vmem>>) semaphore(%arg7 : memref<!tpu.dma_semaphore, #tpu.memory_space<semaphore_mem>>)
    %dma_start3A_17 = arith.constant 1 : i32
    %dma_start3A_18 = arith.constant 128 : i32
    %dma_start3A_19 = arith.constant 0 : i32
    %dma_start3A_20 = tpu.memref_slice %arg6[%dma_start3A_18, %dma_start3A_19] : memref<256x256xf32, #tpu.memory_space<vmem>> -> memref<128x256xf32, #tpu.memory_space<vmem>>
    %dma_start3A_21 = arith.constant 0 : i32
    %dma_start3A_22 = tpu.memref_slice %arg5[%dma_start3A_17, %dma_start3A_21] : memref<2x128xi32, #tpu.memory_space<vmem>> -> memref<1x128xi32, #tpu.memory_space<vmem>>
    %dma_start3A_23 = tpu.memref_squeeze %dma_start3A_22 : memref<1x128xi32, #tpu.memory_space<vmem>> -> memref<128xi32, #tpu.memory_space<vmem>>
    %dma_start3A_24 = arith.constant 0 : i32
    %dma_start3A_25 = arith.constant 0 : i32
    %dma_start3A_26 = tpu.memref_slice %arg2[%dma_start3A_24, %dma_start3A_25] : memref<8192x256xf32, #tpu.memory_space<hbm>> -> memref<8192x256xf32, #tpu.memory_space<hbm>>
    tpu.enqueue_indirect_dma source(%dma_start3A_26 : memref<8192x256xf32, #tpu.memory_space<hbm>>) target(%dma_start3A_20 : memref<128x256xf32, #tpu.memory_space<vmem>>) offsets(%dma_start3A_23 : memref<128xi32, #tpu.memory_space<vmem>>) semaphore(%arg7 : memref<!tpu.dma_semaphore, #tpu.memory_space<semaphore_mem>>)
    %dma_wait3A = arith.constant 0 : i32
    %dma_wait3A_27 = arith.constant 0 : i32
    %dma_wait3A_28 = arith.constant 0 : i32
    %dma_wait3A_29 = tpu.memref_slice %arg6[%dma_wait3A_27, %dma_wait3A_28] : memref<256x256xf32, #tpu.memory_space<vmem>> -> memref<128x256xf32, #tpu.memory_space<vmem>>
    %dma_wait3A_30 = arith.constant 0 : i32
    %dma_wait3A_31 = tpu.memref_slice %arg5[%dma_wait3A, %dma_wait3A_30] : memref<2x128xi32, #tpu.memory_space<vmem>> -> memref<1x128xi32, #tpu.memory_space<vmem>>
    %dma_wait3A_32 = tpu.memref_squeeze %dma_wait3A_31 : memref<1x128xi32, #tpu.memory_space<vmem>> -> memref<128xi32, #tpu.memory_space<vmem>>
    %dma_wait3A_33 = arith.constant 0 : i32
    %dma_wait3A_34 = arith.constant 0 : i32
    %dma_wait3A_35 = tpu.memref_slice %arg2[%dma_wait3A_33, %dma_wait3A_34] : memref<8192x256xf32, #tpu.memory_space<hbm>> -> memref<8192x256xf32, #tpu.memory_space<hbm>>
    tpu.wait_indirect_dma semaphore(%arg7 : memref<!tpu.dma_semaphore, #tpu.memory_space<semaphore_mem>>) src(%dma_wait3A_35 : memref<8192x256xf32, #tpu.memory_space<hbm>>) dst(%dma_wait3A_29 : memref<128x256xf32, #tpu.memory_space<vmem>>)
    %dma_wait3A_36 = arith.constant 1 : i32
    %dma_wait3A_37 = arith.constant 128 : i32
    %dma_wait3A_38 = arith.constant 0 : i32
    %dma_wait3A_39 = tpu.memref_slice %arg6[%dma_wait3A_37, %dma_wait3A_38] : memref<256x256xf32, #tpu.memory_space<vmem>> -> memref<128x256xf32, #tpu.memory_space<vmem>>
    %dma_wait3A_40 = arith.constant 0 : i32
    %dma_wait3A_41 = tpu.memref_slice %arg5[%dma_wait3A_36, %dma_wait3A_40] : memref<2x128xi32, #tpu.memory_space<vmem>> -> memref<1x128xi32, #tpu.memory_space<vmem>>
    %dma_wait3A_42 = tpu.memref_squeeze %dma_wait3A_41 : memref<1x128xi32, #tpu.memory_space<vmem>> -> memref<128xi32, #tpu.memory_space<vmem>>
    %dma_wait3A_43 = arith.constant 0 : i32
    %dma_wait3A_44 = arith.constant 0 : i32
    %dma_wait3A_45 = tpu.memref_slice %arg2[%dma_wait3A_43, %dma_wait3A_44] : memref<8192x256xf32, #tpu.memory_space<hbm>> -> memref<8192x256xf32, #tpu.memory_space<hbm>>
    tpu.wait_indirect_dma semaphore(%arg7 : memref<!tpu.dma_semaphore, #tpu.memory_space<semaphore_mem>>) src(%dma_wait3A_45 : memref<8192x256xf32, #tpu.memory_space<hbm>>) dst(%dma_wait3A_39 : memref<128x256xf32, #tpu.memory_space<vmem>>)
    "tpu.region"() ({
      %run_scoped3A_46 = tpu.sem_alloc : memref<!tpu.dma_semaphore, #tpu.memory_space<semaphore_mem>>
      %dma_start3A_47 = arith.constant 0 : i32
      %dma_start3A_48 = tpu.memref_slice %arg4[%mul3A_2, %dma_start3A_47] : memref<8192x256xf32, #tpu.memory_space<hbm>> -> memref<256x256xf32, #tpu.memory_space<hbm>>
      %dma_start3A_49 = arith.constant 0 : i32
      %dma_start3A_50 = tpu.memref_slice %arg4[%mul3A_2, %dma_start3A_49] : memref<8192x256xf32, #tpu.memory_space<hbm>> -> memref<256x256xf32, #tpu.memory_space<hbm>>
      tpu.enqueue_dma source(%arg6 : memref<256x256xf32, #tpu.memory_space<vmem>>) target(%dma_start3A_50 : memref<256x256xf32, #tpu.memory_space<hbm>>) target_semaphore(%run_scoped3A_46 : memref<!tpu.dma_semaphore, #tpu.memory_space<semaphore_mem>>)
      %dma_wait3A_51 = arith.constant 0 : i32
      %dma_wait3A_52 = tpu.memref_slice %arg4[%mul3A_2, %dma_wait3A_51] : memref<8192x256xf32, #tpu.memory_space<hbm>> -> memref<256x256xf32, #tpu.memory_space<hbm>>
      %dma_wait3A_53 = arith.constant 0 : i32
      %dma_wait3A_54 = tpu.memref_slice %arg4[%mul3A_2, %dma_wait3A_53] : memref<8192x256xf32, #tpu.memory_space<hbm>> -> memref<256x256xf32, #tpu.memory_space<hbm>>
      tpu.wait_dma2 semaphore(%run_scoped3A_46 : memref<!tpu.dma_semaphore, #tpu.memory_space<semaphore_mem>>) src(%arg6 : memref<256x256xf32, #tpu.memory_space<vmem>>) dst(%dma_wait3A_54 : memref<256x256xf32, #tpu.memory_space<hbm>>)
      tpu.yield
    }) : () -> ()
    return
  }
}

#map = affine_map<(d0, d1) -> (0, 0)>
#map1 = affine_map<(d0, d1) -> (0)>
module attributes {stable_mosaic.version = 14 : i64} {
  func.func @k(%arg0: i32, %arg1: i32, %arg2: memref<8192x256xf32, #tpu.memory_space<hbm>>, %arg3: memref<8192xi32, #tpu.memory_space<hbm>>, %arg4: memref<8192x256xf32, #tpu.memory_space<hbm>>, %arg5: memref<2x128xi32, #tpu.memory_space<vmem>>, %arg6: memref<256x256xf32, #tpu.memory_space<vmem>>, %arg7: memref<!tpu.dma_semaphore, #tpu.memory_space<semaphore_mem>>) attributes {dimension_semantics = [#tpu.dimension_semantics<core_parallel>, #tpu.dimension_semantics<subcore_parallel>], iteration_bounds = array<i64: 2, 16>, scalar_prefetch = 0 : i64, scratch_operands = 3 : i64, tpu.core_type = #tpu.core_type<sc_vector_subcore>, window_params = [{transform_indices = #map}, {transform_indices = #map1}, {transform_indices = #map}]} {
    %mul3A = arith.constant 2 : i32
    %mul3A_0 = arith.muli %arg1, %mul3A : i32
    %add3A = arith.addi %mul3A_0, %arg0 : i32
    %mul3A_1 = arith.constant 256 : i32
    %mul3A_2 = arith.muli %add3A, %mul3A_1 : i32
    %add3A_3 = arith.constant 0 : i32
    %add3A_4 = arith.addi %mul3A_2, %add3A_3 : i32
    %run_scoped3A = arith.constant 0 : i32
    "tpu.region"() ({
      %run_scoped3A_46 = tpu.sem_alloc : memref<!tpu.dma_semaphore, #tpu.memory_space<semaphore_mem>>
      %dma_start3A_47 = arith.constant 0 : i32
      %dma_start3A_48 = tpu.memref_slice %arg5[%run_scoped3A, %dma_start3A_47] : memref<2x128xi32, #tpu.memory_space<vmem>> -> memref<1x128xi32, #tpu.memory_space<vmem>>
      %dma_start3A_49 = tpu.memref_squeeze %dma_start3A_48 : memref<1x128xi32, #tpu.memory_space<vmem>> -> memref<128xi32, #tpu.memory_space<vmem>>
      %dma_start3A_50 = tpu.memref_slice %arg3[%add3A_4] : memref<8192xi32, #tpu.memory_space<hbm>> -> memref<128xi32, #tpu.memory_space<hbm>>
      %dma_start3A_51 = arith.constant 0 : i32
      %dma_start3A_52 = tpu.memref_slice %arg5[%run_scoped3A, %dma_start3A_51] : memref<2x128xi32, #tpu.memory_space<vmem>> -> memref<1x128xi32, #tpu.memory_space<vmem>>
      %dma_start3A_53 = tpu.memref_squeeze %dma_start3A_52 : memref<1x128xi32, #tpu.memory_space<vmem>> -> memref<128xi32, #tpu.memory_space<vmem>>
      %dma_start3A_54 = tpu.memref_slice %arg3[%add3A_4] : memref<8192xi32, #tpu.memory_space<hbm>> -> memref<128xi32, #tpu.memory_space<hbm>>
      tpu.enqueue_dma source(%dma_start3A_54 : memref<128xi32, #tpu.memory_space<hbm>>) target(%dma_start3A_53 : memref<128xi32, #tpu.memory_space<vmem>>) target_semaphore(%run_scoped3A_46 : memref<!tpu.dma_semaphore, #tpu.memory_space<semaphore_mem>>)
      %dma_wait3A_55 = arith.constant 0 : i32
      %dma_wait3A_56 = tpu.memref_slice %arg5[%run_scoped3A, %dma_wait3A_55] : memref<2x128xi32, #tpu.memory_space<vmem>> -> memref<1x128xi32, #tpu.memory_space<vmem>>
      %dma_wait3A_57 = tpu.memref_squeeze %dma_wait3A_56 : memref<1x128xi32, #tpu.memory_space<vmem>> -> memref<128xi32, #tpu.memory_space<vmem>>
      %dma_wait3A_58 = tpu.memref_slice %arg3[%add3A_4] : memref<8192xi32, #tpu.memory_space<hbm>> -> memref<128xi32, #tpu.memory_space<hbm>>
      %dma_wait3A_59 = arith.constant 0 : i32
      %dma_wait3A_60 = tpu.memref_slice %arg5[%run_scoped3A, %dma_wait3A_59] : memref<2x128xi32, #tpu.memory_space<vmem>> -> memref<1x128xi32, #tpu.memory_space<vmem>>
      %dma_wait3A_61 = tpu.memref_squeeze %dma_wait3A_60 : memref<1x128xi32, #tpu.memory_space<vmem>> -> memref<128xi32, #tpu.memory_space<vmem>>
      %dma_wait3A_62 = tpu.memref_slice %arg3[%add3A_4] : memref<8192xi32, #tpu.memory_space<hbm>> -> memref<128xi32, #tpu.memory_space<hbm>>
      tpu.wait_dma2 semaphore(%run_scoped3A_46 : memref<!tpu.dma_semaphore, #tpu.memory_space<semaphore_mem>>) src(%dma_wait3A_62 : memref<128xi32, #tpu.memory_space<hbm>>) dst(%dma_wait3A_61 : memref<128xi32, #tpu.memory_space<vmem>>)
      tpu.yield
    }) : () -> ()
    %add3A_5 = arith.constant 128 : i32
    %add3A_6 = arith.addi %mul3A_2, %add3A_5 : i32
    %run_scoped3A_7 = arith.constant 1 : i32
    "tpu.region"() ({
      %run_scoped3A_46 = tpu.sem_alloc : memref<!tpu.dma_semaphore, #tpu.memory_space<semaphore_mem>>
      %dma_start3A_47 = arith.constant 0 : i32
      %dma_start3A_48 = tpu.memref_slice %arg5[%run_scoped3A_7, %dma_start3A_47] : memref<2x128xi32, #tpu.memory_space<vmem>> -> memref<1x128xi32, #tpu.memory_space<vmem>>
      %dma_start3A_49 = tpu.memref_squeeze %dma_start3A_48 : memref<1x128xi32, #tpu.memory_space<vmem>> -> memref<128xi32, #tpu.memory_space<vmem>>
      %dma_start3A_50 = tpu.memref_slice %arg3[%add3A_6] : memref<8192xi32, #tpu.memory_space<hbm>> -> memref<128xi32, #tpu.memory_space<hbm>>
      %dma_start3A_51 = arith.constant 0 : i32
      %dma_start3A_52 = tpu.memref_slice %arg5[%run_scoped3A_7, %dma_start3A_51] : memref<2x128xi32, #tpu.memory_space<vmem>> -> memref<1x128xi32, #tpu.memory_space<vmem>>
      %dma_start3A_53 = tpu.memref_squeeze %dma_start3A_52 : memref<1x128xi32, #tpu.memory_space<vmem>> -> memref<128xi32, #tpu.memory_space<vmem>>
      %dma_start3A_54 = tpu.memref_slice %arg3[%add3A_6] : memref<8192xi32, #tpu.memory_space<hbm>> -> memref<128xi32, #tpu.memory_space<hbm>>
      tpu.enqueue_dma source(%dma_start3A_54 : memref<128xi32, #tpu.memory_space<hbm>>) target(%dma_start3A_53 : memref<128xi32, #tpu.memory_space<vmem>>) target_semaphore(%run_scoped3A_46 : memref<!tpu.dma_semaphore, #tpu.memory_space<semaphore_mem>>)
      %dma_wait3A_55 = arith.constant 0 : i32
      %dma_wait3A_56 = tpu.memref_slice %arg5[%run_scoped3A_7, %dma_wait3A_55] : memref<2x128xi32, #tpu.memory_space<vmem>> -> memref<1x128xi32, #tpu.memory_space<vmem>>
      %dma_wait3A_57 = tpu.memref_squeeze %dma_wait3A_56 : memref<1x128xi32, #tpu.memory_space<vmem>> -> memref<128xi32, #tpu.memory_space<vmem>>
      %dma_wait3A_58 = tpu.memref_slice %arg3[%add3A_6] : memref<8192xi32, #tpu.memory_space<hbm>> -> memref<128xi32, #tpu.memory_space<hbm>>
      %dma_wait3A_59 = arith.constant 0 : i32
      %dma_wait3A_60 = tpu.memref_slice %arg5[%run_scoped3A_7, %dma_wait3A_59] : memref<2x128xi32, #tpu.memory_space<vmem>> -> memref<1x128xi32, #tpu.memory_space<vmem>>
      %dma_wait3A_61 = tpu.memref_squeeze %dma_wait3A_60 : memref<1x128xi32, #tpu.memory_space<vmem>> -> memref<128xi32, #tpu.memory_space<vmem>>
      %dma_wait3A_62 = tpu.memref_slice %arg3[%add3A_6] : memref<8192xi32, #tpu.memory_space<hbm>> -> memref<128xi32, #tpu.memory_space<hbm>>
      tpu.wait_dma2 semaphore(%run_scoped3A_46 : memref<!tpu.dma_semaphore, #tpu.memory_space<semaphore_mem>>) src(%dma_wait3A_62 : memref<128xi32, #tpu.memory_space<hbm>>) dst(%dma_wait3A_61 : memref<128xi32, #tpu.memory_space<vmem>>)
      tpu.yield
    }) : () -> ()
    %dma_start3A = arith.constant 0 : i32
    %dma_start3A_8 = arith.constant 0 : i32
    %dma_start3A_9 = arith.constant 0 : i32
    %dma_start3A_10 = tpu.memref_slice %arg6[%dma_start3A_8, %dma_start3A_9] : memref<256x256xf32, #tpu.memory_space<vmem>> -> memref<128x256xf32, #tpu.memory_space<vmem>>
    %dma_start3A_11 = arith.constant 0 : i32
    %dma_start3A_12 = tpu.memref_slice %arg5[%dma_start3A, %dma_start3A_11] : memref<2x128xi32, #tpu.memory_space<vmem>> -> memref<1x128xi32, #tpu.memory_space<vmem>>
    %dma_start3A_13 = tpu.memref_squeeze %dma_start3A_12 : memref<1x128xi32, #tpu.memory_space<vmem>> -> memref<128xi32, #tpu.memory_space<vmem>>
    %dma_start3A_14 = arith.constant 0 : i32
    %dma_start3A_15 = arith.constant 0 : i32
    %dma_start3A_16 = tpu.memref_slice %arg2[%dma_start3A_14, %dma_start3A_15] : memref<8192x256xf32, #tpu.memory_space<hbm>> -> memref<8192x256xf32, #tpu.memory_space<hbm>>
    tpu.enqueue_indirect_dma source(%dma_start3A_16 : memref<8192x256xf32, #tpu.memory_space<hbm>>) target(%dma_start3A_10 : memref<128x256xf32, #tpu.memory_space<vmem>>) offsets(%dma_start3A_13 : memref<128xi32, #tpu.memory_space<vmem>>) semaphore(%arg7 : memref<!tpu.dma_semaphore, #tpu.memory_space<semaphore_mem>>)
    %dma_start3A_17 = arith.constant 1 : i32
    %dma_start3A_18 = arith.constant 128 : i32
    %dma_start3A_19 = arith.constant 0 : i32
    %dma_start3A_20 = tpu.memref_slice %arg6[%dma_start3A_18, %dma_start3A_19] : memref<256x256xf32, #tpu.memory_space<vmem>> -> memref<128x256xf32, #tpu.memory_space<vmem>>
    %dma_start3A_21 = arith.constant 0 : i32
    %dma_start3A_22 = tpu.memref_slice %arg5[%dma_start3A_17, %dma_start3A_21] : memref<2x128xi32, #tpu.memory_space<vmem>> -> memref<1x128xi32, #tpu.memory_space<vmem>>
    %dma_start3A_23 = tpu.memref_squeeze %dma_start3A_22 : memref<1x128xi32, #tpu.memory_space<vmem>> -> memref<128xi32, #tpu.memory_space<vmem>>
    %dma_start3A_24 = arith.constant 0 : i32
    %dma_start3A_25 = arith.constant 0 : i32
    %dma_start3A_26 = tpu.memref_slice %arg2[%dma_start3A_24, %dma_start3A_25] : memref<8192x256xf32, #tpu.memory_space<hbm>> -> memref<8192x256xf32, #tpu.memory_space<hbm>>
    tpu.enqueue_indirect_dma source(%dma_start3A_26 : memref<8192x256xf32, #tpu.memory_space<hbm>>) target(%dma_start3A_20 : memref<128x256xf32, #tpu.memory_space<vmem>>) offsets(%dma_start3A_23 : memref<128xi32, #tpu.memory_space<vmem>>) semaphore(%arg7 : memref<!tpu.dma_semaphore, #tpu.memory_space<semaphore_mem>>)
    %dma_wait3A = arith.constant 0 : i32
    %dma_wait3A_27 = arith.constant 0 : i32
    %dma_wait3A_28 = arith.constant 0 : i32
    %dma_wait3A_29 = tpu.memref_slice %arg6[%dma_wait3A_27, %dma_wait3A_28] : memref<256x256xf32, #tpu.memory_space<vmem>> -> memref<128x256xf32, #tpu.memory_space<vmem>>
    %dma_wait3A_30 = arith.constant 0 : i32
    %dma_wait3A_31 = tpu.memref_slice %arg5[%dma_wait3A, %dma_wait3A_30] : memref<2x128xi32, #tpu.memory_space<vmem>> -> memref<1x128xi32, #tpu.memory_space<vmem>>
    %dma_wait3A_32 = tpu.memref_squeeze %dma_wait3A_31 : memref<1x128xi32, #tpu.memory_space<vmem>> -> memref<128xi32, #tpu.memory_space<vmem>>
    %dma_wait3A_33 = arith.constant 0 : i32
    %dma_wait3A_34 = arith.constant 0 : i32
    %dma_wait3A_35 = tpu.memref_slice %arg2[%dma_wait3A_33, %dma_wait3A_34] : memref<8192x256xf32, #tpu.memory_space<hbm>> -> memref<8192x256xf32, #tpu.memory_space<hbm>>
    tpu.wait_indirect_dma semaphore(%arg7 : memref<!tpu.dma_semaphore, #tpu.memory_space<semaphore_mem>>) src(%dma_wait3A_35 : memref<8192x256xf32, #tpu.memory_space<hbm>>) dst(%dma_wait3A_29 : memref<128x256xf32, #tpu.memory_space<vmem>>)
    %dma_wait3A_36 = arith.constant 1 : i32
    %dma_wait3A_37 = arith.constant 128 : i32
    %dma_wait3A_38 = arith.constant 0 : i32
    %dma_wait3A_39 = tpu.memref_slice %arg6[%dma_wait3A_37, %dma_wait3A_38] : memref<256x256xf32, #tpu.memory_space<vmem>> -> memref<128x256xf32, #tpu.memory_space<vmem>>
    %dma_wait3A_40 = arith.constant 0 : i32
    %dma_wait3A_41 = tpu.memref_slice %arg5[%dma_wait3A_36, %dma_wait3A_40] : memref<2x128xi32, #tpu.memory_space<vmem>> -> memref<1x128xi32, #tpu.memory_space<vmem>>
    %dma_wait3A_42 = tpu.memref_squeeze %dma_wait3A_41 : memref<1x128xi32, #tpu.memory_space<vmem>> -> memref<128xi32, #tpu.memory_space<vmem>>
    %dma_wait3A_43 = arith.constant 0 : i32
    %dma_wait3A_44 = arith.constant 0 : i32
    %dma_wait3A_45 = tpu.memref_slice %arg2[%dma_wait3A_43, %dma_wait3A_44] : memref<8192x256xf32, #tpu.memory_space<hbm>> -> memref<8192x256xf32, #tpu.memory_space<hbm>>
    tpu.wait_indirect_dma semaphore(%arg7 : memref<!tpu.dma_semaphore, #tpu.memory_space<semaphore_mem>>) src(%dma_wait3A_45 : memref<8192x256xf32, #tpu.memory_space<hbm>>) dst(%dma_wait3A_39 : memref<128x256xf32, #tpu.memory_space<vmem>>)
    "tpu.region"() ({
      %run_scoped3A_46 = tpu.sem_alloc : memref<!tpu.dma_semaphore, #tpu.memory_space<semaphore_mem>>
      %dma_start3A_47 = arith.constant 0 : i32
      %dma_start3A_48 = tpu.memref_slice %arg4[%mul3A_2, %dma_start3A_47] : memref<8192x256xf32, #tpu.memory_space<hbm>> -> memref<256x256xf32, #tpu.memory_space<hbm>>
      %dma_start3A_49 = arith.constant 0 : i32
      %dma_start3A_50 = tpu.memref_slice %arg4[%mul3A_2, %dma_start3A_49] : memref<8192x256xf32, #tpu.memory_space<hbm>> -> memref<256x256xf32, #tpu.memory_space<hbm>>
      tpu.enqueue_dma source(%arg6 : memref<256x256xf32, #tpu.memory_space<vmem>>) target(%dma_start3A_50 : memref<256x256xf32, #tpu.memory_space<hbm>>) target_semaphore(%run_scoped3A_46 : memref<!tpu.dma_semaphore, #tpu.memory_space<semaphore_mem>>)
      %dma_wait3A_51 = arith.constant 0 : i32
      %dma_wait3A_52 = tpu.memref_slice %arg4[%mul3A_2, %dma_wait3A_51] : memref<8192x256xf32, #tpu.memory_space<hbm>> -> memref<256x256xf32, #tpu.memory_space<hbm>>
      %dma_wait3A_53 = arith.constant 0 : i32
      %dma_wait3A_54 = tpu.memref_slice %arg4[%mul3A_2, %dma_wait3A_53] : memref<8192x256xf32, #tpu.memory_space<hbm>> -> memref<256x256xf32, #tpu.memory_space<hbm>>
      tpu.wait_dma2 semaphore(%run_scoped3A_46 : memref<!tpu.dma_semaphore, #tpu.memory_space<semaphore_mem>>) src(%arg6 : memref<256x256xf32, #tpu.memory_space<vmem>>) dst(%dma_wait3A_54 : memref<256x256xf32, #tpu.memory_space<hbm>>)
      tpu.yield
    }) : () -> ()
    return
  }
}

module attributes {stable_mosaic.version = 14 : i64} {
  func.func @_argmin0_body(%arg0: i32, %arg1: i32, %arg2: memref<512x256xf32, #tpu.memory_space<vmem>>, %arg3: memref<256x4096xf32, #tpu.memory_space<vmem>>, %arg4: memref<512x1xi32, #tpu.memory_space<vmem>>, %arg5: memref<512x1xf32, #tpu.memory_space<vmem>>, %arg6: memref<512x1xi32, #tpu.memory_space<vmem>>) attributes {dimension_semantics = [#tpu.dimension_semantics<arbitrary>, #tpu.dimension_semantics<arbitrary>], iteration_bounds = array<i64: 16, 2>, scalar_prefetch = 0 : i64, scratch_operands = 2 : i64, tpu.core_type = #tpu.core_type<tc>, window_params = [{transform_indices = @transform_0, window_bounds = array<i64: 512, 256>}, {transform_indices = @transform_1, window_bounds = array<i64: 256, 4096>}, {transform_indices = @transform_2, window_bounds = array<i64: 512, 1>}]} {
    %get3A = arith.constant 0 : index
    %get3A_0 = arith.constant 0 : index
    %get3A_1 = vector.load %arg2[%get3A, %get3A_0] : memref<512x256xf32, #tpu.memory_space<vmem>>, vector<512x256xf32>
    %get3A_2 = arith.constant 0 : index
    %get3A_3 = arith.constant 0 : index
    %get3A_4 = vector.load %arg3[%get3A_2, %get3A_3] : memref<256x4096xf32, #tpu.memory_space<vmem>>, vector<256x4096xf32>
    %dot_general3A = arith.constant dense<0.000000e+00> : vector<512x4096xf32>
    %dot_general3A_5 = tpu.matmul %get3A_1, %get3A_4, %dot_general3A {dimension_numbers = #tpu.dot_dimension_numbers<[1], [0], [0], [1], [0, 0, 1, 1], [], []>, transpose_lhs_hint = false} : vector<512x256xf32>, vector<256x4096xf32>, vector<512x4096xf32> -> vector<512x4096xf32>
    %mul3A = arith.mulf %get3A_4, %get3A_4 : vector<256x4096xf32>
    %reduce_sum3A = arith.constant dense<0.000000e+00> : vector<4096xf32>
    %reduce_sum3A_6 = vector.multi_reduction <add>, %mul3A, %reduce_sum3A [0] : vector<256x4096xf32> to vector<4096xf32>
    %broadcast_in_dim3A = vector.shape_cast %reduce_sum3A_6 : vector<4096xf32> to vector<1x4096xf32>
    %mul3A_7 = arith.mulf %get3A_1, %get3A_1 : vector<512x256xf32>
    %reduce_sum3A_8 = arith.constant dense<0.000000e+00> : vector<512xf32>
    %reduce_sum3A_9 = vector.multi_reduction <add>, %mul3A_7, %reduce_sum3A_8 [1] : vector<512x256xf32> to vector<512xf32>
    %broadcast_in_dim3A_10 = vector.shape_cast %reduce_sum3A_9 : vector<512xf32> to vector<512x1xf32>
    %add3A = vector.broadcast %broadcast_in_dim3A_10 : vector<512x1xf32> to vector<512x4096xf32>
    %add3A_11 = vector.broadcast %broadcast_in_dim3A : vector<1x4096xf32> to vector<512x4096xf32>
    %add3A_12 = arith.addf %add3A, %add3A_11 : vector<512x4096xf32>
    %mul3A_13 = arith.constant 2.000000e+00 : f32
    %mul3A_14 = vector.broadcast %mul3A_13 : f32 to vector<512x4096xf32>
    %mul3A_15 = arith.mulf %mul3A_14, %dot_general3A_5 : vector<512x4096xf32>
    %sub3A = arith.subf %add3A_12, %mul3A_15 : vector<512x4096xf32>
    %reduce_min3A = arith.constant dense<0x7F800000> : vector<512xf32>
    %reduce_min3A_16 = vector.multi_reduction <minimumf>, %sub3A, %reduce_min3A [1] : vector<512x4096xf32> to vector<512xf32>
    %broadcast_in_dim3A_17 = vector.shape_cast %reduce_min3A_16 : vector<512xf32> to vector<512x1xf32>
    %iota3A = tpu.iota {dimensions = array<i32: 1>} : vector<512x4096xi32>
    %eq3A = vector.broadcast %broadcast_in_dim3A_17 : vector<512x1xf32> to vector<512x4096xf32>
    %eq3A_18 = arith.cmpf oeq, %sub3A, %eq3A : vector<512x4096xf32>
    %jit3A = arith.constant 1073741824 : i32
    %broadcast_in_dim3A_19 = vector.broadcast %jit3A : i32 to vector<512x4096xi32>
    %select_n3A = arith.select %eq3A_18, %iota3A, %broadcast_in_dim3A_19 : vector<512x4096xi1>, vector<512x4096xi32>
    %reduce_min3A_20 = arith.constant dense<2147483647> : vector<512xi32>
    %reduce_min3A_21 = vector.multi_reduction <minsi>, %select_n3A, %reduce_min3A_20 [1] : vector<512x4096xi32> to vector<512xi32>
    %broadcast_in_dim3A_22 = vector.shape_cast %reduce_min3A_21 : vector<512xi32> to vector<512x1xi32>
    %mul3A_23 = arith.constant 4096 : i32
    %mul3A_24 = arith.muli %arg1, %mul3A_23 : i32
    %add3A_25 = vector.broadcast %mul3A_24 : i32 to vector<512x1xi32>
    %add3A_26 = arith.addi %broadcast_in_dim3A_22, %add3A_25 : vector<512x1xi32>
    %eq3A_27 = arith.constant 0 : i32
    %eq3A_28 = arith.cmpi eq, %arg1, %eq3A_27 : i32
    %convert_element_type3A = arith.extui %eq3A_28 : i1 to i32
    %cond3A = arith.constant 0 : i32
    %cond3A_29 = arith.cmpi ne, %convert_element_type3A, %cond3A : i32
    scf.if %cond3A_29 {
      %swap3A = arith.constant 0 : index
      %swap3A_39 = arith.constant 0 : index
      %swap3A_40 = vector.load %arg5[%swap3A, %swap3A_39] : memref<512x1xf32, #tpu.memory_space<vmem>>, vector<512x1xf32>
      tpu.vector_store %arg5[%swap3A, %swap3A_39], %broadcast_in_dim3A_17 {strides = array<i32>} : memref<512x1xf32, #tpu.memory_space<vmem>>, vector<512x1xf32>,
      %swap3A_41 = arith.constant 0 : index
      %swap3A_42 = arith.constant 0 : index
      %swap3A_43 = vector.load %arg6[%swap3A_41, %swap3A_42] : memref<512x1xi32, #tpu.memory_space<vmem>>, vector<512x1xi32>
      tpu.vector_store %arg6[%swap3A_41, %swap3A_42], %add3A_26 {strides = array<i32>} : memref<512x1xi32, #tpu.memory_space<vmem>>, vector<512x1xi32>,
    } else {
    }
    %gt3A = arith.constant 0 : i32
    %gt3A_30 = arith.cmpi sgt, %arg1, %gt3A : i32
    %convert_element_type3A_31 = arith.extui %gt3A_30 : i1 to i32
    %cond3A_32 = arith.constant 0 : i32
    %cond3A_33 = arith.cmpi ne, %convert_element_type3A_31, %cond3A_32 : i32
    scf.if %cond3A_33 {
      %get3A_39 = arith.constant 0 : index
      %get3A_40 = arith.constant 0 : index
      %get3A_41 = vector.load %arg5[%get3A_39, %get3A_40] : memref<512x1xf32, #tpu.memory_space<vmem>>, vector<512x1xf32>
      %lt3A = arith.cmpf olt, %broadcast_in_dim3A_17, %get3A_41 : vector<512x1xf32>
      %get3A_42 = arith.constant 0 : index
      %get3A_43 = arith.constant 0 : index
      %get3A_44 = vector.load %arg6[%get3A_42, %get3A_43] : memref<512x1xi32, #tpu.memory_space<vmem>>, vector<512x1xi32>
      %select_n3A_45 = arith.select %lt3A, %add3A_26, %get3A_44 : vector<512x1xi1>, vector<512x1xi32>
      %swap3A = arith.constant 0 : index
      %swap3A_46 = arith.constant 0 : index
      %swap3A_47 = vector.load %arg6[%swap3A, %swap3A_46] : memref<512x1xi32, #tpu.memory_space<vmem>>, vector<512x1xi32>
      tpu.vector_store %arg6[%swap3A, %swap3A_46], %select_n3A_45 {strides = array<i32>} : memref<512x1xi32, #tpu.memory_space<vmem>>, vector<512x1xi32>,
      %get3A_48 = arith.constant 0 : index
      %get3A_49 = arith.constant 0 : index
      %get3A_50 = vector.load %arg5[%get3A_48, %get3A_49] : memref<512x1xf32, #tpu.memory_space<vmem>>, vector<512x1xf32>
      %select_n3A_51 = arith.select %lt3A, %broadcast_in_dim3A_17, %get3A_50 : vector<512x1xi1>, vector<512x1xf32>
      %swap3A_52 = arith.constant 0 : index
      %swap3A_53 = arith.constant 0 : index
      %swap3A_54 = vector.load %arg5[%swap3A_52, %swap3A_53] : memref<512x1xf32, #tpu.memory_space<vmem>>, vector<512x1xf32>
      tpu.vector_store %arg5[%swap3A_52, %swap3A_53], %select_n3A_51 {strides = array<i32>} : memref<512x1xf32, #tpu.memory_space<vmem>>, vector<512x1xf32>,
    } else {
    }
    %eq3A_34 = arith.constant 1 : i32
    %eq3A_35 = arith.cmpi eq, %arg1, %eq3A_34 : i32
    %convert_element_type3A_36 = arith.extui %eq3A_35 : i1 to i32
    %cond3A_37 = arith.constant 0 : i32
    %cond3A_38 = arith.cmpi ne, %convert_element_type3A_36, %cond3A_37 : i32
    scf.if %cond3A_38 {
      %get3A_39 = arith.constant 0 : index
      %get3A_40 = arith.constant 0 : index
      %get3A_41 = vector.load %arg6[%get3A_39, %get3A_40] : memref<512x1xi32, #tpu.memory_space<vmem>>, vector<512x1xi32>
      %swap3A = arith.constant 0 : index
      %swap3A_42 = arith.constant 0 : index
      %swap3A_43 = vector.load %arg4[%swap3A, %swap3A_42] : memref<512x1xi32, #tpu.memory_space<vmem>>, vector<512x1xi32>
      tpu.vector_store %arg4[%swap3A, %swap3A_42], %get3A_41 {strides = array<i32>} : memref<512x1xi32, #tpu.memory_space<vmem>>, vector<512x1xi32>,
    } else {
    }
    return
  }
  func.func @transform_0(%arg0: i32, %arg1: i32) -> (i32, i32) {
    %c0_i32 = arith.constant 0 : i32
    %c0_i32_0 = arith.constant 0 : i32
    return %arg0, %c0_i32 : i32, i32
  }
  func.func @transform_1(%arg0: i32, %arg1: i32) -> (i32, i32) {
    %c0_i32 = arith.constant 0 : i32
    %c0_i32_0 = arith.constant 0 : i32
    return %c0_i32, %arg1 : i32, i32
  }
  func.func @transform_2(%arg0: i32, %arg1: i32) -> (i32, i32) {
    %c0_i32 = arith.constant 0 : i32
    %c0_i32_0 = arith.constant 0 : i32
    return %arg0, %c0_i32 : i32, i32
  }
}

module attributes {stable_mosaic.version = 14 : i64} {
  func.func @_transpose_body(%arg0: i32, %arg1: memref<512x256xf32, #tpu.memory_space<vmem>>, %arg2: memref<256x512xf32, #tpu.memory_space<vmem>>) attributes {dimension_semantics = [#tpu.dimension_semantics<arbitrary>], iteration_bounds = array<i64: 16>, scalar_prefetch = 0 : i64, scratch_operands = 0 : i64, tpu.core_type = #tpu.core_type<tc>, window_params = [{transform_indices = @transform_0, window_bounds = array<i64: 512, 256>}, {transform_indices = @transform_1, window_bounds = array<i64: 256, 512>}]} {
    %get3A = arith.constant 0 : index
    %get3A_0 = arith.constant 0 : index
    %get3A_1 = vector.load %arg1[%get3A, %get3A_0] : memref<512x256xf32, #tpu.memory_space<vmem>>, vector<512x256xf32>
    %transpose3A = tpu.transpose %get3A_1, [1, 0] : vector<512x256xf32> -> vector<256x512xf32>
    %swap3A = arith.constant 0 : index
    %swap3A_2 = arith.constant 0 : index
    %swap3A_3 = vector.load %arg2[%swap3A, %swap3A_2] : memref<256x512xf32, #tpu.memory_space<vmem>>, vector<256x512xf32>
    tpu.vector_store %arg2[%swap3A, %swap3A_2], %transpose3A {strides = array<i32>} : memref<256x512xf32, #tpu.memory_space<vmem>>, vector<256x512xf32>,
    return
  }
  func.func @transform_0(%arg0: i32) -> (i32, i32) {
    %c0_i32 = arith.constant 0 : i32
    %c0_i32_0 = arith.constant 0 : i32
    return %arg0, %c0_i32 : i32, i32
  }
  func.func @transform_1(%arg0: i32) -> (i32, i32) {
    %c0_i32 = arith.constant 0 : i32
    %c0_i32_0 = arith.constant 0 : i32
    return %c0_i32, %arg0 : i32, i32
  }
}

module attributes {stable_mosaic.version = 14 : i64} {
  func.func @_argmin_sub_body(%arg0: i32, %arg1: i32, %arg2: memref<512x256xf32, #tpu.memory_space<vmem>>, %arg3: memref<512x256xf32, #tpu.memory_space<vmem>>, %arg4: memref<256x4096xf32, #tpu.memory_space<vmem>>, %arg5: memref<512x1xi32, #tpu.memory_space<vmem>>, %arg6: memref<512x256xf32, #tpu.memory_space<vmem>>, %arg7: memref<512x1xf32, #tpu.memory_space<vmem>>, %arg8: memref<512x1xi32, #tpu.memory_space<vmem>>) attributes {dimension_semantics = [#tpu.dimension_semantics<arbitrary>, #tpu.dimension_semantics<arbitrary>], iteration_bounds = array<i64: 16, 2>, scalar_prefetch = 0 : i64, scratch_operands = 2 : i64, tpu.core_type = #tpu.core_type<tc>, window_params = [{transform_indices = @transform_0, window_bounds = array<i64: 512, 256>}, {transform_indices = @transform_1, window_bounds = array<i64: 512, 256>}, {transform_indices = @transform_2, window_bounds = array<i64: 256, 4096>}, {transform_indices = @transform_3, window_bounds = array<i64: 512, 1>}, {transform_indices = @transform_4, window_bounds = array<i64: 512, 256>}]} {
    %get3A = arith.constant 0 : index
    %get3A_0 = arith.constant 0 : index
    %get3A_1 = vector.load %arg2[%get3A, %get3A_0] : memref<512x256xf32, #tpu.memory_space<vmem>>, vector<512x256xf32>
    %get3A_2 = arith.constant 0 : index
    %get3A_3 = arith.constant 0 : index
    %get3A_4 = vector.load %arg3[%get3A_2, %get3A_3] : memref<512x256xf32, #tpu.memory_space<vmem>>, vector<512x256xf32>
    %sub3A = arith.subf %get3A_1, %get3A_4 : vector<512x256xf32>
    %eq3A = arith.constant 0 : i32
    %eq3A_5 = arith.cmpi eq, %arg1, %eq3A : i32
    %convert_element_type3A = arith.extui %eq3A_5 : i1 to i32
    %cond3A = arith.constant 0 : i32
    %cond3A_6 = arith.cmpi ne, %convert_element_type3A, %cond3A : i32
    scf.if %cond3A_6 {
      %swap3A = arith.constant 0 : index
      %swap3A_48 = arith.constant 0 : index
      %swap3A_49 = vector.load %arg6[%swap3A, %swap3A_48] : memref<512x256xf32, #tpu.memory_space<vmem>>, vector<512x256xf32>
      tpu.vector_store %arg6[%swap3A, %swap3A_48], %sub3A {strides = array<i32>} : memref<512x256xf32, #tpu.memory_space<vmem>>, vector<512x256xf32>,
    } else {
    }
    %get3A_7 = arith.constant 0 : index
    %get3A_8 = arith.constant 0 : index
    %get3A_9 = vector.load %arg4[%get3A_7, %get3A_8] : memref<256x4096xf32, #tpu.memory_space<vmem>>, vector<256x4096xf32>
    %dot_general3A = arith.constant dense<0.000000e+00> : vector<512x4096xf32>
    %dot_general3A_10 = tpu.matmul %sub3A, %get3A_9, %dot_general3A {dimension_numbers = #tpu.dot_dimension_numbers<[1], [0], [0], [1], [0, 0, 1, 1], [], []>, transpose_lhs_hint = false} : vector<512x256xf32>, vector<256x4096xf32>, vector<512x4096xf32> -> vector<512x4096xf32>
    %mul3A = arith.mulf %get3A_9, %get3A_9 : vector<256x4096xf32>
    %reduce_sum3A = arith.constant dense<0.000000e+00> : vector<4096xf32>
    %reduce_sum3A_11 = vector.multi_reduction <add>, %mul3A, %reduce_sum3A [0] : vector<256x4096xf32> to vector<4096xf32>
    %broadcast_in_dim3A = vector.shape_cast %reduce_sum3A_11 : vector<4096xf32> to vector<1x4096xf32>
    %mul3A_12 = arith.mulf %sub3A, %sub3A : vector<512x256xf32>
    %reduce_sum3A_13 = arith.constant dense<0.000000e+00> : vector<512xf32>
    %reduce_sum3A_14 = vector.multi_reduction <add>, %mul3A_12, %reduce_sum3A_13 [1] : vector<512x256xf32> to vector<512xf32>
    %broadcast_in_dim3A_15 = vector.shape_cast %reduce_sum3A_14 : vector<512xf32> to vector<512x1xf32>
    %add3A = vector.broadcast %broadcast_in_dim3A_15 : vector<512x1xf32> to vector<512x4096xf32>
    %add3A_16 = vector.broadcast %broadcast_in_dim3A : vector<1x4096xf32> to vector<512x4096xf32>
    %add3A_17 = arith.addf %add3A, %add3A_16 : vector<512x4096xf32>
    %mul3A_18 = arith.constant 2.000000e+00 : f32
    %mul3A_19 = vector.broadcast %mul3A_18 : f32 to vector<512x4096xf32>
    %mul3A_20 = arith.mulf %mul3A_19, %dot_general3A_10 : vector<512x4096xf32>
    %sub3A_21 = arith.subf %add3A_17, %mul3A_20 : vector<512x4096xf32>
    %reduce_min3A = arith.constant dense<0x7F800000> : vector<512xf32>
    %reduce_min3A_22 = vector.multi_reduction <minimumf>, %sub3A_21, %reduce_min3A [1] : vector<512x4096xf32> to vector<512xf32>
    %broadcast_in_dim3A_23 = vector.shape_cast %reduce_min3A_22 : vector<512xf32> to vector<512x1xf32>
    %iota3A = tpu.iota {dimensions = array<i32: 1>} : vector<512x4096xi32>
    %eq3A_24 = vector.broadcast %broadcast_in_dim3A_23 : vector<512x1xf32> to vector<512x4096xf32>
    %eq3A_25 = arith.cmpf oeq, %sub3A_21, %eq3A_24 : vector<512x4096xf32>
    %jit3A = arith.constant 1073741824 : i32
    %broadcast_in_dim3A_26 = vector.broadcast %jit3A : i32 to vector<512x4096xi32>
    %select_n3A = arith.select %eq3A_25, %iota3A, %broadcast_in_dim3A_26 : vector<512x4096xi1>, vector<512x4096xi32>
    %reduce_min3A_27 = arith.constant dense<2147483647> : vector<512xi32>
    %reduce_min3A_28 = vector.multi_reduction <minsi>, %select_n3A, %reduce_min3A_27 [1] : vector<512x4096xi32> to vector<512xi32>
    %broadcast_in_dim3A_29 = vector.shape_cast %reduce_min3A_28 : vector<512xi32> to vector<512x1xi32>
    %mul3A_30 = arith.constant 4096 : i32
    %mul3A_31 = arith.muli %arg1, %mul3A_30 : i32
    %add3A_32 = vector.broadcast %mul3A_31 : i32 to vector<512x1xi32>
    %add3A_33 = arith.addi %broadcast_in_dim3A_29, %add3A_32 : vector<512x1xi32>
    %eq3A_34 = arith.constant 0 : i32
    %eq3A_35 = arith.cmpi eq, %arg1, %eq3A_34 : i32
    %convert_element_type3A_36 = arith.extui %eq3A_35 : i1 to i32
    %cond3A_37 = arith.constant 0 : i32
    %cond3A_38 = arith.cmpi ne, %convert_element_type3A_36, %cond3A_37 : i32
    scf.if %cond3A_38 {
      %swap3A = arith.constant 0 : index
      %swap3A_48 = arith.constant 0 : index
      %swap3A_49 = vector.load %arg7[%swap3A, %swap3A_48] : memref<512x1xf32, #tpu.memory_space<vmem>>, vector<512x1xf32>
      tpu.vector_store %arg7[%swap3A, %swap3A_48], %broadcast_in_dim3A_23 {strides = array<i32>} : memref<512x1xf32, #tpu.memory_space<vmem>>, vector<512x1xf32>,
      %swap3A_50 = arith.constant 0 : index
      %swap3A_51 = arith.constant 0 : index
      %swap3A_52 = vector.load %arg8[%swap3A_50, %swap3A_51] : memref<512x1xi32, #tpu.memory_space<vmem>>, vector<512x1xi32>
      tpu.vector_store %arg8[%swap3A_50, %swap3A_51], %add3A_33 {strides = array<i32>} : memref<512x1xi32, #tpu.memory_space<vmem>>, vector<512x1xi32>,
    } else {
    }
    %gt3A = arith.constant 0 : i32
    %gt3A_39 = arith.cmpi sgt, %arg1, %gt3A : i32
    %convert_element_type3A_40 = arith.extui %gt3A_39 : i1 to i32
    %cond3A_41 = arith.constant 0 : i32
    %cond3A_42 = arith.cmpi ne, %convert_element_type3A_40, %cond3A_41 : i32
    scf.if %cond3A_42 {
      %get3A_48 = arith.constant 0 : index
      %get3A_49 = arith.constant 0 : index
      %get3A_50 = vector.load %arg7[%get3A_48, %get3A_49] : memref<512x1xf32, #tpu.memory_space<vmem>>, vector<512x1xf32>
      %lt3A = arith.cmpf olt, %broadcast_in_dim3A_23, %get3A_50 : vector<512x1xf32>
      %get3A_51 = arith.constant 0 : index
      %get3A_52 = arith.constant 0 : index
      %get3A_53 = vector.load %arg8[%get3A_51, %get3A_52] : memref<512x1xi32, #tpu.memory_space<vmem>>, vector<512x1xi32>
      %select_n3A_54 = arith.select %lt3A, %add3A_33, %get3A_53 : vector<512x1xi1>, vector<512x1xi32>
      %swap3A = arith.constant 0 : index
      %swap3A_55 = arith.constant 0 : index
      %swap3A_56 = vector.load %arg8[%swap3A, %swap3A_55] : memref<512x1xi32, #tpu.memory_space<vmem>>, vector<512x1xi32>
      tpu.vector_store %arg8[%swap3A, %swap3A_55], %select_n3A_54 {strides = array<i32>} : memref<512x1xi32, #tpu.memory_space<vmem>>, vector<512x1xi32>,
      %get3A_57 = arith.constant 0 : index
      %get3A_58 = arith.constant 0 : index
      %get3A_59 = vector.load %arg7[%get3A_57, %get3A_58] : memref<512x1xf32, #tpu.memory_space<vmem>>, vector<512x1xf32>
      %select_n3A_60 = arith.select %lt3A, %broadcast_in_dim3A_23, %get3A_59 : vector<512x1xi1>, vector<512x1xf32>
      %swap3A_61 = arith.constant 0 : index
      %swap3A_62 = arith.constant 0 : index
      %swap3A_63 = vector.load %arg7[%swap3A_61, %swap3A_62] : memref<512x1xf32, #tpu.memory_space<vmem>>, vector<512x1xf32>
      tpu.vector_store %arg7[%swap3A_61, %swap3A_62], %select_n3A_60 {strides = array<i32>} : memref<512x1xf32, #tpu.memory_space<vmem>>, vector<512x1xf32>,
    } else {
    }
    %eq3A_43 = arith.constant 1 : i32
    %eq3A_44 = arith.cmpi eq, %arg1, %eq3A_43 : i32
    %convert_element_type3A_45 = arith.extui %eq3A_44 : i1 to i32
    %cond3A_46 = arith.constant 0 : i32
    %cond3A_47 = arith.cmpi ne, %convert_element_type3A_45, %cond3A_46 : i32
    scf.if %cond3A_47 {
      %get3A_48 = arith.constant 0 : index
      %get3A_49 = arith.constant 0 : index
      %get3A_50 = vector.load %arg8[%get3A_48, %get3A_49] : memref<512x1xi32, #tpu.memory_space<vmem>>, vector<512x1xi32>
      %swap3A = arith.constant 0 : index
      %swap3A_51 = arith.constant 0 : index
      %swap3A_52 = vector.load %arg5[%swap3A, %swap3A_51] : memref<512x1xi32, #tpu.memory_space<vmem>>, vector<512x1xi32>
      tpu.vector_store %arg5[%swap3A, %swap3A_51], %get3A_50 {strides = array<i32>} : memref<512x1xi32, #tpu.memory_space<vmem>>, vector<512x1xi32>,
    } else {
    }
    return
  }
  func.func @transform_0(%arg0: i32, %arg1: i32) -> (i32, i32) {
    %c0_i32 = arith.constant 0 : i32
    %c0_i32_0 = arith.constant 0 : i32
    return %arg0, %c0_i32 : i32, i32
  }
  func.func @transform_1(%arg0: i32, %arg1: i32) -> (i32, i32) {
    %c0_i32 = arith.constant 0 : i32
    %c0_i32_0 = arith.constant 0 : i32
    return %arg0, %c0_i32 : i32, i32
  }
  func.func @transform_2(%arg0: i32, %arg1: i32) -> (i32, i32) {
    %c0_i32 = arith.constant 0 : i32
    %c0_i32_0 = arith.constant 0 : i32
    return %c0_i32, %arg1 : i32, i32
  }
  func.func @transform_3(%arg0: i32, %arg1: i32) -> (i32, i32) {
    %c0_i32 = arith.constant 0 : i32
    %c0_i32_0 = arith.constant 0 : i32
    return %arg0, %c0_i32 : i32, i32
  }
  func.func @transform_4(%arg0: i32, %arg1: i32) -> (i32, i32) {
    %c0_i32 = arith.constant 0 : i32
    %c0_i32_0 = arith.constant 0 : i32
    return %arg0, %c0_i32 : i32, i32
  }
}

module attributes {stable_mosaic.version = 14 : i64} {
  func.func @body(%arg0: i32, %arg1: memref<1024x256xf32, #tpu.memory_space<vmem>>, %arg2: memref<1024x256xf32, #tpu.memory_space<vmem>>, %arg3: memref<1024x256xf32, #tpu.memory_space<vmem>>, %arg4: memref<1024x256xf32, #tpu.memory_space<vmem>>, %arg5: memref<1024x256xf32, #tpu.memory_space<vmem>>, %arg6: memref<1024x256xf32, #tpu.memory_space<vmem>>, %arg7: memref<1x1xf32, #tpu.memory_space<smem>>, %arg8: memref<4xf32, #tpu.memory_space<smem>>) attributes {dimension_semantics = [#tpu.dimension_semantics<arbitrary>], iteration_bounds = array<i64: 8>, scalar_prefetch = 0 : i64, scratch_operands = 1 : i64, tpu.core_type = #tpu.core_type<tc>, window_params = [{transform_indices = @transform_0, window_bounds = array<i64: 1024, 256>}, {transform_indices = @transform_1, window_bounds = array<i64: 1024, 256>}, {transform_indices = @transform_2, window_bounds = array<i64: 1024, 256>}, {transform_indices = @transform_3, window_bounds = array<i64: 1024, 256>}, {transform_indices = @transform_4, window_bounds = array<i64: 1024, 256>}, {transform_indices = @transform_5, window_bounds = array<i64: 1024, 256>}, {transform_indices = @transform_6, window_bounds = array<i64: 1, 1>}]} {
    %eq3A = arith.constant 0 : i32
    %eq3A_0 = arith.cmpi eq, %arg0, %eq3A : i32
    %convert_element_type3A = arith.extui %eq3A_0 : i1 to i32
    %cond3A = arith.constant 0 : i32
    %cond3A_1 = arith.cmpi ne, %convert_element_type3A, %cond3A : i32
    scf.if %cond3A_1 {
      %swap3A_77 = arith.constant 0.000000e+00 : f32
      %swap3A_78 = arith.constant 0 : index
      %swap3A_79 = memref.load %arg8[%swap3A_78] : memref<4xf32, #tpu.memory_space<smem>>
      memref.store %swap3A_77, %arg8[%swap3A_78] : memref<4xf32, #tpu.memory_space<smem>>
      %swap3A_80 = arith.constant 0.000000e+00 : f32
      %swap3A_81 = arith.constant 1 : index
      %swap3A_82 = memref.load %arg8[%swap3A_81] : memref<4xf32, #tpu.memory_space<smem>>
      memref.store %swap3A_80, %arg8[%swap3A_81] : memref<4xf32, #tpu.memory_space<smem>>
      %swap3A_83 = arith.constant 0.000000e+00 : f32
      %swap3A_84 = arith.constant 2 : index
      %swap3A_85 = memref.load %arg8[%swap3A_84] : memref<4xf32, #tpu.memory_space<smem>>
      memref.store %swap3A_83, %arg8[%swap3A_84] : memref<4xf32, #tpu.memory_space<smem>>
      %swap3A_86 = arith.constant 0.000000e+00 : f32
      %swap3A_87 = arith.constant 3 : index
      %swap3A_88 = memref.load %arg8[%swap3A_87] : memref<4xf32, #tpu.memory_space<smem>>
      memref.store %swap3A_86, %arg8[%swap3A_87] : memref<4xf32, #tpu.memory_space<smem>>
    } else {
    }
    %get3A = arith.constant 0 : index
    %get3A_2 = arith.constant 0 : index
    %get3A_3 = vector.load %arg4[%get3A, %get3A_2] : memref<1024x256xf32, #tpu.memory_space<vmem>>, vector<1024x256xf32>
    %get3A_4 = arith.constant 0 : index
    %get3A_5 = arith.constant 0 : index
    %get3A_6 = vector.load %arg5[%get3A_4, %get3A_5] : memref<1024x256xf32, #tpu.memory_space<vmem>>, vector<1024x256xf32>
    %sub3A = arith.subf %get3A_3, %get3A_6 : vector<1024x256xf32>
    %get3A_7 = arith.constant 0 : index
    %get3A_8 = arith.constant 0 : index
    %get3A_9 = vector.load %arg1[%get3A_7, %get3A_8] : memref<1024x256xf32, #tpu.memory_space<vmem>>, vector<1024x256xf32>
    %sub3A_10 = arith.subf %get3A_9, %sub3A : vector<1024x256xf32>
    %swap3A = arith.constant 0 : index
    %swap3A_11 = arith.constant 0 : index
    %swap3A_12 = vector.load %arg6[%swap3A, %swap3A_11] : memref<1024x256xf32, #tpu.memory_space<vmem>>, vector<1024x256xf32>
    tpu.vector_store %arg6[%swap3A, %swap3A_11], %sub3A_10 {strides = array<i32>} : memref<1024x256xf32, #tpu.memory_space<vmem>>, vector<1024x256xf32>,
    %get3A_13 = arith.constant 0 : index
    %get3A_14 = memref.load %arg8[%get3A_13] : memref<4xf32, #tpu.memory_space<smem>>
    %get3A_15 = arith.constant 0 : index
    %get3A_16 = arith.constant 0 : index
    %get3A_17 = vector.load %arg2[%get3A_15, %get3A_16] : memref<1024x256xf32, #tpu.memory_space<vmem>>, vector<1024x256xf32>
    %get3A_18 = arith.constant 0 : index
    %get3A_19 = arith.constant 0 : index
    %get3A_20 = vector.load %arg2[%get3A_18, %get3A_19] : memref<1024x256xf32, #tpu.memory_space<vmem>>, vector<1024x256xf32>
    %mul3A = arith.mulf %get3A_17, %get3A_20 : vector<1024x256xf32>
    %reduce_sum3A = vector.shape_cast %mul3A : vector<1024x256xf32> to vector<1x1024x256xf32>
    %reduce_sum3A_21 = arith.constant dense<0.000000e+00> : vector<1xf32>
    %reduce_sum3A_22 = vector.multi_reduction <add>, %reduce_sum3A, %reduce_sum3A_21 [1, 2] : vector<1x1024x256xf32> to vector<1xf32>
    %reduce_sum3A_23 = vector.shape_cast %reduce_sum3A_22 : vector<1xf32> to vector<1x1x1xf32>
    %reduce_sum3A_24 = vector.extract %reduce_sum3A_23[0, 0, 0] : f32 from vector<1x1x1xf32>
    %add3A = arith.addf %get3A_14, %reduce_sum3A_24 : f32
    %swap3A_25 = arith.constant 0 : index
    %swap3A_26 = memref.load %arg8[%swap3A_25] : memref<4xf32, #tpu.memory_space<smem>>
    memref.store %add3A, %arg8[%swap3A_25] : memref<4xf32, #tpu.memory_space<smem>>
    %get3A_27 = arith.constant 1 : index
    %get3A_28 = memref.load %arg8[%get3A_27] : memref<4xf32, #tpu.memory_space<smem>>
    %get3A_29 = arith.constant 0 : index
    %get3A_30 = arith.constant 0 : index
    %get3A_31 = vector.load %arg3[%get3A_29, %get3A_30] : memref<1024x256xf32, #tpu.memory_space<vmem>>, vector<1024x256xf32>
    %get3A_32 = arith.constant 0 : index
    %get3A_33 = arith.constant 0 : index
    %get3A_34 = vector.load %arg3[%get3A_32, %get3A_33] : memref<1024x256xf32, #tpu.memory_space<vmem>>, vector<1024x256xf32>
    %mul3A_35 = arith.mulf %get3A_31, %get3A_34 : vector<1024x256xf32>
    %reduce_sum3A_36 = vector.shape_cast %mul3A_35 : vector<1024x256xf32> to vector<1x1024x256xf32>
    %reduce_sum3A_37 = arith.constant dense<0.000000e+00> : vector<1xf32>
    %reduce_sum3A_38 = vector.multi_reduction <add>, %reduce_sum3A_36, %reduce_sum3A_37 [1, 2] : vector<1x1024x256xf32> to vector<1xf32>
    %reduce_sum3A_39 = vector.shape_cast %reduce_sum3A_38 : vector<1xf32> to vector<1x1x1xf32>
    %reduce_sum3A_40 = vector.extract %reduce_sum3A_39[0, 0, 0] : f32 from vector<1x1x1xf32>
    %add3A_41 = arith.addf %get3A_28, %reduce_sum3A_40 : f32
    %swap3A_42 = arith.constant 1 : index
    %swap3A_43 = memref.load %arg8[%swap3A_42] : memref<4xf32, #tpu.memory_space<smem>>
    memref.store %add3A_41, %arg8[%swap3A_42] : memref<4xf32, #tpu.memory_space<smem>>
    %get3A_44 = arith.constant 2 : index
    %get3A_45 = memref.load %arg8[%get3A_44] : memref<4xf32, #tpu.memory_space<smem>>
    %get3A_46 = arith.constant 0 : index
    %get3A_47 = arith.constant 0 : index
    %get3A_48 = vector.load %arg4[%get3A_46, %get3A_47] : memref<1024x256xf32, #tpu.memory_space<vmem>>, vector<1024x256xf32>
    %get3A_49 = arith.constant 0 : index
    %get3A_50 = arith.constant 0 : index
    %get3A_51 = vector.load %arg4[%get3A_49, %get3A_50] : memref<1024x256xf32, #tpu.memory_space<vmem>>, vector<1024x256xf32>
    %mul3A_52 = arith.mulf %get3A_48, %get3A_51 : vector<1024x256xf32>
    %reduce_sum3A_53 = vector.shape_cast %mul3A_52 : vector<1024x256xf32> to vector<1x1024x256xf32>
    %reduce_sum3A_54 = arith.constant dense<0.000000e+00> : vector<1xf32>
    %reduce_sum3A_55 = vector.multi_reduction <add>, %reduce_sum3A_53, %reduce_sum3A_54 [1, 2] : vector<1x1024x256xf32> to vector<1xf32>
    %reduce_sum3A_56 = vector.shape_cast %reduce_sum3A_55 : vector<1xf32> to vector<1x1x1xf32>
    %reduce_sum3A_57 = vector.extract %reduce_sum3A_56[0, 0, 0] : f32 from vector<1x1x1xf32>
    %add3A_58 = arith.addf %get3A_45, %reduce_sum3A_57 : f32
    %swap3A_59 = arith.constant 2 : index
    %swap3A_60 = memref.load %arg8[%swap3A_59] : memref<4xf32, #tpu.memory_space<smem>>
    memref.store %add3A_58, %arg8[%swap3A_59] : memref<4xf32, #tpu.memory_space<smem>>
    %get3A_61 = arith.constant 3 : index
    %get3A_62 = memref.load %arg8[%get3A_61] : memref<4xf32, #tpu.memory_space<smem>>
    %mul3A_63 = arith.mulf %sub3A, %sub3A : vector<1024x256xf32>
    %reduce_sum3A_64 = vector.shape_cast %mul3A_63 : vector<1024x256xf32> to vector<1x1024x256xf32>
    %reduce_sum3A_65 = arith.constant dense<0.000000e+00> : vector<1xf32>
    %reduce_sum3A_66 = vector.multi_reduction <add>, %reduce_sum3A_64, %reduce_sum3A_65 [1, 2] : vector<1x1024x256xf32> to vector<1xf32>
    %reduce_sum3A_67 = vector.shape_cast %reduce_sum3A_66 : vector<1xf32> to vector<1x1x1xf32>
    %reduce_sum3A_68 = vector.extract %reduce_sum3A_67[0, 0, 0] : f32 from vector<1x1x1xf32>
    %add3A_69 = arith.addf %get3A_62, %reduce_sum3A_68 : f32
    %swap3A_70 = arith.constant 3 : index
    %swap3A_71 = memref.load %arg8[%swap3A_70] : memref<4xf32, #tpu.memory_space<smem>>
    memref.store %add3A_69, %arg8[%swap3A_70] : memref<4xf32, #tpu.memory_space<smem>>
    %eq3A_72 = arith.constant 7 : i32
    %eq3A_73 = arith.cmpi eq, %arg0, %eq3A_72 : i32
    %convert_element_type3A_74 = arith.extui %eq3A_73 : i1 to i32
    %cond3A_75 = arith.constant 0 : i32
    %cond3A_76 = arith.cmpi ne, %convert_element_type3A_74, %cond3A_75 : i32
    scf.if %cond3A_76 {
      %get3A_77 = arith.constant 0 : index
      %get3A_78 = memref.load %arg8[%get3A_77] : memref<4xf32, #tpu.memory_space<smem>>
      %get3A_79 = arith.constant 1 : index
      %get3A_80 = memref.load %arg8[%get3A_79] : memref<4xf32, #tpu.memory_space<smem>>
      %add3A_81 = arith.addf %get3A_78, %get3A_80 : f32
      %get3A_82 = arith.constant 2 : index
      %get3A_83 = memref.load %arg8[%get3A_82] : memref<4xf32, #tpu.memory_space<smem>>
      %add3A_84 = arith.addf %add3A_81, %get3A_83 : f32
      %get3A_85 = arith.constant 3 : index
      %get3A_86 = memref.load %arg8[%get3A_85] : memref<4xf32, #tpu.memory_space<smem>>
      %add3A_87 = arith.addf %add3A_84, %get3A_86 : f32
      %div3A = arith.constant 0x4B000000 : f32
      %div3A_88 = arith.divf %add3A_87, %div3A : f32
      %swap3A_89 = arith.constant 0 : index
      %swap3A_90 = arith.constant 0 : index
      %swap3A_91 = memref.load %arg7[%swap3A_89, %swap3A_90] : memref<1x1xf32, #tpu.memory_space<smem>>
      memref.store %div3A_88, %arg7[%swap3A_89, %swap3A_90] : memref<1x1xf32, #tpu.memory_space<smem>>
    } else {
    }
    return
  }
  func.func @transform_0(%arg0: i32) -> (i32, i32) {
    %c0_i32 = arith.constant 0 : i32
    %c0_i32_0 = arith.constant 0 : i32
    return %arg0, %c0_i32 : i32, i32
  }
  func.func @transform_1(%arg0: i32) -> (i32, i32) {
    %c0_i32 = arith.constant 0 : i32
    %c0_i32_0 = arith.constant 0 : i32
    return %arg0, %c0_i32 : i32, i32
  }
  func.func @transform_2(%arg0: i32) -> (i32, i32) {
    %c0_i32 = arith.constant 0 : i32
    %c0_i32_0 = arith.constant 0 : i32
    return %arg0, %c0_i32 : i32, i32
  }
  func.func @transform_3(%arg0: i32) -> (i32, i32) {
    %c0_i32 = arith.constant 0 : i32
    %c0_i32_0 = arith.constant 0 : i32
    return %arg0, %c0_i32 : i32, i32
  }
  func.func @transform_4(%arg0: i32) -> (i32, i32) {
    %c0_i32 = arith.constant 0 : i32
    %c0_i32_0 = arith.constant 0 : i32
    return %arg0, %c0_i32 : i32, i32
  }
  func.func @transform_5(%arg0: i32) -> (i32, i32) {
    %c0_i32 = arith.constant 0 : i32
    %c0_i32_0 = arith.constant 0 : i32
    return %arg0, %c0_i32 : i32, i32
  }
  func.func @transform_6(%arg0: i32) -> (i32, i32) {
    %c0_i32 = arith.constant 0 : i32
    %c0_i32_0 = arith.constant 0 : i32
    %c0_i32_1 = arith.constant 0 : i32
    return %c0_i32, %c0_i32_0 : i32, i32
  }
}

</mosaic_0001>

<sc_bundles>
// kernel: kernel.15.cloned.1.call-start
scs
__scs_entry_jumppad:
0x0: {  	(pc) =	sbr.rel $0x88, $3  }
0x1: {  	(tag) =	ssettag $0x0;
	lr =	simm.s32 $0x1  }
0x2: {  	[smem:$0x3F9F] =	sst lr;
	_ =	strace $0xD0000000  }
0x3: {  	_ = 	snop  }
0x4: {  	_ = 	snop  }
0x5: {  	_ = 	snop  }
0x6: {  	_ = 	snop  }
0x7: {  	_ = 	snop  }
__scs_overlays_trampoline_lowered:
0x8: {  	[smem:$0x3FAE] =	sst s0  }
0x9: {  	[smem:$0x3FAF] =	sst s1  }
0xa: {  	[smem:$0x3FB0] =	sst s2  }
0xb: {  	[smem:$0x3FB1] =	sst s3  }
0xc: {  	[smem:$0x3FB2] =	sst s4  }
0xd: {  	[smem:$0x3FB3] =	sst s5  }
0xe: {  	[smem:$0x3FB4] =	sst s6  }
0xf: {  	[smem:$0x3FB5] =	sst s7  }
0x10: {  	[smem:$0x3FB6] =	sst s8  }
0x11: {  	[smem:$0x3FB7] =	sst s9;
	s0 =	simm.s32 @!p0 $0x0  }
0x12: {  	s1 =	sld [smem:$0x3F9D];
	s0 =	simm.s32 @p0 $0x1  }
0x13: {  	[smem:$0x3FB8] =	sst s0;
	s0 =	simm.s32 @!p1 $0x0  }
0x14: {  	s2 =	sld [smem:$0x3F9C];
	s0 =	simm.s32 @p1 $0x1  }
0x15: {  	[smem:$0x3FB9] =	sst s0;
	s0 =	simm.s32 @!p2 $0x0  }
0x16: {  	s3 =	sld [smem:$0x3FDB];
	s0 =	simm.s32 @p2 $0x1  }
0x17: {  	s4 =	simm.s32 $0x1BF5;
	[smem:$0x3FBB] =	sst s0  }
0x18: {  	s0 =	sld [smem:$0x3F9E];
	_ =	swait.ge [sflag:s4], $0x0  }
0x19: {  	s7 =	sld [smem:$0x3F9F]  }
0x1a: {  	s8 =	sadd.s32 $0xFFFFE003, lr  }
0x1b: {  	s9 =	sadd.s32 $0xFFFFFEF7, lr;
	s5 =	simm.s32 $0xFFFFFFFF;
	p2 =	slt.u32 s8, $0xFFFFF086  }
0x1c: {  	p1 =	slt.u32 s9, $0xF7A;
	s5 =	simm.s32 @!p2 $0x0  }
0x1d: {  	s5 =	simm.s32 @p1 $0x1;
	p0 =	seq.s32 s7, s2  }
0x1e: {  	s7 =	smul.u32 @!p0 $0xF7A, s2;
	p2 =	seq.s32 @!p0 s5, $0x0  }
0x1f: {  	s9 =	smul.u32 $0xF7A, s1;
	s8 =	simm.s32 @!p0 $0x1BF5;
	p2 =	por !p2, p0  }
0x20: {  	[sflag:s8] =	ssyncset.s32 @!p0 $0xFFFFF086;
	s6 =	sadd.s32 @!p0 s3, s7;
	s7 =	simm.s32 @!p0 $0x108  }
0x21: {  	s3 =	sadd.s32 s3, s9;
	s6 =	sadd.s32 @!p0 $0x88, s6;
	s7 =	simm.s32 @p2 $0x1082  }
0x22: {  	[simem:s7], [sflag:s8] =	dma.local @!p0 [hbm:s6], $0xF7A  }
0x23: {  	s9 =	sor.u32 $0xD0000000, s2;
	s6 =	simm.s32 $0x108;
	_ =	swait.ge @!p0 [sflag:s8], $0x0  }
0x24: {  	s3 =	sadd.s32 $0x88, s3;
	s6 =	simm.s32 @!p1 $0x1082;
	[sflag:s4] =	ssyncset.s32 $0xFFFFF086  }
0x25: {  	[simem:s6], [sflag:s4] =	dma.local [hbm:s3], $0xF7A  }
0x26: {  	[smem:$0x3F9F] =	sst s1;
	(tag) =	ssettag s2;
	_ =	strace s9  }
0x27: {  	s1 =	sld [smem:$0x3FAF]  }
0x28: {  	s2 =	sld [smem:$0x3FB0]  }
0x29: {  	s4 =	sld [smem:$0x3FB2]  }
0x2a: {  	p0 =	seq.s32 s5, $0x0;
	s5 =	sld [smem:$0x3FB3]  }
0x2b: {  	s6 =	sld [smem:$0x3FB4]  }
0x2c: {  	s7 =	sld [smem:$0x3FB5]  }
0x2d: {  	s3 =	simm.s32 $0x108;
	s8 =	sld [smem:$0x3FB6]  }
0x2e: {  	s3 =	simm.s32 @!p0 $0x1082;
	s9 =	sld [smem:$0x3FB7]  }
0x2f: {  	lr =	sadd.s32 s0, s3;
	s0 =	sld [smem:$0x3FAE]  }
0x30: {  	s3 =	sld [smem:$0x3FB1]  }
0x31: {  	[smem:$0x3FBA] =	sst s10  }
0x32: {  	s10 =	sld [smem:$0x3FB8];
	_ =	sdelay $0x3  }
0x33: {  	p0 =	seq.s32 s10, $0x1;
	s10 =	sld [smem:$0x3FBA];
	_ =	sdelay $0x3  }
0x34: {  	[smem:$0x3FBA] =	sst s10  }
0x35: {  	s10 =	sld [smem:$0x3FB9];
	_ =	sdelay $0x3  }
0x36: {  	p1 =	seq.s32 s10, $0x1;
	s10 =	sld [smem:$0x3FBA];
	_ =	sdelay $0x3  }
0x37: {  	[smem:$0x3FBA] =	sst s10  }
0x38: {  	s10 =	sld [smem:$0x3FBB]  }
0x39: {  	_ = 	snop;
	(pc) =	sbr.ind lr, $3  }
0x3a: {  	_ = 	snop  }
0x3b: {  	_ = 	snop  }
0x3c: {  	p2 =	seq.s32 s10, $0x1;
	s10 =	sld [smem:$0x3FBA]  }
0x3d: {  	_ =	shalt  }
0x3e: {  	_ =	shalt  }
0x3f: {  	_ =	shalt  }
0x40: {  	_ =	shalt  }
0x41: {  	_ =	shalt  }
0x42: {  	_ =	shalt  }
0x43: {  	_ =	shalt  }
0x44: {  	_ =	shalt  }
0x45: {  	_ =	shalt  }
0x46: {  	_ =	shalt  }
0x47: {  	_ =	shalt  }
0x48: {  	_ =	shalt  }
0x49: {  	_ =	shalt  }
0x4a: {  	_ =	shalt  }
0x4b: {  	_ =	shalt  }
0x4c: {  	_ =	shalt  }
0x4d: {  	_ =	shalt  }
0x4e: {  	_ =	shalt  }
0x4f: {  	_ =	shalt  }
0x50: {  	_ =	shalt  }
0x51: {  	_ =	shalt  }
0x52: {  	_ =	shalt  }
0x53: {  	_ =	shalt  }
0x54: {  	_ =	shalt  }
0x55: {  	_ =	shalt  }
0x56: {  	_ =	shalt  }
0x57: {  	_ =	shalt  }
0x58: {  	_ =	shalt  }
0x59: {  	_ =	shalt  }
0x5a: {  	_ =	shalt  }
0x5b: {  	_ =	shalt  }
0x5c: {  	_ =	shalt  }
0x5d: {  	_ =	shalt  }
0x5e: {  	_ =	shalt  }
0x5f: {  	_ =	shalt  }
0x60: {  	_ =	shalt  }
0x61: {  	_ =	shalt  }
0x62: {  	_ =	shalt  }
0x63: {  	_ =	shalt  }
0x64: {  	_ =	shalt  }
0x65: {  	_ =	shalt  }
0x66: {  	_ =	shalt  }
0x67: {  	_ =	shalt  }
0x68: {  	_ =	shalt  }
0x69: {  	_ =	shalt  }
0x6a: {  	_ =	shalt  }
0x6b: {  	_ =	shalt  }
0x6c: {  	_ =	shalt  }
0x6d: {  	_ =	shalt  }
0x6e: {  	_ =	shalt  }
0x6f: {  	_ =	shalt  }
0x70: {  	_ =	shalt  }
0x71: {  	_ =	shalt  }
0x72: {  	_ =	shalt  }
0x73: {  	_ =	shalt  }
0x74: {  	_ =	shalt  }
0x75: {  	_ =	shalt  }
0x76: {  	_ =	shalt  }
0x77: {  	_ =	shalt  }
0x78: {  	_ =	shalt  }
0x79: {  	_ =	shalt  }
0x7a: {  	_ =	shalt  }
0x7b: {  	_ =	shalt  }
0x7c: {  	_ =	shalt  }
0x7d: {  	_ =	shalt  }
0x7e: {  	_ =	shalt  }
0x7f: {  	_ =	shalt  }
0x80: {  	_ =	shalt  }
0x81: {  	_ =	shalt  }
0x82: {  	_ =	shalt  }
0x83: {  	_ =	shalt  }
0x84: {  	_ =	shalt  }
0x85: {  	_ =	shalt  }
0x86: {  	_ =	shalt  }
0x87: {  	_ =	shalt  }
.Lfunc_end0:
.L_simem_size_0:
called_computation_lowered:
.L_overlay_start_0:
0x88: {  	s2 =	sld [smem:$0x3FD9]  }
0x89: {  	s3 =	sld [smem:$0x3FFE];
	_ =	sdelay $0x1  }
0x8a: {  	s1 =	srdreg.scid  }
0x8b: {  	s0 =	sand.u32 $0x1, s1  }
0x8c: {  	s14 =	sshll.u32 s0, $0xA;
	s2 =	sadd.s32 s3, s2  }
0x8d: {  	s2 =	sadd.s32 s2, s14  }
0x8e: {  	[smem:$0x3FC6] =	sst s2  }
0x8f: {  	_ = 	snop  }
0x90: {  	s2 =	sld [smem:$0x3FD0];
	_ =	sdelay $0x2  }
0x91: {  	s15 =	simm.s32 $0xA;
	s4 =	simm.s32 $0x10  }
0x92: {  	[smem:s4], [sflag:s15] =	dma.local [hbm:s2], $0x1  }
0x93: {  	_ =	swait.eq [sflag:s15], $0x1  }
0x94: {  	[sflag:s15] =	ssyncset.done $0x0  }
0x95: {  	[sflag:s15] =	ssyncadd.s32 $0xFFFFFFFF  }
0x96: {  	s16 =	sld [smem:$0x12];
	(tm) =	ssettm $0x1  }
0x97: {  	s17 =	sld [smem:$0x3FFB];
	_ =	sdelay $0x3  }
0x98: {  	_ =	strace s17  }
0x99: {  	s3 =	sld [smem:$0x3FFC];
	_ =	sdelay $0x3  }
0x9a: {  	_ =	strace s3  }
0x9b: {  	s3 =	sld [smem:$0x3FFD];
	_ =	sdelay $0x3  }
0x9c: {  	_ =	strace s3  }
0x9d: {  	_ =	strace $0x8FFFFFFF  }
0x9e: {  	s18 =	sld [smem:$0x3FDB];
	_ =	sdelay $0x1  }
0x9f: {  	s19 =	simm.s32 $_scs_section_size  }
0xa0: {  	s5 =	simm.s32 $_size__tile_overlayer_lowered;
	s6 =	simm.s32 $_tile_overlayer_lowered  }
0xa1: {  	s22 =	simm.s32 $0x1BFF;
	s21 =	sshll.u32 s6, $0x1;
	s3 =	sadd.s32 s19, s18  }
0xa2: {  	s7 =	simm.s32 $0x0;
	s20 =	sshll.u32 s5, $0x1;
	s5 =	sadd.s32 s21, s3  }
0xa3: {  	[timem:s7], [sflag:s22] =	dma.local [hbm:s5], s20  }
0xa4: {  	_ =	swait.ge [sflag:s22], s20  }
0xa5: {  	s4 =	ssub.s32 $0x0, s20;
	[sflag:s22] =	ssyncset.done $0x0  }
0xa6: {  	[sflag:s22] =	ssyncadd.s32 s4;
	_ =	sdelay $0x1  }
0xa7: {  	s23 =	simm.s32 $0x1B8B  }
0xa8: {  	_ =	swait.ge [sflag:s23], $0x1  }
0xa9: {  	[sflag:s23] =	ssyncset.done $0x0  }
0xaa: {  	s25 =	simm.s32 $0x1B8E;
	s24 =	sld [smem:$0x3FFE];
	[sflag:s23] =	ssyncadd.s32 $0xFFFFFFFF  }
0xab: {  	s26 =	simm.s32 $execute0_lowered;
	[smem:$0x3FD2] =	sst s25  }
0xac: {  	s5 =	sshll.u32 s26, $0x1;
	_ =	strace $0x80000046;
	[dreg:$0x1] =	wrdreg $0xFFFFFFFF  }
0xad: {  	s28 =	simm.s32 $_size_execute0_lowered;
	s3 =	sadd.s32 s3, s5;
	[dreg:$0x0] =	wrdreg $0x0  }
0xae: {  	s5 =	sshll.u32 s28, $0x1;
	[dreg:$0x2] =	wrdreg s3  }
0xaf: {  	[dreg:$0x3] =	wrdreg s5  }
0xb0: {  	[dreg:$0x4] =	wrdreg $0xC0  }
0xb1: {  	_ =	task [dreg:s7], $0x5FFFF  }
0xb2: {  	[dreg:$0x1] =	wrdreg $0xFFFFFFFF  }
0xb3: {  	[dreg:$0x0] =	wrdreg $0x60  }
0xb4: {  	[dreg:$0x2] =	wrdreg s24  }
0xb5: {  	[dreg:$0x3] =	wrdreg s16  }
0xb6: {  	[dreg:$0x4] =	wrdreg $0x9  }
0xb7: {  	_ =	task.clear_ibuf [dreg:s7], $0x5FFFF;
	_ =	strace $0x90000046  }
0xb8: {  	s29 =	simm.s32 $0x9;
	_ =	strace $0x80000048  }
0xb9: {  	_ =	swait.ge [sflag:s29], $0x1  }
0xba: {  	[sflag:s29] =	ssyncadd.s32 $0xFFFFFFFF  }
0xbb: {  	_ =	strace $0x90000048  }
0xbc: {  	_ =	sfence  }
0xbd: {  	s30 =	sld [smem:$0x0];
	_ =	sdelay $0x2  }
0xbe: {  	s31 =	sshll.u32 s1, $0xD;
	s1 =	sshrl.u32 s1, $0x2  }
0xbf: {  	s3 =	sand.u32 $0x4000, s31;
	s1 =	sadd.s32 s1, s30  }
0xc0: {  	s0 =	sor.u32 s3, s0;
	s1 =	sshll.u32 s1, $0x11  }
0xc1: {  	s0 =	sor.u32 s1, s0  }
0xc2: {  	s0 =	sadd.s32 $0x8F2B, s0  }
0xc3: {  	[sflag:s0] =	ssyncadd.remote.s32 $0x1  }
0xc4: {  	_ =	sfence.sel $0xFFFF  }
0xc5: {  	[dreg:$0x0] =	wrdreg $0xFFFFFFFF;
	(pc) =	sbr.abs _section_cstart, $3  }
0xc6: {  	[dreg:$0x1] =	wrdreg $0xFFFFFFFF  }
0xc7: {  	_ =	task.clear_ibuf [dreg:s7], $0x2FFFF;
	_ =	strace $0x9FFFFFFF  }
0xc8: {  	(tm) =	ssettm $0x7FFFFFFF  }
0xc9: {  	_ =	shalt  }
tec
execute0_lowered:
.L_overlay_start_1:
0x0: {  	(tag) =	ssettag $0x1  }
0x1: {  	s1 =	srdreg.scid;
	s4 =	rddreg [dreg:$0x0]  }
0x2: {  	s0 =	stileid.u32;
	s5 =	rddreg [dreg:$0x1]  }
0x3: {  	s17 =	simm.s32 $0x80;
	s18 =	simm.s32 $0x900;
	s19 =	simm.s32 $0x1100  }
0x4: {  	s20 =	simm.s32 $0x1900;
	s21 =	simm.s32 $0x2100;
	s22 =	simm.s32 $0x2900  }
0x5: {  	s24 =	simm.s32 $0x3100;
	s25 =	simm.s32 $0x3900;
	s26 =	simm.s32 $0x4100  }
0x6: {  	s9 =	simm.s32 $0x5100;
	s10 =	simm.s32 $0x5900;
	s1 =	sand.u32 $0x1, s1  }
0x7: {  	s11 =	simm.s32 $0x6100;
	s2 =	sshll.u32 s0, $0x9;
	s3 =	sshll.u32 s1, $0x8  }
0x8: {  	s12 =	simm.s32 $0x6900;
	s3 =	sor.u32 s3, s2;
	s2 =	simm.s32 $0x0  }
0x9: {  	s13 =	simm.s32 $0x7100;
	s14 =	simm.s32 $0x7900;
	[smem:$0x7FF] =	sst s2  }
0xa: {  	s15 =	simm.s32 $0x8100;
	_ =	strace $0x80000047;
	[dreg:$0x5] =	wrdreg s17  }
0xb: {  	s28 =	simm.s32 $0xE100;
	s29 =	simm.s32 $0xE900;
	[dreg:$0x6] =	wrdreg s18  }
0xc: {  	s30 =	simm.s32 $0xF100;
	s1 =	ssub.s32 $0x2, s1;
	[dreg:$0x7] =	wrdreg s19  }
0xd: {  	s31 =	simm.s32 $0xF900;
	s23 =	sshrl.u32 s1, $0x1;
	[dreg:$0x8] =	wrdreg s20  }
0xe: {  	s6 =	sshrl.u32 s3, $0x3;
	s7 =	sshll.u32 s3, $0x5;
	[dreg:$0x9] =	wrdreg s21  }
0xf: {  	s1 =	ssub.s32 s1, s23;
	s23 =	simm.s32 $0xC100;
	[dreg:$0xa] =	wrdreg s22  }
0x10: {  	s3 =	sadd.s32 s5, s6;
	s16 =	sadd.s32 s7, s4;
	[dreg:$0xb] =	wrdreg s24  }
0x11: {  	s4 =	sadd.s32 $0x44C00, s4;
	[dreg:$0xc] =	wrdreg s25;
	s7 =	simm.s32 $0x100  }
0x12: {  	[dreg:$0xd] =	wrdreg s26;
	s17 =	simm.s32 $0x9100;
	s18 =	simm.s32 $0x9900  }
0x13: {  	s19 =	simm.s32 $0xA100;
	s20 =	simm.s32 $0xA900;
	s21 =	simm.s32 $0xB100  }
0x14: {  	s22 =	simm.s32 $0xB900;
	s24 =	simm.s32 $0xC900;
	s6 =	sadd.s32 $0x10, s3  }
0x15: {  	v2 =	vlaneseq.u32;
	s25 =	simm.s32 $0xD100;
	s5 =	sadd.s32 $0xE4C00, s16;
	[dreg:$0x3] =	wrdreg s6  }
0x16: {  	vm0 =	vmmov $0xffff;
	v1 =	vshrl.u32 v2, $0x3;
	s26 =	simm.s32 $0xD900;
	s16 =	simm.s32 $0x8900;
	[dreg:$0x4] =	wrdreg s5  }
0x17: {  	v0 =	vand.u32 $0x7, v2;
	v2 =	vor.u32 $0x8, v2;
	v1 =	vmul.u32 $0x8, v1;
	s5 =	smax.u32 s1, $0x1;
	s6 =	simm.s32 $0x2;
	s1 =	simm.s32 $0x1  }
.LBB2_1:
0x18: {  	[tilespmem:s2], [sflag:$0x2] =	stream.linear.gather [hbm4b:s3+s2], $0x80, $0x38;
	[tilespmem:$0x10100] =	vst v63  }
0x19: {  	_ =	swait.ge [sflag:s6], $0x80  }
0x1a: {  	s0 =	rddreg [dreg:$0x3];
	[sflag:s6] =	ssyncset.done $0x0  }
0x1b: {  	s8 =	rddreg [dreg:$0x5];
	[sflag:s6] =	ssyncadd.s32 $0xFFFFFF80  }
0x1c: {  	[tilespmem:s8], [sflag:$0x2] =	stream.linear.gather [hbm4b:s0+s2], $0x80, $0x38;
	[tilespmem:$0x10100] =	vst v63  }
0x1d: {  	_ =	swait.ge [sflag:s6], $0x80  }
0x1e: {  	[sflag:s6] =	ssyncset.done $0x0  }
0x1f: {  	[sflag:s6] =	ssyncadd.s32 $0xFFFFFF80  }
0x20: {  	v3 =	vld [tilespmem:$0x0];
	_ =	sdelay $0x4  }
0x21: {  	v4 =	vshll.u32 v3, $0x1  }
0x22: {  	v3 =	vand.u32 $0x7, v3;
	v4 =	vand.u32 $0xFFFFFFF0, v4  }
0x23: {  	v3 =	vor.u32 v3, v4  }
0x24: {  	v4 =	vperm.xlane v3, v0;
	_ =	sdelay $0x1  }
0x25: {  	v3 =	vperm.xlane v3, v2;
	v4 =	vadd.s32 v1, v4;
	_ =	sdelay $0x1  }
0x26: {  	v3 =	vadd.s32 v1, v3;
	_ =	sdelay $0x2  }
0x27: {  	[tilespmem:s7], [sflag:$0x1] =	stream.indirect_vreg.gather [hbm4b:s4+s2], $0x80, v4, vm0, $0xb8;
	[tilespmem:$0x10100] =	vst v63  }
0x28: {  	s8 =	rddreg [dreg:$0x6]  }
0x29: {  	[tilespmem:s8], [sflag:$0x1] =	stream.indirect_vreg.gather [hbm4b:s4+s2], $0x80, v3, vm0, $0xb8;
	[tilespmem:$0x10100] =	vst v63  }
0x2a: {  	v3 =	vld [tilespmem:$0x10];
	_ =	sdelay $0x4  }
0x2b: {  	v49 =	vshll.u32 v3, $0x1  }
0x2c: {  	v3 =	vand.u32 $0x7, v3;
	v4 =	vand.u32 $0xFFFFFFF0, v49  }
0x2d: {  	v3 =	vor.u32 v3, v4  }
0x2e: {  	v4 =	vperm.xlane v3, v0;
	_ =	sdelay $0x1  }
0x2f: {  	v3 =	vperm.xlane v3, v2;
	v4 =	vadd.s32 v1, v4;
	_ =	sdelay $0x1  }
0x30: {  	v3 =	vadd.s32 v1, v3;
	_ =	sdelay $0x1  }
0x31: {  	s0 =	rddreg [dreg:$0x7]  }
0x32: {  	[tilespmem:s0], [sflag:$0x1] =	stream.indirect_vreg.gather [hbm4b:s4+s2], $0x80, v4, vm0, $0xb8;
	[tilespmem:$0x10100] =	vst v63  }
0x33: {  	s8 =	rddreg [dreg:$0x8]  }
0x34: {  	[tilespmem:s8], [sflag:$0x1] =	stream.indirect_vreg.gather [hbm4b:s4+s2], $0x80, v3, vm0, $0xb8;
	[tilespmem:$0x10100] =	vst v63  }
0x35: {  	v3 =	vld [tilespmem:$0x20];
	_ =	sdelay $0x4  }
0x36: {  	v50 =	vshll.u32 v3, $0x1  }
0x37: {  	v3 =	vand.u32 $0x7, v3;
	v4 =	vand.u32 $0xFFFFFFF0, v50  }
0x38: {  	v3 =	vor.u32 v3, v4  }
0x39: {  	v4 =	vperm.xlane v3, v0;
	_ =	sdelay $0x1  }
0x3a: {  	v3 =	vperm.xlane v3, v2;
	v4 =	vadd.s32 v1, v4;
	_ =	sdelay $0x1  }
0x3b: {  	v3 =	vadd.s32 v1, v3;
	_ =	sdelay $0x1  }
0x3c: {  	s0 =	rddreg [dreg:$0x9]  }
0x3d: {  	[tilespmem:s0], [sflag:$0x1] =	stream.indirect_vreg.gather [hbm4b:s4+s2], $0x80, v4, vm0, $0xb8;
	[tilespmem:$0x10100] =	vst v63  }
0x3e: {  	s8 =	rddreg [dreg:$0xa]  }
0x3f: {  	[tilespmem:s8], [sflag:$0x1] =	stream.indirect_vreg.gather [hbm4b:s4+s2], $0x80, v3, vm0, $0xb8;
	[tilespmem:$0x10100] =	vst v63  }
0x40: {  	v3 =	vld [tilespmem:$0x30];
	_ =	sdelay $0x4  }
0x41: {  	v51 =	vshll.u32 v3, $0x1  }
0x42: {  	v3 =	vand.u32 $0x7, v3;
	v4 =	vand.u32 $0xFFFFFFF0, v51  }
0x43: {  	v3 =	vor.u32 v3, v4  }
0x44: {  	v4 =	vperm.xlane v3, v0;
	_ =	sdelay $0x1  }
0x45: {  	v3 =	vperm.xlane v3, v2;
	v4 =	vadd.s32 v1, v4;
	_ =	sdelay $0x1  }
0x46: {  	v3 =	vadd.s32 v1, v3;
	_ =	sdelay $0x1  }
0x47: {  	s0 =	rddreg [dreg:$0xb]  }
0x48: {  	[tilespmem:s0], [sflag:$0x1] =	stream.indirect_vreg.gather [hbm4b:s4+s2], $0x80, v4, vm0, $0xb8;
	[tilespmem:$0x10100] =	vst v63  }
0x49: {  	s8 =	rddreg [dreg:$0xc]  }
0x4a: {  	[tilespmem:s8], [sflag:$0x1] =	stream.indirect_vreg.gather [hbm4b:s4+s2], $0x80, v3, vm0, $0xb8;
	[tilespmem:$0x10100] =	vst v63  }
0x4b: {  	v3 =	vld [tilespmem:$0x40];
	_ =	sdelay $0x4  }
0x4c: {  	v52 =	vshll.u32 v3, $0x1  }
0x4d: {  	v3 =	vand.u32 $0x7, v3;
	v4 =	vand.u32 $0xFFFFFFF0, v52  }
0x4e: {  	v3 =	vor.u32 v3, v4  }
0x4f: {  	v4 =	vperm.xlane v3, v0;
	_ =	sdelay $0x1  }
0x50: {  	v3 =	vperm.xlane v3, v2;
	v4 =	vadd.s32 v1, v4;
	_ =	sdelay $0x1  }
0x51: {  	v3 =	vadd.s32 v1, v3;
	_ =	sdelay $0x1  }
0x52: {  	s8 =	rddreg [dreg:$0xd]  }
0x53: {  	[tilespmem:s8], [sflag:$0x1] =	stream.indirect_vreg.gather [hbm4b:s4+s2], $0x80, v4, vm0, $0xb8;
	[tilespmem:$0x10100] =	vst v63  }
0x54: {  	s8 =	simm.s32 $0x4900  }
0x55: {  	[tilespmem:s8], [sflag:$0x1] =	stream.indirect_vreg.gather [hbm4b:s4+s2], $0x80, v3, vm0, $0xb8;
	[tilespmem:$0x10100] =	vst v63  }
0x56: {  	v3 =	vld [tilespmem:$0x50];
	_ =	sdelay $0x4  }
0x57: {  	v53 =	vshll.u32 v3, $0x1  }
0x58: {  	v3 =	vand.u32 $0x7, v3;
	v4 =	vand.u32 $0xFFFFFFF0, v53  }
0x59: {  	v3 =	vor.u32 v3, v4  }
0x5a: {  	v4 =	vperm.xlane v3, v0;
	_ =	sdelay $0x1  }
0x5b: {  	v3 =	vperm.xlane v3, v2;
	v4 =	vadd.s32 v1, v4;
	_ =	sdelay $0x1  }
0x5c: {  	v3 =	vadd.s32 v1, v3;
	_ =	sdelay $0x2  }
0x5d: {  	[tilespmem:s9], [sflag:$0x1] =	stream.indirect_vreg.gather [hbm4b:s4+s2], $0x80, v4, vm0, $0xb8;
	[tilespmem:$0x10100] =	vst v63  }
0x5e: {  	_ = 	snop  }
0x5f: {  	[tilespmem:s10], [sflag:$0x1] =	stream.indirect_vreg.gather [hbm4b:s4+s2], $0x80, v3, vm0, $0xb8;
	[tilespmem:$0x10100] =	vst v63  }
0x60: {  	v3 =	vld [tilespmem:$0x60];
	_ =	sdelay $0x4  }
0x61: {  	v54 =	vshll.u32 v3, $0x1  }
0x62: {  	v3 =	vand.u32 $0x7, v3;
	v4 =	vand.u32 $0xFFFFFFF0, v54  }
0x63: {  	v3 =	vor.u32 v3, v4  }
0x64: {  	v4 =	vperm.xlane v3, v0;
	_ =	sdelay $0x1  }
0x65: {  	v3 =	vperm.xlane v3, v2;
	v4 =	vadd.s32 v1, v4;
	_ =	sdelay $0x1  }
0x66: {  	v3 =	vadd.s32 v1, v3;
	_ =	sdelay $0x2  }
0x67: {  	[tilespmem:s11], [sflag:$0x1] =	stream.indirect_vreg.gather [hbm4b:s4+s2], $0x80, v4, vm0, $0xb8;
	[tilespmem:$0x10100] =	vst v63  }
0x68: {  	_ = 	snop  }
0x69: {  	[tilespmem:s12], [sflag:$0x1] =	stream.indirect_vreg.gather [hbm4b:s4+s2], $0x80, v3, vm0, $0xb8;
	[tilespmem:$0x10100] =	vst v63  }
0x6a: {  	v3 =	vld [tilespmem:$0x70];
	_ =	sdelay $0x4  }
0x6b: {  	v55 =	vshll.u32 v3, $0x1  }
0x6c: {  	v3 =	vand.u32 $0x7, v3;
	v4 =	vand.u32 $0xFFFFFFF0, v55  }
0x6d: {  	v3 =	vor.u32 v3, v4  }
0x6e: {  	v4 =	vperm.xlane v3, v0;
	_ =	sdelay $0x1  }
0x6f: {  	v3 =	vperm.xlane v3, v2;
	v4 =	vadd.s32 v1, v4;
	_ =	sdelay $0x1  }
0x70: {  	v3 =	vadd.s32 v1, v3;
	_ =	sdelay $0x2  }
0x71: {  	[tilespmem:s13], [sflag:$0x1] =	stream.indirect_vreg.gather [hbm4b:s4+s2], $0x80, v4, vm0, $0xb8;
	[tilespmem:$0x10100] =	vst v63  }
0x72: {  	_ = 	snop  }
0x73: {  	[tilespmem:s14], [sflag:$0x1] =	stream.indirect_vreg.gather [hbm4b:s4+s2], $0x80, v3, vm0, $0xb8;
	[tilespmem:$0x10100] =	vst v63  }
0x74: {  	v3 =	vld [tilespmem:$0x80];
	_ =	sdelay $0x4  }
0x75: {  	v56 =	vshll.u32 v3, $0x1  }
0x76: {  	v3 =	vand.u32 $0x7, v3;
	v4 =	vand.u32 $0xFFFFFFF0, v56  }
0x77: {  	v3 =	vor.u32 v3, v4  }
0x78: {  	v4 =	vperm.xlane v3, v0;
	_ =	sdelay $0x1  }
0x79: {  	v3 =	vperm.xlane v3, v2;
	v4 =	vadd.s32 v1, v4;
	_ =	sdelay $0x1  }
0x7a: {  	v3 =	vadd.s32 v1, v3;
	_ =	sdelay $0x2  }
0x7b: {  	[tilespmem:s15], [sflag:$0x1] =	stream.indirect_vreg.gather [hbm4b:s4+s2], $0x80, v4, vm0, $0xb8;
	[tilespmem:$0x10100] =	vst v63  }
0x7c: {  	_ = 	snop  }
0x7d: {  	[tilespmem:s16], [sflag:$0x1] =	stream.indirect_vreg.gather [hbm4b:s4+s2], $0x80, v3, vm0, $0xb8;
	[tilespmem:$0x10100] =	vst v63  }
0x7e: {  	v3 =	vld [tilespmem:$0x90];
	_ =	sdelay $0x4  }
0x7f: {  	v57 =	vshll.u32 v3, $0x1  }
0x80: {  	v3 =	vand.u32 $0x7, v3;
	v4 =	vand.u32 $0xFFFFFFF0, v57  }
0x81: {  	v3 =	vor.u32 v3, v4  }
0x82: {  	v4 =	vperm.xlane v3, v0;
	_ =	sdelay $0x1  }
0x83: {  	v3 =	vperm.xlane v3, v2;
	v4 =	vadd.s32 v1, v4;
	_ =	sdelay $0x1  }
0x84: {  	v3 =	vadd.s32 v1, v3;
	_ =	sdelay $0x2  }
0x85: {  	[tilespmem:s17], [sflag:$0x1] =	stream.indirect_vreg.gather [hbm4b:s4+s2], $0x80, v4, vm0, $0xb8;
	[tilespmem:$0x10100] =	vst v63  }
0x86: {  	_ = 	snop  }
0x87: {  	[tilespmem:s18], [sflag:$0x1] =	stream.indirect_vreg.gather [hbm4b:s4+s2], $0x80, v3, vm0, $0xb8;
	[tilespmem:$0x10100] =	vst v63  }
0x88: {  	v3 =	vld [tilespmem:$0xA0];
	_ =	sdelay $0x4  }
0x89: {  	v58 =	vshll.u32 v3, $0x1  }
0x8a: {  	v3 =	vand.u32 $0x7, v3;
	v4 =	vand.u32 $0xFFFFFFF0, v58  }
0x8b: {  	v3 =	vor.u32 v3, v4  }
0x8c: {  	v4 =	vperm.xlane v3, v0;
	_ =	sdelay $0x1  }
0x8d: {  	v3 =	vperm.xlane v3, v2;
	v4 =	vadd.s32 v1, v4;
	_ =	sdelay $0x1  }
0x8e: {  	v3 =	vadd.s32 v1, v3;
	_ =	sdelay $0x2  }
0x8f: {  	[tilespmem:s19], [sflag:$0x1] =	stream.indirect_vreg.gather [hbm4b:s4+s2], $0x80, v4, vm0, $0xb8;
	[tilespmem:$0x10100] =	vst v63  }
0x90: {  	_ = 	snop  }
0x91: {  	[tilespmem:s20], [sflag:$0x1] =	stream.indirect_vreg.gather [hbm4b:s4+s2], $0x80, v3, vm0, $0xb8;
	[tilespmem:$0x10100] =	vst v63  }
0x92: {  	v3 =	vld [tilespmem:$0xB0];
	_ =	sdelay $0x4  }
0x93: {  	v59 =	vshll.u32 v3, $0x1  }
0x94: {  	v3 =	vand.u32 $0x7, v3;
	v4 =	vand.u32 $0xFFFFFFF0, v59  }
0x95: {  	v3 =	vor.u32 v3, v4  }
0x96: {  	v4 =	vperm.xlane v3, v0;
	_ =	sdelay $0x1  }
0x97: {  	v3 =	vperm.xlane v3, v2;
	v4 =	vadd.s32 v1, v4;
	_ =	sdelay $0x1  }
0x98: {  	v3 =	vadd.s32 v1, v3;
	_ =	sdelay $0x2  }
0x99: {  	[tilespmem:s21], [sflag:$0x1] =	stream.indirect_vreg.gather [hbm4b:s4+s2], $0x80, v4, vm0, $0xb8;
	[tilespmem:$0x10100] =	vst v63  }
0x9a: {  	_ = 	snop  }
0x9b: {  	[tilespmem:s22], [sflag:$0x1] =	stream.indirect_vreg.gather [hbm4b:s4+s2], $0x80, v3, vm0, $0xb8;
	[tilespmem:$0x10100] =	vst v63  }
0x9c: {  	v3 =	vld [tilespmem:$0xC0];
	_ =	sdelay $0x4  }
0x9d: {  	v60 =	vshll.u32 v3, $0x1  }
0x9e: {  	v3 =	vand.u32 $0x7, v3;
	v4 =	vand.u32 $0xFFFFFFF0, v60  }
0x9f: {  	v3 =	vor.u32 v3, v4  }
0xa0: {  	v4 =	vperm.xlane v3, v0;
	_ =	sdelay $0x1  }
0xa1: {  	v3 =	vperm.xlane v3, v2;
	v4 =	vadd.s32 v1, v4;
	_ =	sdelay $0x1  }
0xa2: {  	v3 =	vadd.s32 v1, v3;
	_ =	sdelay $0x2  }
0xa3: {  	[tilespmem:s23], [sflag:$0x1] =	stream.indirect_vreg.gather [hbm4b:s4+s2], $0x80, v4, vm0, $0xb8;
	[tilespmem:$0x10100] =	vst v63  }
0xa4: {  	_ = 	snop  }
0xa5: {  	[tilespmem:s24], [sflag:$0x1] =	stream.indirect_vreg.gather [hbm4b:s4+s2], $0x80, v3, vm0, $0xb8;
	[tilespmem:$0x10100] =	vst v63  }
0xa6: {  	v3 =	vld [tilespmem:$0xD0];
	_ =	sdelay $0x4  }
0xa7: {  	v61 =	vshll.u32 v3, $0x1  }
0xa8: {  	v3 =	vand.u32 $0x7, v3;
	v4 =	vand.u32 $0xFFFFFFF0, v61  }
0xa9: {  	v3 =	vor.u32 v3, v4  }
0xaa: {  	v4 =	vperm.xlane v3, v0;
	_ =	sdelay $0x1  }
0xab: {  	v3 =	vperm.xlane v3, v2;
	v4 =	vadd.s32 v1, v4;
	_ =	sdelay $0x1  }
0xac: {  	v3 =	vadd.s32 v1, v3;
	_ =	sdelay $0x2  }
0xad: {  	[tilespmem:s25], [sflag:$0x1] =	stream.indirect_vreg.gather [hbm4b:s4+s2], $0x80, v4, vm0, $0xb8;
	[tilespmem:$0x10100] =	vst v63  }
0xae: {  	_ = 	snop  }
0xaf: {  	[tilespmem:s26], [sflag:$0x1] =	stream.indirect_vreg.gather [hbm4b:s4+s2], $0x80, v3, vm0, $0xb8;
	[tilespmem:$0x10100] =	vst v63  }
0xb0: {  	v3 =	vld [tilespmem:$0xE0];
	_ =	sdelay $0x4  }
0xb1: {  	v62 =	vshll.u32 v3, $0x1  }
0xb2: {  	v3 =	vand.u32 $0x7, v3;
	v4 =	vand.u32 $0xFFFFFFF0, v62  }
0xb3: {  	v3 =	vor.u32 v3, v4  }
0xb4: {  	v4 =	vperm.xlane v3, v0;
	_ =	sdelay $0x1  }
0xb5: {  	v3 =	vperm.xlane v3, v2;
	v4 =	vadd.s32 v1, v4;
	_ =	sdelay $0x1  }
0xb6: {  	v3 =	vadd.s32 v1, v3;
	_ =	sdelay $0x2  }
0xb7: {  	[tilespmem:s28], [sflag:$0x1] =	stream.indirect_vreg.gather [hbm4b:s4+s2], $0x80, v4, vm0, $0xb8;
	[tilespmem:$0x10100] =	vst v63  }
0xb8: {  	_ = 	snop  }
0xb9: {  	[tilespmem:s29], [sflag:$0x1] =	stream.indirect_vreg.gather [hbm4b:s4+s2], $0x80, v3, vm0, $0xb8;
	[tilespmem:$0x10100] =	vst v63  }
0xba: {  	v3 =	vld [tilespmem:$0xF0];
	_ =	sdelay $0x4  }
0xbb: {  	v63 =	vshll.u32 v3, $0x1  }
0xbc: {  	v3 =	vand.u32 $0x7, v3;
	v4 =	vand.u32 $0xFFFFFFF0, v63  }
0xbd: {  	v3 =	vor.u32 v3, v4  }
0xbe: {  	v4 =	vperm.xlane v3, v0;
	_ =	sdelay $0x1  }
0xbf: {  	v3 =	vperm.xlane v3, v2;
	v4 =	vadd.s32 v1, v4;
	_ =	sdelay $0x1  }
0xc0: {  	v3 =	vadd.s32 v1, v3;
	_ =	sdelay $0x2  }
0xc1: {  	[tilespmem:s30], [sflag:$0x1] =	stream.indirect_vreg.gather [hbm4b:s4+s2], $0x80, v4, vm0, $0xb8;
	[tilespmem:$0x10100] =	vst v63  }
0xc2: {  	_ = 	snop  }
0xc3: {  	[tilespmem:s31], [sflag:$0x1] =	stream.indirect_vreg.gather [hbm4b:s4+s2], $0x80, v3, vm0, $0xb8;
	[tilespmem:$0x10100] =	vst v63  }
0xc4: {  	_ =	swait.ge [sflag:s1], $0x8000  }
0xc5: {  	[sflag:s1] =	ssyncset.done $0x0  }
0xc6: {  	[sflag:s1] =	ssyncadd.s32 $0xFFFF8000  }
0xc7: {  	_ =	swait.ge [sflag:s1], $0x8000  }
0xc8: {  	p0 =	sne.s32 s5, $0x1;
	[sflag:s1] =	ssyncset.done $0x0  }
.Ltmp0:
0xc9: {  	s8 =	rddreg [dreg:$0x4];
	[sflag:s1] =	ssyncadd.s32 $0xFFFF8000;
	(pc) =	sbr.rel @p0 .LBB2_1-.Ltmp0, $4  }
0xca: {  	[hbm4b:s8+s2] =	stream.linear.scatter [tilespmem:s7], [sflag:$0x2], $0x10000, $0x38;
	[tilespmem:$0x10100] =	vst v63  }
0xcb: {  	_ =	swait.ge [sflag:s6], $0x10000  }
0xcc: {  	[sflag:s6] =	ssyncset.done $0x0  }
0xcd: {  	s5 =	sadd.s32 $0xFFFFFFFF, s5;
	[sflag:s6] =	ssyncadd.s32 $0xFFFF0000  }
0xce: {  	_ =	sfence.sel $0x180000  }
0xcf: {  	[bflag:$0x0] =	sbarrier.arrive $0xFFFF  }
0xd0: {  	_ =	strace $0x90000047  }
0xd1: {  	s0 =	stileid.u32;
	[bflag:$0x2] =	sbarrier.arrive $0xFFFF  }
0xd2: {  	p0 =	sne.s32 s0, $0x0;
	s0 =	rddreg [dreg:$0x2]  }
0xd3: {  	s0 =	sadd.s32 @!p0 $0x100000, s0  }
0xd4: {  	[sflag:s0] =	ssyncadd.tile.s32 @!p0 $0x1;
	_ =	shalt  }
.Lfunc_end2:
_tile_overlayer_lowered:
.L_overlay_start_2:
0xd5: {  	(tag) =	ssettag $0x2  }
0xd6: {  	s0 =	rddreg [dreg:$0x0];
	s2 =	stileid.u32  }
0xd7: {  	s1 =	rddreg [dreg:$0x1];
	p0 =	sne.s32 s2, $0x0  }
0xd8: {  	s3 =	rddreg [dreg:$0x2];
	[bflag:$0x3] =	sbarrier.arrive $0xFFFF;
	s2 =	simm.s32 @!p0 $0x1C02  }
0xd9: {  	[timem:s3], [sflag:s2] =	dma.local @!p0 [hbm:s0], s1  }
0xda: {  	s0 =	simm.s32 @!p0 $0x2  }
0xdb: {  	_ =	swait.ge @!p0 [sflag:s0], s1  }
0xdc: {  	s1 =	ssub.s32 @!p0 $0x0, s1;
	[sflag:s0] =	ssyncset.done @!p0 $0x0  }
0xdd: {  	[sflag:s0] =	ssyncadd.s32 @!p0 s1  }
0xde: {  	[bflag:$0x3] =	sbarrier.arrive $0xFFFF  }
0xdf: {  	_ =	shalt  }

// kernel: kernel.18.cloned.1.call-start
scs
__scs_entry_jumppad:
0x0: {  	(pc) =	sbr.rel $0x88, $3  }
0x1: {  	(tag) =	ssettag $0x0;
	lr =	simm.s32 $0x1  }
0x2: {  	[smem:$0x3F9F] =	sst lr;
	_ =	strace $0xD0000000  }
0x3: {  	_ = 	snop  }
0x4: {  	_ = 	snop  }
0x5: {  	_ = 	snop  }
0x6: {  	_ = 	snop  }
0x7: {  	_ = 	snop  }
__scs_overlays_trampoline_lowered:
0x8: {  	[smem:$0x3FAE] =	sst s0  }
0x9: {  	[smem:$0x3FAF] =	sst s1  }
0xa: {  	[smem:$0x3FB0] =	sst s2  }
0xb: {  	[smem:$0x3FB1] =	sst s3  }
0xc: {  	[smem:$0x3FB2] =	sst s4  }
0xd: {  	[smem:$0x3FB3] =	sst s5  }
0xe: {  	[smem:$0x3FB4] =	sst s6  }
0xf: {  	[smem:$0x3FB5] =	sst s7  }
0x10: {  	[smem:$0x3FB6] =	sst s8  }
0x11: {  	[smem:$0x3FB7] =	sst s9;
	s0 =	simm.s32 @!p0 $0x0  }
0x12: {  	s1 =	sld [smem:$0x3F9D];
	s0 =	simm.s32 @p0 $0x1  }
0x13: {  	[smem:$0x3FB8] =	sst s0;
	s0 =	simm.s32 @!p1 $0x0  }
0x14: {  	s2 =	sld [smem:$0x3F9C];
	s0 =	simm.s32 @p1 $0x1  }
0x15: {  	[smem:$0x3FB9] =	sst s0;
	s0 =	simm.s32 @!p2 $0x0  }
0x16: {  	s3 =	sld [smem:$0x3FDB];
	s0 =	simm.s32 @p2 $0x1  }
0x17: {  	s4 =	simm.s32 $0x1BF5;
	[smem:$0x3FBB] =	sst s0  }
0x18: {  	s0 =	sld [smem:$0x3F9E];
	_ =	swait.ge [sflag:s4], $0x0  }
0x19: {  	s7 =	sld [smem:$0x3F9F]  }
0x1a: {  	s8 =	sadd.s32 $0xFFFFE003, lr  }
0x1b: {  	s9 =	sadd.s32 $0xFFFFFEF7, lr;
	s5 =	simm.s32 $0xFFFFFFFF;
	p2 =	slt.u32 s8, $0xFFFFF086  }
0x1c: {  	p1 =	slt.u32 s9, $0xF7A;
	s5 =	simm.s32 @!p2 $0x0  }
0x1d: {  	s5 =	simm.s32 @p1 $0x1;
	p0 =	seq.s32 s7, s2  }
0x1e: {  	s7 =	smul.u32 @!p0 $0xF7A, s2;
	p2 =	seq.s32 @!p0 s5, $0x0  }
0x1f: {  	s9 =	smul.u32 $0xF7A, s1;
	s8 =	simm.s32 @!p0 $0x1BF5;
	p2 =	por !p2, p0  }
0x20: {  	[sflag:s8] =	ssyncset.s32 @!p0 $0xFFFFF086;
	s6 =	sadd.s32 @!p0 s3, s7;
	s7 =	simm.s32 @!p0 $0x108  }
0x21: {  	s3 =	sadd.s32 s3, s9;
	s6 =	sadd.s32 @!p0 $0x88, s6;
	s7 =	simm.s32 @p2 $0x1082  }
0x22: {  	[simem:s7], [sflag:s8] =	dma.local @!p0 [hbm:s6], $0xF7A  }
0x23: {  	s9 =	sor.u32 $0xD0000000, s2;
	s6 =	simm.s32 $0x108;
	_ =	swait.ge @!p0 [sflag:s8], $0x0  }
0x24: {  	s3 =	sadd.s32 $0x88, s3;
	s6 =	simm.s32 @!p1 $0x1082;
	[sflag:s4] =	ssyncset.s32 $0xFFFFF086  }
0x25: {  	[simem:s6], [sflag:s4] =	dma.local [hbm:s3], $0xF7A  }
0x26: {  	[smem:$0x3F9F] =	sst s1;
	(tag) =	ssettag s2;
	_ =	strace s9  }
0x27: {  	s1 =	sld [smem:$0x3FAF]  }
0x28: {  	s2 =	sld [smem:$0x3FB0]  }
0x29: {  	s4 =	sld [smem:$0x3FB2]  }
0x2a: {  	p0 =	seq.s32 s5, $0x0;
	s5 =	sld [smem:$0x3FB3]  }
0x2b: {  	s6 =	sld [smem:$0x3FB4]  }
0x2c: {  	s7 =	sld [smem:$0x3FB5]  }
0x2d: {  	s3 =	simm.s32 $0x108;
	s8 =	sld [smem:$0x3FB6]  }
0x2e: {  	s3 =	simm.s32 @!p0 $0x1082;
	s9 =	sld [smem:$0x3FB7]  }
0x2f: {  	lr =	sadd.s32 s0, s3;
	s0 =	sld [smem:$0x3FAE]  }
0x30: {  	s3 =	sld [smem:$0x3FB1]  }
0x31: {  	[smem:$0x3FBA] =	sst s10  }
0x32: {  	s10 =	sld [smem:$0x3FB8];
	_ =	sdelay $0x3  }
0x33: {  	p0 =	seq.s32 s10, $0x1;
	s10 =	sld [smem:$0x3FBA];
	_ =	sdelay $0x3  }
0x34: {  	[smem:$0x3FBA] =	sst s10  }
0x35: {  	s10 =	sld [smem:$0x3FB9];
	_ =	sdelay $0x3  }
0x36: {  	p1 =	seq.s32 s10, $0x1;
	s10 =	sld [smem:$0x3FBA];
	_ =	sdelay $0x3  }
0x37: {  	[smem:$0x3FBA] =	sst s10  }
0x38: {  	s10 =	sld [smem:$0x3FBB]  }
0x39: {  	_ = 	snop;
	(pc) =	sbr.ind lr, $3  }
0x3a: {  	_ = 	snop  }
0x3b: {  	_ = 	snop  }
0x3c: {  	p2 =	seq.s32 s10, $0x1;
	s10 =	sld [smem:$0x3FBA]  }
0x3d: {  	_ =	shalt  }
0x3e: {  	_ =	shalt  }
0x3f: {  	_ =	shalt  }
0x40: {  	_ =	shalt  }
0x41: {  	_ =	shalt  }
0x42: {  	_ =	shalt  }
0x43: {  	_ =	shalt  }
0x44: {  	_ =	shalt  }
0x45: {  	_ =	shalt  }
0x46: {  	_ =	shalt  }
0x47: {  	_ =	shalt  }
0x48: {  	_ =	shalt  }
0x49: {  	_ =	shalt  }
0x4a: {  	_ =	shalt  }
0x4b: {  	_ =	shalt  }
0x4c: {  	_ =	shalt  }
0x4d: {  	_ =	shalt  }
0x4e: {  	_ =	shalt  }
0x4f: {  	_ =	shalt  }
0x50: {  	_ =	shalt  }
0x51: {  	_ =	shalt  }
0x52: {  	_ =	shalt  }
0x53: {  	_ =	shalt  }
0x54: {  	_ =	shalt  }
0x55: {  	_ =	shalt  }
0x56: {  	_ =	shalt  }
0x57: {  	_ =	shalt  }
0x58: {  	_ =	shalt  }
0x59: {  	_ =	shalt  }
0x5a: {  	_ =	shalt  }
0x5b: {  	_ =	shalt  }
0x5c: {  	_ =	shalt  }
0x5d: {  	_ =	shalt  }
0x5e: {  	_ =	shalt  }
0x5f: {  	_ =	shalt  }
0x60: {  	_ =	shalt  }
0x61: {  	_ =	shalt  }
0x62: {  	_ =	shalt  }
0x63: {  	_ =	shalt  }
0x64: {  	_ =	shalt  }
0x65: {  	_ =	shalt  }
0x66: {  	_ =	shalt  }
0x67: {  	_ =	shalt  }
0x68: {  	_ =	shalt  }
0x69: {  	_ =	shalt  }
0x6a: {  	_ =	shalt  }
0x6b: {  	_ =	shalt  }
0x6c: {  	_ =	shalt  }
0x6d: {  	_ =	shalt  }
0x6e: {  	_ =	shalt  }
0x6f: {  	_ =	shalt  }
0x70: {  	_ =	shalt  }
0x71: {  	_ =	shalt  }
0x72: {  	_ =	shalt  }
0x73: {  	_ =	shalt  }
0x74: {  	_ =	shalt  }
0x75: {  	_ =	shalt  }
0x76: {  	_ =	shalt  }
0x77: {  	_ =	shalt  }
0x78: {  	_ =	shalt  }
0x79: {  	_ =	shalt  }
0x7a: {  	_ =	shalt  }
0x7b: {  	_ =	shalt  }
0x7c: {  	_ =	shalt  }
0x7d: {  	_ =	shalt  }
0x7e: {  	_ =	shalt  }
0x7f: {  	_ =	shalt  }
0x80: {  	_ =	shalt  }
0x81: {  	_ =	shalt  }
0x82: {  	_ =	shalt  }
0x83: {  	_ =	shalt  }
0x84: {  	_ =	shalt  }
0x85: {  	_ =	shalt  }
0x86: {  	_ =	shalt  }
0x87: {  	_ =	shalt  }
.Lfunc_end0:
.L_simem_size_0:
called_computation.1_lowered:
.L_overlay_start_0:
0x88: {  	s2 =	sld [smem:$0x3FD9]  }
0x89: {  	s3 =	sld [smem:$0x3FFE];
	_ =	sdelay $0x1  }
0x8a: {  	s1 =	srdreg.scid  }
0x8b: {  	s0 =	sand.u32 $0x1, s1  }
0x8c: {  	s14 =	sshll.u32 s0, $0xA;
	s2 =	sadd.s32 s3, s2  }
0x8d: {  	s2 =	sadd.s32 s2, s14  }
0x8e: {  	[smem:$0x3FC6] =	sst s2  }
0x8f: {  	_ = 	snop  }
0x90: {  	s2 =	sld [smem:$0x3FD0];
	_ =	sdelay $0x2  }
0x91: {  	s15 =	simm.s32 $0xA;
	s4 =	simm.s32 $0x10  }
0x92: {  	[smem:s4], [sflag:s15] =	dma.local [hbm:s2], $0x1  }
0x93: {  	_ =	swait.eq [sflag:s15], $0x1  }
0x94: {  	[sflag:s15] =	ssyncset.done $0x0  }
0x95: {  	[sflag:s15] =	ssyncadd.s32 $0xFFFFFFFF  }
0x96: {  	s16 =	sld [smem:$0x12];
	(tm) =	ssettm $0x1  }
0x97: {  	s17 =	sld [smem:$0x3FFB];
	_ =	sdelay $0x3  }
0x98: {  	_ =	strace s17  }
0x99: {  	s3 =	sld [smem:$0x3FFC];
	_ =	sdelay $0x3  }
0x9a: {  	_ =	strace s3  }
0x9b: {  	s3 =	sld [smem:$0x3FFD];
	_ =	sdelay $0x3  }
0x9c: {  	_ =	strace s3  }
0x9d: {  	_ =	strace $0x8FFFFFFF  }
0x9e: {  	s18 =	sld [smem:$0x3FDB];
	_ =	sdelay $0x1  }
0x9f: {  	s19 =	simm.s32 $_scs_section_size  }
0xa0: {  	s5 =	simm.s32 $_size__tile_overlayer_lowered;
	s6 =	simm.s32 $_tile_overlayer_lowered  }
0xa1: {  	s22 =	simm.s32 $0x1BFF;
	s21 =	sshll.u32 s6, $0x1;
	s3 =	sadd.s32 s19, s18  }
0xa2: {  	s7 =	simm.s32 $0x0;
	s20 =	sshll.u32 s5, $0x1;
	s5 =	sadd.s32 s21, s3  }
0xa3: {  	[timem:s7], [sflag:s22] =	dma.local [hbm:s5], s20  }
0xa4: {  	_ =	swait.ge [sflag:s22], s20  }
0xa5: {  	s4 =	ssub.s32 $0x0, s20;
	[sflag:s22] =	ssyncset.done $0x0  }
0xa6: {  	[sflag:s22] =	ssyncadd.s32 s4;
	_ =	sdelay $0x1  }
0xa7: {  	s23 =	simm.s32 $0x1B8B  }
0xa8: {  	_ =	swait.ge [sflag:s23], $0x1  }
0xa9: {  	[sflag:s23] =	ssyncset.done $0x0  }
0xaa: {  	s25 =	simm.s32 $0x1B8E;
	s24 =	sld [smem:$0x3FFE];
	[sflag:s23] =	ssyncadd.s32 $0xFFFFFFFF  }
0xab: {  	s26 =	simm.s32 $execute0_lowered;
	[smem:$0x3FD2] =	sst s25  }
0xac: {  	s5 =	sshll.u32 s26, $0x1;
	_ =	strace $0x80000049;
	[dreg:$0x1] =	wrdreg $0xFFFFFFFF  }
0xad: {  	s28 =	simm.s32 $_size_execute0_lowered;
	s3 =	sadd.s32 s3, s5;
	[dreg:$0x0] =	wrdreg $0x0  }
0xae: {  	s5 =	sshll.u32 s28, $0x1;
	[dreg:$0x2] =	wrdreg s3  }
0xaf: {  	[dreg:$0x3] =	wrdreg s5  }
0xb0: {  	[dreg:$0x4] =	wrdreg $0xC0  }
0xb1: {  	_ =	task [dreg:s7], $0x5FFFF  }
0xb2: {  	[dreg:$0x1] =	wrdreg $0xFFFFFFFF  }
0xb3: {  	[dreg:$0x0] =	wrdreg $0x60  }
0xb4: {  	[dreg:$0x2] =	wrdreg s24  }
0xb5: {  	[dreg:$0x3] =	wrdreg s16  }
0xb6: {  	[dreg:$0x4] =	wrdreg $0x9  }
0xb7: {  	_ =	task.clear_ibuf [dreg:s7], $0x5FFFF;
	_ =	strace $0x90000049  }
0xb8: {  	s29 =	simm.s32 $0x9;
	_ =	strace $0x8000004B  }
0xb9: {  	_ =	swait.ge [sflag:s29], $0x1  }
0xba: {  	[sflag:s29] =	ssyncadd.s32 $0xFFFFFFFF  }
0xbb: {  	_ =	strace $0x9000004B  }
0xbc: {  	_ =	sfence  }
0xbd: {  	s30 =	sld [smem:$0x0];
	_ =	sdelay $0x2  }
0xbe: {  	s31 =	sshll.u32 s1, $0xD;
	s1 =	sshrl.u32 s1, $0x2  }
0xbf: {  	s3 =	sand.u32 $0x4000, s31;
	s1 =	sadd.s32 s1, s30  }
0xc0: {  	s0 =	sor.u32 s3, s0;
	s1 =	sshll.u32 s1, $0x11  }
0xc1: {  	s0 =	sor.u32 s1, s0  }
0xc2: {  	s0 =	sadd.s32 $0x8F2B, s0  }
0xc3: {  	[sflag:s0] =	ssyncadd.remote.s32 $0x1  }
0xc4: {  	_ =	sfence.sel $0xFFFF  }
0xc5: {  	[dreg:$0x0] =	wrdreg $0xFFFFFFFF;
	(pc) =	sbr.abs _section_cstart, $3  }
0xc6: {  	[dreg:$0x1] =	wrdreg $0xFFFFFFFF  }
0xc7: {  	_ =	task.clear_ibuf [dreg:s7], $0x2FFFF;
	_ =	strace $0x9FFFFFFF  }
0xc8: {  	(tm) =	ssettm $0x7FFFFFFF  }
0xc9: {  	_ =	shalt  }
tec
execute0_lowered:
.L_overlay_start_1:
0x0: {  	(tag) =	ssettag $0x1  }
0x1: {  	s1 =	srdreg.scid;
	s4 =	rddreg [dreg:$0x0]  }
0x2: {  	s0 =	stileid.u32;
	s5 =	rddreg [dreg:$0x1]  }
0x3: {  	s17 =	simm.s32 $0x80;
	s18 =	simm.s32 $0x900;
	s19 =	simm.s32 $0x1100  }
0x4: {  	s20 =	simm.s32 $0x1900;
	s21 =	simm.s32 $0x2100;
	s22 =	simm.s32 $0x2900  }
0x5: {  	s24 =	simm.s32 $0x3100;
	s25 =	simm.s32 $0x3900;
	s26 =	simm.s32 $0x4100  }
0x6: {  	s9 =	simm.s32 $0x5100;
	s10 =	simm.s32 $0x5900;
	s1 =	sand.u32 $0x1, s1  }
0x7: {  	s11 =	simm.s32 $0x6100;
	s2 =	sshll.u32 s0, $0x9;
	s3 =	sshll.u32 s1, $0x8  }
0x8: {  	s12 =	simm.s32 $0x6900;
	s3 =	sor.u32 s3, s2;
	s2 =	simm.s32 $0x0  }
0x9: {  	s13 =	simm.s32 $0x7100;
	s14 =	simm.s32 $0x7900;
	[smem:$0x7FF] =	sst s2  }
0xa: {  	s15 =	simm.s32 $0x8100;
	_ =	strace $0x8000004A;
	[dreg:$0x5] =	wrdreg s17  }
0xb: {  	s28 =	simm.s32 $0xE100;
	s29 =	simm.s32 $0xE900;
	[dreg:$0x6] =	wrdreg s18  }
0xc: {  	s30 =	simm.s32 $0xF100;
	s1 =	ssub.s32 $0x2, s1;
	[dreg:$0x7] =	wrdreg s19  }
0xd: {  	s31 =	simm.s32 $0xF900;
	s23 =	sshrl.u32 s1, $0x1;
	[dreg:$0x8] =	wrdreg s20  }
0xe: {  	s6 =	sshrl.u32 s3, $0x3;
	s7 =	sshll.u32 s3, $0x5;
	[dreg:$0x9] =	wrdreg s21  }
0xf: {  	s1 =	ssub.s32 s1, s23;
	s23 =	simm.s32 $0xC100;
	[dreg:$0xa] =	wrdreg s22  }
0x10: {  	s3 =	sadd.s32 s5, s6;
	s16 =	sadd.s32 s7, s4;
	[dreg:$0xb] =	wrdreg s24  }
0x11: {  	s4 =	sadd.s32 $0x4C00, s4;
	[dreg:$0xc] =	wrdreg s25;
	s7 =	simm.s32 $0x100  }
0x12: {  	[dreg:$0xd] =	wrdreg s26;
	s17 =	simm.s32 $0x9100;
	s18 =	simm.s32 $0x9900  }
0x13: {  	s19 =	simm.s32 $0xA100;
	s20 =	simm.s32 $0xA900;
	s21 =	simm.s32 $0xB100  }
0x14: {  	s22 =	simm.s32 $0xB900;
	s24 =	simm.s32 $0xC900;
	s6 =	sadd.s32 $0x10, s3  }
0x15: {  	v2 =	vlaneseq.u32;
	s25 =	simm.s32 $0xD100;
	s5 =	sadd.s32 $0x104C00, s16;
	[dreg:$0x3] =	wrdreg s6  }
0x16: {  	vm0 =	vmmov $0xffff;
	v1 =	vshrl.u32 v2, $0x3;
	s26 =	simm.s32 $0xD900;
	s16 =	simm.s32 $0x8900;
	[dreg:$0x4] =	wrdreg s5  }
0x17: {  	v0 =	vand.u32 $0x7, v2;
	v2 =	vor.u32 $0x8, v2;
	v1 =	vmul.u32 $0x8, v1;
	s5 =	smax.u32 s1, $0x1;
	s6 =	simm.s32 $0x2;
	s1 =	simm.s32 $0x1  }
.LBB2_1:
0x18: {  	[tilespmem:s2], [sflag:$0x2] =	stream.linear.gather [hbm4b:s3+s2], $0x80, $0x38;
	[tilespmem:$0x10100] =	vst v63  }
0x19: {  	_ =	swait.ge [sflag:s6], $0x80  }
0x1a: {  	s0 =	rddreg [dreg:$0x3];
	[sflag:s6] =	ssyncset.done $0x0  }
0x1b: {  	s8 =	rddreg [dreg:$0x5];
	[sflag:s6] =	ssyncadd.s32 $0xFFFFFF80  }
0x1c: {  	[tilespmem:s8], [sflag:$0x2] =	stream.linear.gather [hbm4b:s0+s2], $0x80, $0x38;
	[tilespmem:$0x10100] =	vst v63  }
0x1d: {  	_ =	swait.ge [sflag:s6], $0x80  }
0x1e: {  	[sflag:s6] =	ssyncset.done $0x0  }
0x1f: {  	[sflag:s6] =	ssyncadd.s32 $0xFFFFFF80  }
0x20: {  	v3 =	vld [tilespmem:$0x0];
	_ =	sdelay $0x4  }
0x21: {  	v4 =	vshll.u32 v3, $0x1  }
0x22: {  	v3 =	vand.u32 $0x7, v3;
	v4 =	vand.u32 $0xFFFFFFF0, v4  }
0x23: {  	v3 =	vor.u32 v3, v4  }
0x24: {  	v4 =	vperm.xlane v3, v0;
	_ =	sdelay $0x1  }
0x25: {  	v3 =	vperm.xlane v3, v2;
	v4 =	vadd.s32 v1, v4;
	_ =	sdelay $0x1  }
0x26: {  	v3 =	vadd.s32 v1, v3;
	_ =	sdelay $0x2  }
0x27: {  	[tilespmem:s7], [sflag:$0x1] =	stream.indirect_vreg.gather [hbm4b:s4+s2], $0x80, v4, vm0, $0xb8;
	[tilespmem:$0x10100] =	vst v63  }
0x28: {  	s8 =	rddreg [dreg:$0x6]  }
0x29: {  	[tilespmem:s8], [sflag:$0x1] =	stream.indirect_vreg.gather [hbm4b:s4+s2], $0x80, v3, vm0, $0xb8;
	[tilespmem:$0x10100] =	vst v63  }
0x2a: {  	v3 =	vld [tilespmem:$0x10];
	_ =	sdelay $0x4  }
0x2b: {  	v49 =	vshll.u32 v3, $0x1  }
0x2c: {  	v3 =	vand.u32 $0x7, v3;
	v4 =	vand.u32 $0xFFFFFFF0, v49  }
0x2d: {  	v3 =	vor.u32 v3, v4  }
0x2e: {  	v4 =	vperm.xlane v3, v0;
	_ =	sdelay $0x1  }
0x2f: {  	v3 =	vperm.xlane v3, v2;
	v4 =	vadd.s32 v1, v4;
	_ =	sdelay $0x1  }
0x30: {  	v3 =	vadd.s32 v1, v3;
	_ =	sdelay $0x1  }
0x31: {  	s0 =	rddreg [dreg:$0x7]  }
0x32: {  	[tilespmem:s0], [sflag:$0x1] =	stream.indirect_vreg.gather [hbm4b:s4+s2], $0x80, v4, vm0, $0xb8;
	[tilespmem:$0x10100] =	vst v63  }
0x33: {  	s8 =	rddreg [dreg:$0x8]  }
0x34: {  	[tilespmem:s8], [sflag:$0x1] =	stream.indirect_vreg.gather [hbm4b:s4+s2], $0x80, v3, vm0, $0xb8;
	[tilespmem:$0x10100] =	vst v63  }
0x35: {  	v3 =	vld [tilespmem:$0x20];
	_ =	sdelay $0x4  }
0x36: {  	v50 =	vshll.u32 v3, $0x1  }
0x37: {  	v3 =	vand.u32 $0x7, v3;
	v4 =	vand.u32 $0xFFFFFFF0, v50  }
0x38: {  	v3 =	vor.u32 v3, v4  }
0x39: {  	v4 =	vperm.xlane v3, v0;
	_ =	sdelay $0x1  }
0x3a: {  	v3 =	vperm.xlane v3, v2;
	v4 =	vadd.s32 v1, v4;
	_ =	sdelay $0x1  }
0x3b: {  	v3 =	vadd.s32 v1, v3;
	_ =	sdelay $0x1  }
0x3c: {  	s0 =	rddreg [dreg:$0x9]  }
0x3d: {  	[tilespmem:s0], [sflag:$0x1] =	stream.indirect_vreg.gather [hbm4b:s4+s2], $0x80, v4, vm0, $0xb8;
	[tilespmem:$0x10100] =	vst v63  }
0x3e: {  	s8 =	rddreg [dreg:$0xa]  }
0x3f: {  	[tilespmem:s8], [sflag:$0x1] =	stream.indirect_vreg.gather [hbm4b:s4+s2], $0x80, v3, vm0, $0xb8;
	[tilespmem:$0x10100] =	vst v63  }
0x40: {  	v3 =	vld [tilespmem:$0x30];
	_ =	sdelay $0x4  }
0x41: {  	v51 =	vshll.u32 v3, $0x1  }
0x42: {  	v3 =	vand.u32 $0x7, v3;
	v4 =	vand.u32 $0xFFFFFFF0, v51  }
0x43: {  	v3 =	vor.u32 v3, v4  }
0x44: {  	v4 =	vperm.xlane v3, v0;
	_ =	sdelay $0x1  }
0x45: {  	v3 =	vperm.xlane v3, v2;
	v4 =	vadd.s32 v1, v4;
	_ =	sdelay $0x1  }
0x46: {  	v3 =	vadd.s32 v1, v3;
	_ =	sdelay $0x1  }
0x47: {  	s0 =	rddreg [dreg:$0xb]  }
0x48: {  	[tilespmem:s0], [sflag:$0x1] =	stream.indirect_vreg.gather [hbm4b:s4+s2], $0x80, v4, vm0, $0xb8;
	[tilespmem:$0x10100] =	vst v63  }
0x49: {  	s8 =	rddreg [dreg:$0xc]  }
0x4a: {  	[tilespmem:s8], [sflag:$0x1] =	stream.indirect_vreg.gather [hbm4b:s4+s2], $0x80, v3, vm0, $0xb8;
	[tilespmem:$0x10100] =	vst v63  }
0x4b: {  	v3 =	vld [tilespmem:$0x40];
	_ =	sdelay $0x4  }
0x4c: {  	v52 =	vshll.u32 v3, $0x1  }
0x4d: {  	v3 =	vand.u32 $0x7, v3;
	v4 =	vand.u32 $0xFFFFFFF0, v52  }
0x4e: {  	v3 =	vor.u32 v3, v4  }
0x4f: {  	v4 =	vperm.xlane v3, v0;
	_ =	sdelay $0x1  }
0x50: {  	v3 =	vperm.xlane v3, v2;
	v4 =	vadd.s32 v1, v4;
	_ =	sdelay $0x1  }
0x51: {  	v3 =	vadd.s32 v1, v3;
	_ =	sdelay $0x1  }
0x52: {  	s8 =	rddreg [dreg:$0xd]  }
0x53: {  	[tilespmem:s8], [sflag:$0x1] =	stream.indirect_vreg.gather [hbm4b:s4+s2], $0x80, v4, vm0, $0xb8;
	[tilespmem:$0x10100] =	vst v63  }
0x54: {  	s8 =	simm.s32 $0x4900  }
0x55: {  	[tilespmem:s8], [sflag:$0x1] =	stream.indirect_vreg.gather [hbm4b:s4+s2], $0x80, v3, vm0, $0xb8;
	[tilespmem:$0x10100] =	vst v63  }
0x56: {  	v3 =	vld [tilespmem:$0x50];
	_ =	sdelay $0x4  }
0x57: {  	v53 =	vshll.u32 v3, $0x1  }
0x58: {  	v3 =	vand.u32 $0x7, v3;
	v4 =	vand.u32 $0xFFFFFFF0, v53  }
0x59: {  	v3 =	vor.u32 v3, v4  }
0x5a: {  	v4 =	vperm.xlane v3, v0;
	_ =	sdelay $0x1  }
0x5b: {  	v3 =	vperm.xlane v3, v2;
	v4 =	vadd.s32 v1, v4;
	_ =	sdelay $0x1  }
0x5c: {  	v3 =	vadd.s32 v1, v3;
	_ =	sdelay $0x2  }
0x5d: {  	[tilespmem:s9], [sflag:$0x1] =	stream.indirect_vreg.gather [hbm4b:s4+s2], $0x80, v4, vm0, $0xb8;
	[tilespmem:$0x10100] =	vst v63  }
0x5e: {  	_ = 	snop  }
0x5f: {  	[tilespmem:s10], [sflag:$0x1] =	stream.indirect_vreg.gather [hbm4b:s4+s2], $0x80, v3, vm0, $0xb8;
	[tilespmem:$0x10100] =	vst v63  }
0x60: {  	v3 =	vld [tilespmem:$0x60];
	_ =	sdelay $0x4  }
0x61: {  	v54 =	vshll.u32 v3, $0x1  }
0x62: {  	v3 =	vand.u32 $0x7, v3;
	v4 =	vand.u32 $0xFFFFFFF0, v54  }
0x63: {  	v3 =	vor.u32 v3, v4  }
0x64: {  	v4 =	vperm.xlane v3, v0;
	_ =	sdelay $0x1  }
0x65: {  	v3 =	vperm.xlane v3, v2;
	v4 =	vadd.s32 v1, v4;
	_ =	sdelay $0x1  }
0x66: {  	v3 =	vadd.s32 v1, v3;
	_ =	sdelay $0x2  }
0x67: {  	[tilespmem:s11], [sflag:$0x1] =	stream.indirect_vreg.gather [hbm4b:s4+s2], $0x80, v4, vm0, $0xb8;
	[tilespmem:$0x10100] =	vst v63  }
0x68: {  	_ = 	snop  }
0x69: {  	[tilespmem:s12], [sflag:$0x1] =	stream.indirect_vreg.gather [hbm4b:s4+s2], $0x80, v3, vm0, $0xb8;
	[tilespmem:$0x10100] =	vst v63  }
0x6a: {  	v3 =	vld [tilespmem:$0x70];
	_ =	sdelay $0x4  }
0x6b: {  	v55 =	vshll.u32 v3, $0x1  }
0x6c: {  	v3 =	vand.u32 $0x7, v3;
	v4 =	vand.u32 $0xFFFFFFF0, v55  }
0x6d: {  	v3 =	vor.u32 v3, v4  }
0x6e: {  	v4 =	vperm.xlane v3, v0;
	_ =	sdelay $0x1  }
0x6f: {  	v3 =	vperm.xlane v3, v2;
	v4 =	vadd.s32 v1, v4;
	_ =	sdelay $0x1  }
0x70: {  	v3 =	vadd.s32 v1, v3;
	_ =	sdelay $0x2  }
0x71: {  	[tilespmem:s13], [sflag:$0x1] =	stream.indirect_vreg.gather [hbm4b:s4+s2], $0x80, v4, vm0, $0xb8;
	[tilespmem:$0x10100] =	vst v63  }
0x72: {  	_ = 	snop  }
0x73: {  	[tilespmem:s14], [sflag:$0x1] =	stream.indirect_vreg.gather [hbm4b:s4+s2], $0x80, v3, vm0, $0xb8;
	[tilespmem:$0x10100] =	vst v63  }
0x74: {  	v3 =	vld [tilespmem:$0x80];
	_ =	sdelay $0x4  }
0x75: {  	v56 =	vshll.u32 v3, $0x1  }
0x76: {  	v3 =	vand.u32 $0x7, v3;
	v4 =	vand.u32 $0xFFFFFFF0, v56  }
0x77: {  	v3 =	vor.u32 v3, v4  }
0x78: {  	v4 =	vperm.xlane v3, v0;
	_ =	sdelay $0x1  }
0x79: {  	v3 =	vperm.xlane v3, v2;
	v4 =	vadd.s32 v1, v4;
	_ =	sdelay $0x1  }
0x7a: {  	v3 =	vadd.s32 v1, v3;
	_ =	sdelay $0x2  }
0x7b: {  	[tilespmem:s15], [sflag:$0x1] =	stream.indirect_vreg.gather [hbm4b:s4+s2], $0x80, v4, vm0, $0xb8;
	[tilespmem:$0x10100] =	vst v63  }
0x7c: {  	_ = 	snop  }
0x7d: {  	[tilespmem:s16], [sflag:$0x1] =	stream.indirect_vreg.gather [hbm4b:s4+s2], $0x80, v3, vm0, $0xb8;
	[tilespmem:$0x10100] =	vst v63  }
0x7e: {  	v3 =	vld [tilespmem:$0x90];
	_ =	sdelay $0x4  }
0x7f: {  	v57 =	vshll.u32 v3, $0x1  }
0x80: {  	v3 =	vand.u32 $0x7, v3;
	v4 =	vand.u32 $0xFFFFFFF0, v57  }
0x81: {  	v3 =	vor.u32 v3, v4  }
0x82: {  	v4 =	vperm.xlane v3, v0;
	_ =	sdelay $0x1  }
0x83: {  	v3 =	vperm.xlane v3, v2;
	v4 =	vadd.s32 v1, v4;
	_ =	sdelay $0x1  }
0x84: {  	v3 =	vadd.s32 v1, v3;
	_ =	sdelay $0x2  }
0x85: {  	[tilespmem:s17], [sflag:$0x1] =	stream.indirect_vreg.gather [hbm4b:s4+s2], $0x80, v4, vm0, $0xb8;
	[tilespmem:$0x10100] =	vst v63  }
0x86: {  	_ = 	snop  }
0x87: {  	[tilespmem:s18], [sflag:$0x1] =	stream.indirect_vreg.gather [hbm4b:s4+s2], $0x80, v3, vm0, $0xb8;
	[tilespmem:$0x10100] =	vst v63  }
0x88: {  	v3 =	vld [tilespmem:$0xA0];
	_ =	sdelay $0x4  }
0x89: {  	v58 =	vshll.u32 v3, $0x1  }
0x8a: {  	v3 =	vand.u32 $0x7, v3;
	v4 =	vand.u32 $0xFFFFFFF0, v58  }
0x8b: {  	v3 =	vor.u32 v3, v4  }
0x8c: {  	v4 =	vperm.xlane v3, v0;
	_ =	sdelay $0x1  }
0x8d: {  	v3 =	vperm.xlane v3, v2;
	v4 =	vadd.s32 v1, v4;
	_ =	sdelay $0x1  }
0x8e: {  	v3 =	vadd.s32 v1, v3;
	_ =	sdelay $0x2  }
0x8f: {  	[tilespmem:s19], [sflag:$0x1] =	stream.indirect_vreg.gather [hbm4b:s4+s2], $0x80, v4, vm0, $0xb8;
	[tilespmem:$0x10100] =	vst v63  }
0x90: {  	_ = 	snop  }
0x91: {  	[tilespmem:s20], [sflag:$0x1] =	stream.indirect_vreg.gather [hbm4b:s4+s2], $0x80, v3, vm0, $0xb8;
	[tilespmem:$0x10100] =	vst v63  }
0x92: {  	v3 =	vld [tilespmem:$0xB0];
	_ =	sdelay $0x4  }
0x93: {  	v59 =	vshll.u32 v3, $0x1  }
0x94: {  	v3 =	vand.u32 $0x7, v3;
	v4 =	vand.u32 $0xFFFFFFF0, v59  }
0x95: {  	v3 =	vor.u32 v3, v4  }
0x96: {  	v4 =	vperm.xlane v3, v0;
	_ =	sdelay $0x1  }
0x97: {  	v3 =	vperm.xlane v3, v2;
	v4 =	vadd.s32 v1, v4;
	_ =	sdelay $0x1  }
0x98: {  	v3 =	vadd.s32 v1, v3;
	_ =	sdelay $0x2  }
0x99: {  	[tilespmem:s21], [sflag:$0x1] =	stream.indirect_vreg.gather [hbm4b:s4+s2], $0x80, v4, vm0, $0xb8;
	[tilespmem:$0x10100] =	vst v63  }
0x9a: {  	_ = 	snop  }
0x9b: {  	[tilespmem:s22], [sflag:$0x1] =	stream.indirect_vreg.gather [hbm4b:s4+s2], $0x80, v3, vm0, $0xb8;
	[tilespmem:$0x10100] =	vst v63  }
0x9c: {  	v3 =	vld [tilespmem:$0xC0];
	_ =	sdelay $0x4  }
0x9d: {  	v60 =	vshll.u32 v3, $0x1  }
0x9e: {  	v3 =	vand.u32 $0x7, v3;
	v4 =	vand.u32 $0xFFFFFFF0, v60  }
0x9f: {  	v3 =	vor.u32 v3, v4  }
0xa0: {  	v4 =	vperm.xlane v3, v0;
	_ =	sdelay $0x1  }
0xa1: {  	v3 =	vperm.xlane v3, v2;
	v4 =	vadd.s32 v1, v4;
	_ =	sdelay $0x1  }
0xa2: {  	v3 =	vadd.s32 v1, v3;
	_ =	sdelay $0x2  }
0xa3: {  	[tilespmem:s23], [sflag:$0x1] =	stream.indirect_vreg.gather [hbm4b:s4+s2], $0x80, v4, vm0, $0xb8;
	[tilespmem:$0x10100] =	vst v63  }
0xa4: {  	_ = 	snop  }
0xa5: {  	[tilespmem:s24], [sflag:$0x1] =	stream.indirect_vreg.gather [hbm4b:s4+s2], $0x80, v3, vm0, $0xb8;
	[tilespmem:$0x10100] =	vst v63  }
0xa6: {  	v3 =	vld [tilespmem:$0xD0];
	_ =	sdelay $0x4  }
0xa7: {  	v61 =	vshll.u32 v3, $0x1  }
0xa8: {  	v3 =	vand.u32 $0x7, v3;
	v4 =	vand.u32 $0xFFFFFFF0, v61  }
0xa9: {  	v3 =	vor.u32 v3, v4  }
0xaa: {  	v4 =	vperm.xlane v3, v0;
	_ =	sdelay $0x1  }
0xab: {  	v3 =	vperm.xlane v3, v2;
	v4 =	vadd.s32 v1, v4;
	_ =	sdelay $0x1  }
0xac: {  	v3 =	vadd.s32 v1, v3;
	_ =	sdelay $0x2  }
0xad: {  	[tilespmem:s25], [sflag:$0x1] =	stream.indirect_vreg.gather [hbm4b:s4+s2], $0x80, v4, vm0, $0xb8;
	[tilespmem:$0x10100] =	vst v63  }
0xae: {  	_ = 	snop  }
0xaf: {  	[tilespmem:s26], [sflag:$0x1] =	stream.indirect_vreg.gather [hbm4b:s4+s2], $0x80, v3, vm0, $0xb8;
	[tilespmem:$0x10100] =	vst v63  }
0xb0: {  	v3 =	vld [tilespmem:$0xE0];
	_ =	sdelay $0x4  }
0xb1: {  	v62 =	vshll.u32 v3, $0x1  }
0xb2: {  	v3 =	vand.u32 $0x7, v3;
	v4 =	vand.u32 $0xFFFFFFF0, v62  }
0xb3: {  	v3 =	vor.u32 v3, v4  }
0xb4: {  	v4 =	vperm.xlane v3, v0;
	_ =	sdelay $0x1  }
0xb5: {  	v3 =	vperm.xlane v3, v2;
	v4 =	vadd.s32 v1, v4;
	_ =	sdelay $0x1  }
0xb6: {  	v3 =	vadd.s32 v1, v3;
	_ =	sdelay $0x2  }
0xb7: {  	[tilespmem:s28], [sflag:$0x1] =	stream.indirect_vreg.gather [hbm4b:s4+s2], $0x80, v4, vm0, $0xb8;
	[tilespmem:$0x10100] =	vst v63  }
0xb8: {  	_ = 	snop  }
0xb9: {  	[tilespmem:s29], [sflag:$0x1] =	stream.indirect_vreg.gather [hbm4b:s4+s2], $0x80, v3, vm0, $0xb8;
	[tilespmem:$0x10100] =	vst v63  }
0xba: {  	v3 =	vld [tilespmem:$0xF0];
	_ =	sdelay $0x4  }
0xbb: {  	v63 =	vshll.u32 v3, $0x1  }
0xbc: {  	v3 =	vand.u32 $0x7, v3;
	v4 =	vand.u32 $0xFFFFFFF0, v63  }
0xbd: {  	v3 =	vor.u32 v3, v4  }
0xbe: {  	v4 =	vperm.xlane v3, v0;
	_ =	sdelay $0x1  }
0xbf: {  	v3 =	vperm.xlane v3, v2;
	v4 =	vadd.s32 v1, v4;
	_ =	sdelay $0x1  }
0xc0: {  	v3 =	vadd.s32 v1, v3;
	_ =	sdelay $0x2  }
0xc1: {  	[tilespmem:s30], [sflag:$0x1] =	stream.indirect_vreg.gather [hbm4b:s4+s2], $0x80, v4, vm0, $0xb8;
	[tilespmem:$0x10100] =	vst v63  }
0xc2: {  	_ = 	snop  }
0xc3: {  	[tilespmem:s31], [sflag:$0x1] =	stream.indirect_vreg.gather [hbm4b:s4+s2], $0x80, v3, vm0, $0xb8;
	[tilespmem:$0x10100] =	vst v63  }
0xc4: {  	_ =	swait.ge [sflag:s1], $0x8000  }
0xc5: {  	[sflag:s1] =	ssyncset.done $0x0  }
0xc6: {  	[sflag:s1] =	ssyncadd.s32 $0xFFFF8000  }
0xc7: {  	_ =	swait.ge [sflag:s1], $0x8000  }
0xc8: {  	p0 =	sne.s32 s5, $0x1;
	[sflag:s1] =	ssyncset.done $0x0  }
.Ltmp0:
0xc9: {  	s8 =	rddreg [dreg:$0x4];
	[sflag:s1] =	ssyncadd.s32 $0xFFFF8000;
	(pc) =	sbr.rel @p0 .LBB2_1-.Ltmp0, $4  }
0xca: {  	[hbm4b:s8+s2] =	stream.linear.scatter [tilespmem:s7], [sflag:$0x2], $0x10000, $0x38;
	[tilespmem:$0x10100] =	vst v63  }
0xcb: {  	_ =	swait.ge [sflag:s6], $0x10000  }
0xcc: {  	[sflag:s6] =	ssyncset.done $0x0  }
0xcd: {  	s5 =	sadd.s32 $0xFFFFFFFF, s5;
	[sflag:s6] =	ssyncadd.s32 $0xFFFF0000  }
0xce: {  	_ =	sfence.sel $0x180000  }
0xcf: {  	[bflag:$0x0] =	sbarrier.arrive $0xFFFF  }
0xd0: {  	_ =	strace $0x9000004A  }
0xd1: {  	s0 =	stileid.u32;
	[bflag:$0x2] =	sbarrier.arrive $0xFFFF  }
0xd2: {  	p0 =	sne.s32 s0, $0x0;
	s0 =	rddreg [dreg:$0x2]  }
0xd3: {  	s0 =	sadd.s32 @!p0 $0x100000, s0  }
0xd4: {  	[sflag:s0] =	ssyncadd.tile.s32 @!p0 $0x1;
	_ =	shalt  }
.Lfunc_end2:
_tile_overlayer_lowered:
.L_overlay_start_2:
0xd5: {  	(tag) =	ssettag $0x2  }
0xd6: {  	s0 =	rddreg [dreg:$0x0];
	s2 =	stileid.u32  }
0xd7: {  	s1 =	rddreg [dreg:$0x1];
	p0 =	sne.s32 s2, $0x0  }
0xd8: {  	s3 =	rddreg [dreg:$0x2];
	[bflag:$0x3] =	sbarrier.arrive $0xFFFF;
	s2 =	simm.s32 @!p0 $0x1C02  }
0xd9: {  	[timem:s3], [sflag:s2] =	dma.local @!p0 [hbm:s0], s1  }
0xda: {  	s0 =	simm.s32 @!p0 $0x2  }
0xdb: {  	_ =	swait.ge @!p0 [sflag:s0], s1  }
0xdc: {  	s1 =	ssub.s32 @!p0 $0x0, s1;
	[sflag:s0] =	ssyncset.done @!p0 $0x0  }
0xdd: {  	[sflag:s0] =	ssyncadd.s32 @!p0 s1  }
0xde: {  	[bflag:$0x3] =	sbarrier.arrive $0xFFFF  }
0xdf: {  	_ =	shalt  }

// kernel: kernel.21.cloned.1.call-start
scs
__scs_entry_jumppad:
0x0: {  	(pc) =	sbr.rel $0x88, $3  }
0x1: {  	(tag) =	ssettag $0x0;
	lr =	simm.s32 $0x1  }
0x2: {  	[smem:$0x3F9F] =	sst lr;
	_ =	strace $0xD0000000  }
0x3: {  	_ = 	snop  }
0x4: {  	_ = 	snop  }
0x5: {  	_ = 	snop  }
0x6: {  	_ = 	snop  }
0x7: {  	_ = 	snop  }
__scs_overlays_trampoline_lowered:
0x8: {  	[smem:$0x3FAE] =	sst s0  }
0x9: {  	[smem:$0x3FAF] =	sst s1  }
0xa: {  	[smem:$0x3FB0] =	sst s2  }
0xb: {  	[smem:$0x3FB1] =	sst s3  }
0xc: {  	[smem:$0x3FB2] =	sst s4  }
0xd: {  	[smem:$0x3FB3] =	sst s5  }
0xe: {  	[smem:$0x3FB4] =	sst s6  }
0xf: {  	[smem:$0x3FB5] =	sst s7  }
0x10: {  	[smem:$0x3FB6] =	sst s8  }
0x11: {  	[smem:$0x3FB7] =	sst s9;
	s0 =	simm.s32 @!p0 $0x0  }
0x12: {  	s1 =	sld [smem:$0x3F9D];
	s0 =	simm.s32 @p0 $0x1  }
0x13: {  	[smem:$0x3FB8] =	sst s0;
	s0 =	simm.s32 @!p1 $0x0  }
0x14: {  	s2 =	sld [smem:$0x3F9C];
	s0 =	simm.s32 @p1 $0x1  }
0x15: {  	[smem:$0x3FB9] =	sst s0;
	s0 =	simm.s32 @!p2 $0x0  }
0x16: {  	s3 =	sld [smem:$0x3FDB];
	s0 =	simm.s32 @p2 $0x1  }
0x17: {  	s4 =	simm.s32 $0x1BF5;
	[smem:$0x3FBB] =	sst s0  }
0x18: {  	s0 =	sld [smem:$0x3F9E];
	_ =	swait.ge [sflag:s4], $0x0  }
0x19: {  	s7 =	sld [smem:$0x3F9F]  }
0x1a: {  	s8 =	sadd.s32 $0xFFFFE003, lr  }
0x1b: {  	s9 =	sadd.s32 $0xFFFFFEF7, lr;
	s5 =	simm.s32 $0xFFFFFFFF;
	p2 =	slt.u32 s8, $0xFFFFF086  }
0x1c: {  	p1 =	slt.u32 s9, $0xF7A;
	s5 =	simm.s32 @!p2 $0x0  }
0x1d: {  	s5 =	simm.s32 @p1 $0x1;
	p0 =	seq.s32 s7, s2  }
0x1e: {  	s7 =	smul.u32 @!p0 $0xF7A, s2;
	p2 =	seq.s32 @!p0 s5, $0x0  }
0x1f: {  	s9 =	smul.u32 $0xF7A, s1;
	s8 =	simm.s32 @!p0 $0x1BF5;
	p2 =	por !p2, p0  }
0x20: {  	[sflag:s8] =	ssyncset.s32 @!p0 $0xFFFFF086;
	s6 =	sadd.s32 @!p0 s3, s7;
	s7 =	simm.s32 @!p0 $0x108  }
0x21: {  	s3 =	sadd.s32 s3, s9;
	s6 =	sadd.s32 @!p0 $0x88, s6;
	s7 =	simm.s32 @p2 $0x1082  }
0x22: {  	[simem:s7], [sflag:s8] =	dma.local @!p0 [hbm:s6], $0xF7A  }
0x23: {  	s9 =	sor.u32 $0xD0000000, s2;
	s6 =	simm.s32 $0x108;
	_ =	swait.ge @!p0 [sflag:s8], $0x0  }
0x24: {  	s3 =	sadd.s32 $0x88, s3;
	s6 =	simm.s32 @!p1 $0x1082;
	[sflag:s4] =	ssyncset.s32 $0xFFFFF086  }
0x25: {  	[simem:s6], [sflag:s4] =	dma.local [hbm:s3], $0xF7A  }
0x26: {  	[smem:$0x3F9F] =	sst s1;
	(tag) =	ssettag s2;
	_ =	strace s9  }
0x27: {  	s1 =	sld [smem:$0x3FAF]  }
0x28: {  	s2 =	sld [smem:$0x3FB0]  }
0x29: {  	s4 =	sld [smem:$0x3FB2]  }
0x2a: {  	p0 =	seq.s32 s5, $0x0;
	s5 =	sld [smem:$0x3FB3]  }
0x2b: {  	s6 =	sld [smem:$0x3FB4]  }
0x2c: {  	s7 =	sld [smem:$0x3FB5]  }
0x2d: {  	s3 =	simm.s32 $0x108;
	s8 =	sld [smem:$0x3FB6]  }
0x2e: {  	s3 =	simm.s32 @!p0 $0x1082;
	s9 =	sld [smem:$0x3FB7]  }
0x2f: {  	lr =	sadd.s32 s0, s3;
	s0 =	sld [smem:$0x3FAE]  }
0x30: {  	s3 =	sld [smem:$0x3FB1]  }
0x31: {  	[smem:$0x3FBA] =	sst s10  }
0x32: {  	s10 =	sld [smem:$0x3FB8];
	_ =	sdelay $0x3  }
0x33: {  	p0 =	seq.s32 s10, $0x1;
	s10 =	sld [smem:$0x3FBA];
	_ =	sdelay $0x3  }
0x34: {  	[smem:$0x3FBA] =	sst s10  }
0x35: {  	s10 =	sld [smem:$0x3FB9];
	_ =	sdelay $0x3  }
0x36: {  	p1 =	seq.s32 s10, $0x1;
	s10 =	sld [smem:$0x3FBA];
	_ =	sdelay $0x3  }
0x37: {  	[smem:$0x3FBA] =	sst s10  }
0x38: {  	s10 =	sld [smem:$0x3FBB]  }
0x39: {  	_ = 	snop;
	(pc) =	sbr.ind lr, $3  }
0x3a: {  	_ = 	snop  }
0x3b: {  	_ = 	snop  }
0x3c: {  	p2 =	seq.s32 s10, $0x1;
	s10 =	sld [smem:$0x3FBA]  }
0x3d: {  	_ =	shalt  }
0x3e: {  	_ =	shalt  }
0x3f: {  	_ =	shalt  }
0x40: {  	_ =	shalt  }
0x41: {  	_ =	shalt  }
0x42: {  	_ =	shalt  }
0x43: {  	_ =	shalt  }
0x44: {  	_ =	shalt  }
0x45: {  	_ =	shalt  }
0x46: {  	_ =	shalt  }
0x47: {  	_ =	shalt  }
0x48: {  	_ =	shalt  }
0x49: {  	_ =	shalt  }
0x4a: {  	_ =	shalt  }
0x4b: {  	_ =	shalt  }
0x4c: {  	_ =	shalt  }
0x4d: {  	_ =	shalt  }
0x4e: {  	_ =	shalt  }
0x4f: {  	_ =	shalt  }
0x50: {  	_ =	shalt  }
0x51: {  	_ =	shalt  }
0x52: {  	_ =	shalt  }
0x53: {  	_ =	shalt  }
0x54: {  	_ =	shalt  }
0x55: {  	_ =	shalt  }
0x56: {  	_ =	shalt  }
0x57: {  	_ =	shalt  }
0x58: {  	_ =	shalt  }
0x59: {  	_ =	shalt  }
0x5a: {  	_ =	shalt  }
0x5b: {  	_ =	shalt  }
0x5c: {  	_ =	shalt  }
0x5d: {  	_ =	shalt  }
0x5e: {  	_ =	shalt  }
0x5f: {  	_ =	shalt  }
0x60: {  	_ =	shalt  }
0x61: {  	_ =	shalt  }
0x62: {  	_ =	shalt  }
0x63: {  	_ =	shalt  }
0x64: {  	_ =	shalt  }
0x65: {  	_ =	shalt  }
0x66: {  	_ =	shalt  }
0x67: {  	_ =	shalt  }
0x68: {  	_ =	shalt  }
0x69: {  	_ =	shalt  }
0x6a: {  	_ =	shalt  }
0x6b: {  	_ =	shalt  }
0x6c: {  	_ =	shalt  }
0x6d: {  	_ =	shalt  }
0x6e: {  	_ =	shalt  }
0x6f: {  	_ =	shalt  }
0x70: {  	_ =	shalt  }
0x71: {  	_ =	shalt  }
0x72: {  	_ =	shalt  }
0x73: {  	_ =	shalt  }
0x74: {  	_ =	shalt  }
0x75: {  	_ =	shalt  }
0x76: {  	_ =	shalt  }
0x77: {  	_ =	shalt  }
0x78: {  	_ =	shalt  }
0x79: {  	_ =	shalt  }
0x7a: {  	_ =	shalt  }
0x7b: {  	_ =	shalt  }
0x7c: {  	_ =	shalt  }
0x7d: {  	_ =	shalt  }
0x7e: {  	_ =	shalt  }
0x7f: {  	_ =	shalt  }
0x80: {  	_ =	shalt  }
0x81: {  	_ =	shalt  }
0x82: {  	_ =	shalt  }
0x83: {  	_ =	shalt  }
0x84: {  	_ =	shalt  }
0x85: {  	_ =	shalt  }
0x86: {  	_ =	shalt  }
0x87: {  	_ =	shalt  }
.Lfunc_end0:
.L_simem_size_0:
called_computation.2_lowered:
.L_overlay_start_0:
0x88: {  	s2 =	sld [smem:$0x3FD9]  }
0x89: {  	s3 =	sld [smem:$0x3FFE];
	_ =	sdelay $0x1  }
0x8a: {  	s1 =	srdreg.scid  }
0x8b: {  	s0 =	sand.u32 $0x1, s1  }
0x8c: {  	s14 =	sshll.u32 s0, $0xA;
	s2 =	sadd.s32 s3, s2  }
0x8d: {  	s2 =	sadd.s32 s2, s14  }
0x8e: {  	[smem:$0x3FC6] =	sst s2  }
0x8f: {  	_ = 	snop  }
0x90: {  	s2 =	sld [smem:$0x3FD0];
	_ =	sdelay $0x2  }
0x91: {  	s15 =	simm.s32 $0xA;
	s4 =	simm.s32 $0x10  }
0x92: {  	[smem:s4], [sflag:s15] =	dma.local [hbm:s2], $0x1  }
0x93: {  	_ =	swait.eq [sflag:s15], $0x1  }
0x94: {  	[sflag:s15] =	ssyncset.done $0x0  }
0x95: {  	s16 =	sld [smem:$0x10];
	[sflag:s15] =	ssyncadd.s32 $0xFFFFFFFF  }
0x96: {  	s17 =	sld [smem:$0x12];
	(tm) =	ssettm $0x1  }
0x97: {  	s18 =	sld [smem:$0x3FFB];
	_ =	sdelay $0x3  }
0x98: {  	_ =	strace s18  }
0x99: {  	s4 =	sld [smem:$0x3FFC];
	_ =	sdelay $0x3  }
0x9a: {  	_ =	strace s4  }
0x9b: {  	s4 =	sld [smem:$0x3FFD];
	_ =	sdelay $0x3  }
0x9c: {  	_ =	strace s4  }
0x9d: {  	_ =	strace $0x8FFFFFFF  }
0x9e: {  	s19 =	sld [smem:$0x3FDB];
	_ =	sdelay $0x1  }
0x9f: {  	s5 =	simm.s32 $_scs_section_size  }
0xa0: {  	s6 =	simm.s32 $_size__tile_overlayer_lowered;
	s7 =	simm.s32 $_tile_overlayer_lowered  }
0xa1: {  	s22 =	simm.s32 $0x1BFF;
	s21 =	sshll.u32 s7, $0x1;
	s4 =	sadd.s32 s5, s19  }
0xa2: {  	s8 =	simm.s32 $0x0;
	s20 =	sshll.u32 s6, $0x1;
	s6 =	sadd.s32 s21, s4  }
0xa3: {  	[timem:s8], [sflag:s22] =	dma.local [hbm:s6], s20  }
0xa4: {  	_ =	swait.ge [sflag:s22], s20  }
0xa5: {  	s5 =	ssub.s32 $0x0, s20;
	[sflag:s22] =	ssyncset.done $0x0  }
0xa6: {  	[sflag:s22] =	ssyncadd.s32 s5;
	_ =	sdelay $0x1  }
0xa7: {  	s23 =	simm.s32 $0x1B8B  }
0xa8: {  	_ =	swait.ge [sflag:s23], $0x1  }
0xa9: {  	[sflag:s23] =	ssyncset.done $0x0  }
0xaa: {  	s25 =	simm.s32 $0x1B8E;
	s24 =	sld [smem:$0x3FFE];
	[sflag:s23] =	ssyncadd.s32 $0xFFFFFFFF  }
0xab: {  	s26 =	simm.s32 $execute0_lowered;
	[smem:$0x3FD2] =	sst s25  }
0xac: {  	s6 =	sshll.u32 s26, $0x1;
	_ =	strace $0x8000004C;
	[dreg:$0x1] =	wrdreg $0xFFFFFFFF  }
0xad: {  	s28 =	simm.s32 $_size_execute0_lowered;
	s4 =	sadd.s32 s4, s6;
	[dreg:$0x0] =	wrdreg $0x0  }
0xae: {  	s6 =	sshll.u32 s28, $0x1;
	[dreg:$0x2] =	wrdreg s4  }
0xaf: {  	[dreg:$0x3] =	wrdreg s6  }
0xb0: {  	[dreg:$0x4] =	wrdreg $0xC0  }
0xb1: {  	_ =	task [dreg:s8], $0x5FFFF  }
0xb2: {  	[dreg:$0x1] =	wrdreg $0xFFFFFFFF  }
0xb3: {  	[dreg:$0x0] =	wrdreg $0x60  }
0xb4: {  	[dreg:$0x2] =	wrdreg s16  }
0xb5: {  	[dreg:$0x3] =	wrdreg s17  }
0xb6: {  	[dreg:$0x4] =	wrdreg s24  }
0xb7: {  	[dreg:$0x5] =	wrdreg $0x9  }
0xb8: {  	_ =	task.clear_ibuf [dreg:s8], $0x6FFFF;
	_ =	strace $0x9000004C  }
0xb9: {  	s29 =	simm.s32 $0x9;
	_ =	strace $0x8000004E  }
0xba: {  	_ =	swait.ge [sflag:s29], $0x1  }
0xbb: {  	[sflag:s29] =	ssyncadd.s32 $0xFFFFFFFF  }
0xbc: {  	_ =	strace $0x9000004E  }
0xbd: {  	_ =	sfence  }
0xbe: {  	s30 =	sld [smem:$0x0];
	_ =	sdelay $0x2  }
0xbf: {  	s31 =	sshll.u32 s1, $0xD;
	s1 =	sshrl.u32 s1, $0x2  }
0xc0: {  	s3 =	sand.u32 $0x4000, s31;
	s1 =	sadd.s32 s1, s30  }
0xc1: {  	s0 =	sor.u32 s3, s0;
	s1 =	sshll.u32 s1, $0x11  }
0xc2: {  	s0 =	sor.u32 s1, s0  }
0xc3: {  	s0 =	sadd.s32 $0x8F2B, s0  }
0xc4: {  	[sflag:s0] =	ssyncadd.remote.s32 $0x1  }
0xc5: {  	_ =	sfence.sel $0xFFFF  }
0xc6: {  	[dreg:$0x0] =	wrdreg $0xFFFFFFFF;
	(pc) =	sbr.abs _section_cstart, $3  }
0xc7: {  	[dreg:$0x1] =	wrdreg $0xFFFFFFFF  }
0xc8: {  	_ =	task.clear_ibuf [dreg:s8], $0x2FFFF;
	_ =	strace $0x9FFFFFFF  }
0xc9: {  	(tm) =	ssettm $0x7FFFFFFF  }
tec
execute0_lowered:
.L_overlay_start_1:
0x0: {  	(tag) =	ssettag $0x1  }
0x1: {  	s2 =	srdreg.scid;
	s1 =	rddreg [dreg:$0x0]  }
0x2: {  	s0 =	stileid.u32;
	s4 =	rddreg [dreg:$0x1]  }
0x3: {  	s6 =	rddreg [dreg:$0x2];
	s17 =	simm.s32 $0x80;
	s18 =	simm.s32 $0x900  }
0x4: {  	s19 =	simm.s32 $0x1100;
	s20 =	simm.s32 $0x1900;
	s21 =	simm.s32 $0x2100  }
0x5: {  	s22 =	simm.s32 $0x2900;
	s24 =	simm.s32 $0x3100;
	s25 =	simm.s32 $0x3900  }
0x6: {  	s26 =	simm.s32 $0x4100;
	s9 =	simm.s32 $0x5100;
	s2 =	sand.u32 $0x1, s2  }
0x7: {  	s10 =	simm.s32 $0x5900;
	s3 =	sshll.u32 s0, $0x9;
	s5 =	sshll.u32 s2, $0x8  }
0x8: {  	s11 =	simm.s32 $0x6100;
	s5 =	sor.u32 s5, s3;
	s3 =	simm.s32 $0x0  }
0x9: {  	s12 =	simm.s32 $0x6900;
	s13 =	simm.s32 $0x7100;
	[smem:$0x7FF] =	sst s3  }
0xa: {  	s14 =	simm.s32 $0x7900;
	_ =	strace $0x8000004D;
	[dreg:$0x6] =	wrdreg s17  }
0xb: {  	s15 =	simm.s32 $0x8100;
	s28 =	simm.s32 $0xE100;
	[dreg:$0x7] =	wrdreg s18  }
0xc: {  	s29 =	simm.s32 $0xE900;
	s30 =	simm.s32 $0xF100;
	[dreg:$0x8] =	wrdreg s19  }
0xd: {  	s31 =	simm.s32 $0xF900;
	s2 =	ssub.s32 $0x2, s2;
	[dreg:$0x9] =	wrdreg s20  }
0xe: {  	s23 =	sshrl.u32 s2, $0x1;
	s7 =	sshrl.u32 s5, $0x3;
	[dreg:$0xa] =	wrdreg s21  }
0xf: {  	s5 =	sshll.u32 s5, $0x5;
	s2 =	ssub.s32 s2, s23;
	[dreg:$0xb] =	wrdreg s22  }
0x10: {  	s23 =	simm.s32 $0xC100;
	s4 =	sadd.s32 s4, s7;
	[dreg:$0xc] =	wrdreg s24  }
0x11: {  	s5 =	sadd.s32 s5, s6;
	[dreg:$0xd] =	wrdreg s25;
	s6 =	simm.s32 $0x2  }
0x12: {  	s7 =	simm.s32 $0x100;
	[dreg:$0xe] =	wrdreg s26;
	s17 =	simm.s32 $0x9100  }
0x13: {  	s18 =	simm.s32 $0x9900;
	s19 =	simm.s32 $0xA100;
	s20 =	simm.s32 $0xA900  }
0x14: {  	s21 =	simm.s32 $0xB100;
	s22 =	simm.s32 $0xB900;
	s16 =	sadd.s32 $0x10, s4  }
0x15: {  	v2 =	vlaneseq.u32;
	s24 =	simm.s32 $0xC900;
	s5 =	sadd.s32 $0x124C00, s5;
	[dreg:$0x4] =	wrdreg s16  }
0x16: {  	vm0 =	vmmov $0xffff;
	v1 =	vshrl.u32 v2, $0x3;
	s25 =	simm.s32 $0xD100;
	s26 =	simm.s32 $0xD900;
	[dreg:$0x5] =	wrdreg s5  }
0x17: {  	v0 =	vand.u32 $0x7, v2;
	v2 =	vor.u32 $0x8, v2;
	v1 =	vmul.u32 $0x8, v1;
	s5 =	smax.u32 s2, $0x1;
	s16 =	simm.s32 $0x8900;
	s2 =	simm.s32 $0x1  }
.LBB2_1:
0x18: {  	[tilespmem:s3], [sflag:$0x2] =	stream.linear.gather [hbm4b:s4+s3], $0x80, $0x38;
	[tilespmem:$0x10100] =	vst v63  }
0x19: {  	_ =	swait.ge [sflag:s6], $0x80  }
0x1a: {  	s0 =	rddreg [dreg:$0x4];
	[sflag:s6] =	ssyncset.done $0x0  }
0x1b: {  	s8 =	rddreg [dreg:$0x6];
	[sflag:s6] =	ssyncadd.s32 $0xFFFFFF80  }
0x1c: {  	[tilespmem:s8], [sflag:$0x2] =	stream.linear.gather [hbm4b:s0+s3], $0x80, $0x38;
	[tilespmem:$0x10100] =	vst v63  }
0x1d: {  	_ =	swait.ge [sflag:s6], $0x80  }
0x1e: {  	[sflag:s6] =	ssyncset.done $0x0  }
0x1f: {  	[sflag:s6] =	ssyncadd.s32 $0xFFFFFF80  }
0x20: {  	v3 =	vld [tilespmem:$0x0];
	_ =	sdelay $0x4  }
0x21: {  	v4 =	vshll.u32 v3, $0x1  }
0x22: {  	v3 =	vand.u32 $0x7, v3;
	v4 =	vand.u32 $0xFFFFFFF0, v4  }
0x23: {  	v3 =	vor.u32 v3, v4  }
0x24: {  	v4 =	vperm.xlane v3, v0;
	_ =	sdelay $0x1  }
0x25: {  	v3 =	vperm.xlane v3, v2;
	v4 =	vadd.s32 v1, v4;
	_ =	sdelay $0x1  }
0x26: {  	v3 =	vadd.s32 v1, v3;
	_ =	sdelay $0x2  }
0x27: {  	[tilespmem:s7], [sflag:$0x1] =	stream.indirect_vreg.gather [hbm4b:s1+s3], $0x80, v4, vm0, $0xb8;
	[tilespmem:$0x10100] =	vst v63  }
0x28: {  	s8 =	rddreg [dreg:$0x7]  }
0x29: {  	[tilespmem:s8], [sflag:$0x1] =	stream.indirect_vreg.gather [hbm4b:s1+s3], $0x80, v3, vm0, $0xb8;
	[tilespmem:$0x10100] =	vst v63  }
0x2a: {  	v3 =	vld [tilespmem:$0x10];
	_ =	sdelay $0x4  }
0x2b: {  	v49 =	vshll.u32 v3, $0x1  }
0x2c: {  	v3 =	vand.u32 $0x7, v3;
	v4 =	vand.u32 $0xFFFFFFF0, v49  }
0x2d: {  	v3 =	vor.u32 v3, v4  }
0x2e: {  	v4 =	vperm.xlane v3, v0;
	_ =	sdelay $0x1  }
0x2f: {  	v3 =	vperm.xlane v3, v2;
	v4 =	vadd.s32 v1, v4;
	_ =	sdelay $0x1  }
0x30: {  	v3 =	vadd.s32 v1, v3;
	_ =	sdelay $0x1  }
0x31: {  	s0 =	rddreg [dreg:$0x8]  }
0x32: {  	[tilespmem:s0], [sflag:$0x1] =	stream.indirect_vreg.gather [hbm4b:s1+s3], $0x80, v4, vm0, $0xb8;
	[tilespmem:$0x10100] =	vst v63  }
0x33: {  	s8 =	rddreg [dreg:$0x9]  }
0x34: {  	[tilespmem:s8], [sflag:$0x1] =	stream.indirect_vreg.gather [hbm4b:s1+s3], $0x80, v3, vm0, $0xb8;
	[tilespmem:$0x10100] =	vst v63  }
0x35: {  	v3 =	vld [tilespmem:$0x20];
	_ =	sdelay $0x4  }
0x36: {  	v50 =	vshll.u32 v3, $0x1  }
0x37: {  	v3 =	vand.u32 $0x7, v3;
	v4 =	vand.u32 $0xFFFFFFF0, v50  }
0x38: {  	v3 =	vor.u32 v3, v4  }
0x39: {  	v4 =	vperm.xlane v3, v0;
	_ =	sdelay $0x1  }
0x3a: {  	v3 =	vperm.xlane v3, v2;
	v4 =	vadd.s32 v1, v4;
	_ =	sdelay $0x1  }
0x3b: {  	v3 =	vadd.s32 v1, v3;
	_ =	sdelay $0x1  }
0x3c: {  	s0 =	rddreg [dreg:$0xa]  }
0x3d: {  	[tilespmem:s0], [sflag:$0x1] =	stream.indirect_vreg.gather [hbm4b:s1+s3], $0x80, v4, vm0, $0xb8;
	[tilespmem:$0x10100] =	vst v63  }
0x3e: {  	s8 =	rddreg [dreg:$0xb]  }
0x3f: {  	[tilespmem:s8], [sflag:$0x1] =	stream.indirect_vreg.gather [hbm4b:s1+s3], $0x80, v3, vm0, $0xb8;
	[tilespmem:$0x10100] =	vst v63  }
0x40: {  	v3 =	vld [tilespmem:$0x30];
	_ =	sdelay $0x4  }
0x41: {  	v51 =	vshll.u32 v3, $0x1  }
0x42: {  	v3 =	vand.u32 $0x7, v3;
	v4 =	vand.u32 $0xFFFFFFF0, v51  }
0x43: {  	v3 =	vor.u32 v3, v4  }
0x44: {  	v4 =	vperm.xlane v3, v0;
	_ =	sdelay $0x1  }
0x45: {  	v3 =	vperm.xlane v3, v2;
	v4 =	vadd.s32 v1, v4;
	_ =	sdelay $0x1  }
0x46: {  	v3 =	vadd.s32 v1, v3;
	_ =	sdelay $0x1  }
0x47: {  	s0 =	rddreg [dreg:$0xc]  }
0x48: {  	[tilespmem:s0], [sflag:$0x1] =	stream.indirect_vreg.gather [hbm4b:s1+s3], $0x80, v4, vm0, $0xb8;
	[tilespmem:$0x10100] =	vst v63  }
0x49: {  	s8 =	rddreg [dreg:$0xd]  }
0x4a: {  	[tilespmem:s8], [sflag:$0x1] =	stream.indirect_vreg.gather [hbm4b:s1+s3], $0x80, v3, vm0, $0xb8;
	[tilespmem:$0x10100] =	vst v63  }
0x4b: {  	v3 =	vld [tilespmem:$0x40];
	_ =	sdelay $0x4  }
0x4c: {  	v52 =	vshll.u32 v3, $0x1  }
0x4d: {  	v3 =	vand.u32 $0x7, v3;
	v4 =	vand.u32 $0xFFFFFFF0, v52  }
0x4e: {  	v3 =	vor.u32 v3, v4  }
0x4f: {  	v4 =	vperm.xlane v3, v0;
	_ =	sdelay $0x1  }
0x50: {  	v3 =	vperm.xlane v3, v2;
	v4 =	vadd.s32 v1, v4;
	_ =	sdelay $0x1  }
0x51: {  	v3 =	vadd.s32 v1, v3;
	_ =	sdelay $0x1  }
0x52: {  	s8 =	rddreg [dreg:$0xe]  }
0x53: {  	[tilespmem:s8], [sflag:$0x1] =	stream.indirect_vreg.gather [hbm4b:s1+s3], $0x80, v4, vm0, $0xb8;
	[tilespmem:$0x10100] =	vst v63  }
0x54: {  	s8 =	simm.s32 $0x4900  }
0x55: {  	[tilespmem:s8], [sflag:$0x1] =	stream.indirect_vreg.gather [hbm4b:s1+s3], $0x80, v3, vm0, $0xb8;
	[tilespmem:$0x10100] =	vst v63  }
0x56: {  	v3 =	vld [tilespmem:$0x50];
	_ =	sdelay $0x4  }
0x57: {  	v53 =	vshll.u32 v3, $0x1  }
0x58: {  	v3 =	vand.u32 $0x7, v3;
	v4 =	vand.u32 $0xFFFFFFF0, v53  }
0x59: {  	v3 =	vor.u32 v3, v4  }
0x5a: {  	v4 =	vperm.xlane v3, v0;
	_ =	sdelay $0x1  }
0x5b: {  	v3 =	vperm.xlane v3, v2;
	v4 =	vadd.s32 v1, v4;
	_ =	sdelay $0x1  }
0x5c: {  	v3 =	vadd.s32 v1, v3;
	_ =	sdelay $0x2  }
0x5d: {  	[tilespmem:s9], [sflag:$0x1] =	stream.indirect_vreg.gather [hbm4b:s1+s3], $0x80, v4, vm0, $0xb8;
	[tilespmem:$0x10100] =	vst v63  }
0x5e: {  	_ = 	snop  }
0x5f: {  	[tilespmem:s10], [sflag:$0x1] =	stream.indirect_vreg.gather [hbm4b:s1+s3], $0x80, v3, vm0, $0xb8;
	[tilespmem:$0x10100] =	vst v63  }
0x60: {  	v3 =	vld [tilespmem:$0x60];
	_ =	sdelay $0x4  }
0x61: {  	v54 =	vshll.u32 v3, $0x1  }
0x62: {  	v3 =	vand.u32 $0x7, v3;
	v4 =	vand.u32 $0xFFFFFFF0, v54  }
0x63: {  	v3 =	vor.u32 v3, v4  }
0x64: {  	v4 =	vperm.xlane v3, v0;
	_ =	sdelay $0x1  }
0x65: {  	v3 =	vperm.xlane v3, v2;
	v4 =	vadd.s32 v1, v4;
	_ =	sdelay $0x1  }
0x66: {  	v3 =	vadd.s32 v1, v3;
	_ =	sdelay $0x2  }
0x67: {  	[tilespmem:s11], [sflag:$0x1] =	stream.indirect_vreg.gather [hbm4b:s1+s3], $0x80, v4, vm0, $0xb8;
	[tilespmem:$0x10100] =	vst v63  }
0x68: {  	_ = 	snop  }
0x69: {  	[tilespmem:s12], [sflag:$0x1] =	stream.indirect_vreg.gather [hbm4b:s1+s3], $0x80, v3, vm0, $0xb8;
	[tilespmem:$0x10100] =	vst v63  }
0x6a: {  	v3 =	vld [tilespmem:$0x70];
	_ =	sdelay $0x4  }
0x6b: {  	v55 =	vshll.u32 v3, $0x1  }
0x6c: {  	v3 =	vand.u32 $0x7, v3;
	v4 =	vand.u32 $0xFFFFFFF0, v55  }
0x6d: {  	v3 =	vor.u32 v3, v4  }
0x6e: {  	v4 =	vperm.xlane v3, v0;
	_ =	sdelay $0x1  }
0x6f: {  	v3 =	vperm.xlane v3, v2;
	v4 =	vadd.s32 v1, v4;
	_ =	sdelay $0x1  }
0x70: {  	v3 =	vadd.s32 v1, v3;
	_ =	sdelay $0x2  }
0x71: {  	[tilespmem:s13], [sflag:$0x1] =	stream.indirect_vreg.gather [hbm4b:s1+s3], $0x80, v4, vm0, $0xb8;
	[tilespmem:$0x10100] =	vst v63  }
0x72: {  	_ = 	snop  }
0x73: {  	[tilespmem:s14], [sflag:$0x1] =	stream.indirect_vreg.gather [hbm4b:s1+s3], $0x80, v3, vm0, $0xb8;
	[tilespmem:$0x10100] =	vst v63  }
0x74: {  	v3 =	vld [tilespmem:$0x80];
	_ =	sdelay $0x4  }
0x75: {  	v56 =	vshll.u32 v3, $0x1  }
0x76: {  	v3 =	vand.u32 $0x7, v3;
	v4 =	vand.u32 $0xFFFFFFF0, v56  }
0x77: {  	v3 =	vor.u32 v3, v4  }
0x78: {  	v4 =	vperm.xlane v3, v0;
	_ =	sdelay $0x1  }
0x79: {  	v3 =	vperm.xlane v3, v2;
	v4 =	vadd.s32 v1, v4;
	_ =	sdelay $0x1  }
0x7a: {  	v3 =	vadd.s32 v1, v3;
	_ =	sdelay $0x2  }
0x7b: {  	[tilespmem:s15], [sflag:$0x1] =	stream.indirect_vreg.gather [hbm4b:s1+s3], $0x80, v4, vm0, $0xb8;
	[tilespmem:$0x10100] =	vst v63  }
0x7c: {  	_ = 	snop  }
0x7d: {  	[tilespmem:s16], [sflag:$0x1] =	stream.indirect_vreg.gather [hbm4b:s1+s3], $0x80, v3, vm0, $0xb8;
	[tilespmem:$0x10100] =	vst v63  }
0x7e: {  	v3 =	vld [tilespmem:$0x90];
	_ =	sdelay $0x4  }
0x7f: {  	v57 =	vshll.u32 v3, $0x1  }
0x80: {  	v3 =	vand.u32 $0x7, v3;
	v4 =	vand.u32 $0xFFFFFFF0, v57  }
0x81: {  	v3 =	vor.u32 v3, v4  }
0x82: {  	v4 =	vperm.xlane v3, v0;
	_ =	sdelay $0x1  }
0x83: {  	v3 =	vperm.xlane v3, v2;
	v4 =	vadd.s32 v1, v4;
	_ =	sdelay $0x1  }
0x84: {  	v3 =	vadd.s32 v1, v3;
	_ =	sdelay $0x2  }
0x85: {  	[tilespmem:s17], [sflag:$0x1] =	stream.indirect_vreg.gather [hbm4b:s1+s3], $0x80, v4, vm0, $0xb8;
	[tilespmem:$0x10100] =	vst v63  }
0x86: {  	_ = 	snop  }
0x87: {  	[tilespmem:s18], [sflag:$0x1] =	stream.indirect_vreg.gather [hbm4b:s1+s3], $0x80, v3, vm0, $0xb8;
	[tilespmem:$0x10100] =	vst v63  }
0x88: {  	v3 =	vld [tilespmem:$0xA0];
	_ =	sdelay $0x4  }
0x89: {  	v58 =	vshll.u32 v3, $0x1  }
0x8a: {  	v3 =	vand.u32 $0x7, v3;
	v4 =	vand.u32 $0xFFFFFFF0, v58  }
0x8b: {  	v3 =	vor.u32 v3, v4  }
0x8c: {  	v4 =	vperm.xlane v3, v0;
	_ =	sdelay $0x1  }
0x8d: {  	v3 =	vperm.xlane v3, v2;
	v4 =	vadd.s32 v1, v4;
	_ =	sdelay $0x1  }
0x8e: {  	v3 =	vadd.s32 v1, v3;
	_ =	sdelay $0x2  }
0x8f: {  	[tilespmem:s19], [sflag:$0x1] =	stream.indirect_vreg.gather [hbm4b:s1+s3], $0x80, v4, vm0, $0xb8;
	[tilespmem:$0x10100] =	vst v63  }
0x90: {  	_ = 	snop  }
0x91: {  	[tilespmem:s20], [sflag:$0x1] =	stream.indirect_vreg.gather [hbm4b:s1+s3], $0x80, v3, vm0, $0xb8;
	[tilespmem:$0x10100] =	vst v63  }
0x92: {  	v3 =	vld [tilespmem:$0xB0];
	_ =	sdelay $0x4  }
0x93: {  	v59 =	vshll.u32 v3, $0x1  }
0x94: {  	v3 =	vand.u32 $0x7, v3;
	v4 =	vand.u32 $0xFFFFFFF0, v59  }
0x95: {  	v3 =	vor.u32 v3, v4  }
0x96: {  	v4 =	vperm.xlane v3, v0;
	_ =	sdelay $0x1  }
0x97: {  	v3 =	vperm.xlane v3, v2;
	v4 =	vadd.s32 v1, v4;
	_ =	sdelay $0x1  }
0x98: {  	v3 =	vadd.s32 v1, v3;
	_ =	sdelay $0x2  }
0x99: {  	[tilespmem:s21], [sflag:$0x1] =	stream.indirect_vreg.gather [hbm4b:s1+s3], $0x80, v4, vm0, $0xb8;
	[tilespmem:$0x10100] =	vst v63  }
0x9a: {  	_ = 	snop  }
0x9b: {  	[tilespmem:s22], [sflag:$0x1] =	stream.indirect_vreg.gather [hbm4b:s1+s3], $0x80, v3, vm0, $0xb8;
	[tilespmem:$0x10100] =	vst v63  }
0x9c: {  	v3 =	vld [tilespmem:$0xC0];
	_ =	sdelay $0x4  }
0x9d: {  	v60 =	vshll.u32 v3, $0x1  }
0x9e: {  	v3 =	vand.u32 $0x7, v3;
	v4 =	vand.u32 $0xFFFFFFF0, v60  }
0x9f: {  	v3 =	vor.u32 v3, v4  }
0xa0: {  	v4 =	vperm.xlane v3, v0;
	_ =	sdelay $0x1  }
0xa1: {  	v3 =	vperm.xlane v3, v2;
	v4 =	vadd.s32 v1, v4;
	_ =	sdelay $0x1  }
0xa2: {  	v3 =	vadd.s32 v1, v3;
	_ =	sdelay $0x2  }
0xa3: {  	[tilespmem:s23], [sflag:$0x1] =	stream.indirect_vreg.gather [hbm4b:s1+s3], $0x80, v4, vm0, $0xb8;
	[tilespmem:$0x10100] =	vst v63  }
0xa4: {  	_ = 	snop  }
0xa5: {  	[tilespmem:s24], [sflag:$0x1] =	stream.indirect_vreg.gather [hbm4b:s1+s3], $0x80, v3, vm0, $0xb8;
	[tilespmem:$0x10100] =	vst v63  }
0xa6: {  	v3 =	vld [tilespmem:$0xD0];
	_ =	sdelay $0x4  }
0xa7: {  	v61 =	vshll.u32 v3, $0x1  }
0xa8: {  	v3 =	vand.u32 $0x7, v3;
	v4 =	vand.u32 $0xFFFFFFF0, v61  }
0xa9: {  	v3 =	vor.u32 v3, v4  }
0xaa: {  	v4 =	vperm.xlane v3, v0;
	_ =	sdelay $0x1  }
0xab: {  	v3 =	vperm.xlane v3, v2;
	v4 =	vadd.s32 v1, v4;
	_ =	sdelay $0x1  }
0xac: {  	v3 =	vadd.s32 v1, v3;
	_ =	sdelay $0x2  }
0xad: {  	[tilespmem:s25], [sflag:$0x1] =	stream.indirect_vreg.gather [hbm4b:s1+s3], $0x80, v4, vm0, $0xb8;
	[tilespmem:$0x10100] =	vst v63  }
0xae: {  	_ = 	snop  }
0xaf: {  	[tilespmem:s26], [sflag:$0x1] =	stream.indirect_vreg.gather [hbm4b:s1+s3], $0x80, v3, vm0, $0xb8;
	[tilespmem:$0x10100] =	vst v63  }
0xb0: {  	v3 =	vld [tilespmem:$0xE0];
	_ =	sdelay $0x4  }
0xb1: {  	v62 =	vshll.u32 v3, $0x1  }
0xb2: {  	v3 =	vand.u32 $0x7, v3;
	v4 =	vand.u32 $0xFFFFFFF0, v62  }
0xb3: {  	v3 =	vor.u32 v3, v4  }
0xb4: {  	v4 =	vperm.xlane v3, v0;
	_ =	sdelay $0x1  }
0xb5: {  	v3 =	vperm.xlane v3, v2;
	v4 =	vadd.s32 v1, v4;
	_ =	sdelay $0x1  }
0xb6: {  	v3 =	vadd.s32 v1, v3;
	_ =	sdelay $0x2  }
0xb7: {  	[tilespmem:s28], [sflag:$0x1] =	stream.indirect_vreg.gather [hbm4b:s1+s3], $0x80, v4, vm0, $0xb8;
	[tilespmem:$0x10100] =	vst v63  }
0xb8: {  	_ = 	snop  }
0xb9: {  	[tilespmem:s29], [sflag:$0x1] =	stream.indirect_vreg.gather [hbm4b:s1+s3], $0x80, v3, vm0, $0xb8;
	[tilespmem:$0x10100] =	vst v63  }
0xba: {  	v3 =	vld [tilespmem:$0xF0];
	_ =	sdelay $0x4  }
0xbb: {  	v63 =	vshll.u32 v3, $0x1  }
0xbc: {  	v3 =	vand.u32 $0x7, v3;
	v4 =	vand.u32 $0xFFFFFFF0, v63  }
0xbd: {  	v3 =	vor.u32 v3, v4  }
0xbe: {  	v4 =	vperm.xlane v3, v0;
	_ =	sdelay $0x1  }
0xbf: {  	v3 =	vperm.xlane v3, v2;
	v4 =	vadd.s32 v1, v4;
	_ =	sdelay $0x1  }
0xc0: {  	v3 =	vadd.s32 v1, v3;
	_ =	sdelay $0x2  }
0xc1: {  	[tilespmem:s30], [sflag:$0x1] =	stream.indirect_vreg.gather [hbm4b:s1+s3], $0x80, v4, vm0, $0xb8;
	[tilespmem:$0x10100] =	vst v63  }
0xc2: {  	_ = 	snop  }
0xc3: {  	[tilespmem:s31], [sflag:$0x1] =	stream.indirect_vreg.gather [hbm4b:s1+s3], $0x80, v3, vm0, $0xb8;
	[tilespmem:$0x10100] =	vst v63  }
0xc4: {  	_ =	swait.ge [sflag:s2], $0x8000  }
0xc5: {  	[sflag:s2] =	ssyncset.done $0x0  }
0xc6: {  	[sflag:s2] =	ssyncadd.s32 $0xFFFF8000  }
0xc7: {  	_ =	swait.ge [sflag:s2], $0x8000  }
0xc8: {  	p0 =	sne.s32 s5, $0x1;
	[sflag:s2] =	ssyncset.done $0x0  }
.Ltmp0:
0xc9: {  	s8 =	rddreg [dreg:$0x5];
	[sflag:s2] =	ssyncadd.s32 $0xFFFF8000;
	(pc) =	sbr.rel @p0 .LBB2_1-.Ltmp0, $4  }
0xca: {  	[hbm4b:s8+s3] =	stream.linear.scatter [tilespmem:s7], [sflag:$0x2], $0x10000, $0x38;
	[tilespmem:$0x10100] =	vst v63  }
0xcb: {  	_ =	swait.ge [sflag:s6], $0x10000  }
0xcc: {  	[sflag:s6] =	ssyncset.done $0x0  }
0xcd: {  	s5 =	sadd.s32 $0xFFFFFFFF, s5;
	[sflag:s6] =	ssyncadd.s32 $0xFFFF0000  }
0xce: {  	_ =	sfence.sel $0x180000  }
0xcf: {  	[bflag:$0x0] =	sbarrier.arrive $0xFFFF  }
0xd0: {  	_ =	strace $0x9000004D  }
0xd1: {  	s0 =	stileid.u32;
	[bflag:$0x2] =	sbarrier.arrive $0xFFFF  }
0xd2: {  	p0 =	sne.s32 s0, $0x0;
	s0 =	rddreg [dreg:$0x3]  }
0xd3: {  	s0 =	sadd.s32 @!p0 $0x100000, s0  }
0xd4: {  	[sflag:s0] =	ssyncadd.tile.s32 @!p0 $0x1;
	_ =	shalt  }
.Lfunc_end2:
_tile_overlayer_lowered:
.L_overlay_start_2:
0xd5: {  	(tag) =	ssettag $0x2  }
0xd6: {  	s0 =	rddreg [dreg:$0x0];
	s2 =	stileid.u32  }
0xd7: {  	s1 =	rddreg [dreg:$0x1];
	p0 =	sne.s32 s2, $0x0  }
0xd8: {  	s3 =	rddreg [dreg:$0x2];
	[bflag:$0x3] =	sbarrier.arrive $0xFFFF;
	s2 =	simm.s32 @!p0 $0x1C02  }
0xd9: {  	[timem:s3], [sflag:s2] =	dma.local @!p0 [hbm:s0], s1  }
0xda: {  	s0 =	simm.s32 @!p0 $0x2  }
0xdb: {  	_ =	swait.ge @!p0 [sflag:s0], s1  }
0xdc: {  	s1 =	ssub.s32 @!p0 $0x0, s1;
	[sflag:s0] =	ssyncset.done @!p0 $0x0  }
0xdd: {  	[sflag:s0] =	ssyncadd.s32 @!p0 s1  }
0xde: {  	[bflag:$0x3] =	sbarrier.arrive $0xFFFF  }
0xdf: {  	_ =	shalt  }

// kernel: kernel.24.cloned.1.call-start
scs
__scs_entry_jumppad:
0x0: {  	(pc) =	sbr.rel $0x88, $3  }
0x1: {  	(tag) =	ssettag $0x0;
	lr =	simm.s32 $0x1  }
0x2: {  	[smem:$0x3F9F] =	sst lr;
	_ =	strace $0xD0000000  }
0x3: {  	_ = 	snop  }
0x4: {  	_ = 	snop  }
0x5: {  	_ = 	snop  }
0x6: {  	_ = 	snop  }
0x7: {  	_ = 	snop  }
__scs_overlays_trampoline_lowered:
0x8: {  	[smem:$0x3FAE] =	sst s0  }
0x9: {  	[smem:$0x3FAF] =	sst s1  }
0xa: {  	[smem:$0x3FB0] =	sst s2  }
0xb: {  	[smem:$0x3FB1] =	sst s3  }
0xc: {  	[smem:$0x3FB2] =	sst s4  }
0xd: {  	[smem:$0x3FB3] =	sst s5  }
0xe: {  	[smem:$0x3FB4] =	sst s6  }
0xf: {  	[smem:$0x3FB5] =	sst s7  }
0x10: {  	[smem:$0x3FB6] =	sst s8  }
0x11: {  	[smem:$0x3FB7] =	sst s9;
	s0 =	simm.s32 @!p0 $0x0  }
0x12: {  	s1 =	sld [smem:$0x3F9D];
	s0 =	simm.s32 @p0 $0x1  }
0x13: {  	[smem:$0x3FB8] =	sst s0;
	s0 =	simm.s32 @!p1 $0x0  }
0x14: {  	s2 =	sld [smem:$0x3F9C];
	s0 =	simm.s32 @p1 $0x1  }
0x15: {  	[smem:$0x3FB9] =	sst s0;
	s0 =	simm.s32 @!p2 $0x0  }
0x16: {  	s3 =	sld [smem:$0x3FDB];
	s0 =	simm.s32 @p2 $0x1  }
0x17: {  	s4 =	simm.s32 $0x1BF5;
	[smem:$0x3FBB] =	sst s0  }
0x18: {  	s0 =	sld [smem:$0x3F9E];
	_ =	swait.ge [sflag:s4], $0x0  }
0x19: {  	s7 =	sld [smem:$0x3F9F]  }
0x1a: {  	s8 =	sadd.s32 $0xFFFFE003, lr  }
0x1b: {  	s9 =	sadd.s32 $0xFFFFFEF7, lr;
	s5 =	simm.s32 $0xFFFFFFFF;
	p2 =	slt.u32 s8, $0xFFFFF086  }
0x1c: {  	p1 =	slt.u32 s9, $0xF7A;
	s5 =	simm.s32 @!p2 $0x0  }
0x1d: {  	s5 =	simm.s32 @p1 $0x1;
	p0 =	seq.s32 s7, s2  }
0x1e: {  	s7 =	smul.u32 @!p0 $0xF7A, s2;
	p2 =	seq.s32 @!p0 s5, $0x0  }
0x1f: {  	s9 =	smul.u32 $0xF7A, s1;
	s8 =	simm.s32 @!p0 $0x1BF5;
	p2 =	por !p2, p0  }
0x20: {  	[sflag:s8] =	ssyncset.s32 @!p0 $0xFFFFF086;
	s6 =	sadd.s32 @!p0 s3, s7;
	s7 =	simm.s32 @!p0 $0x108  }
0x21: {  	s3 =	sadd.s32 s3, s9;
	s6 =	sadd.s32 @!p0 $0x88, s6;
	s7 =	simm.s32 @p2 $0x1082  }
0x22: {  	[simem:s7], [sflag:s8] =	dma.local @!p0 [hbm:s6], $0xF7A  }
0x23: {  	s9 =	sor.u32 $0xD0000000, s2;
	s6 =	simm.s32 $0x108;
	_ =	swait.ge @!p0 [sflag:s8], $0x0  }
0x24: {  	s3 =	sadd.s32 $0x88, s3;
	s6 =	simm.s32 @!p1 $0x1082;
	[sflag:s4] =	ssyncset.s32 $0xFFFFF086  }
0x25: {  	[simem:s6], [sflag:s4] =	dma.local [hbm:s3], $0xF7A  }
0x26: {  	[smem:$0x3F9F] =	sst s1;
	(tag) =	ssettag s2;
	_ =	strace s9  }
0x27: {  	s1 =	sld [smem:$0x3FAF]  }
0x28: {  	s2 =	sld [smem:$0x3FB0]  }
0x29: {  	s4 =	sld [smem:$0x3FB2]  }
0x2a: {  	p0 =	seq.s32 s5, $0x0;
	s5 =	sld [smem:$0x3FB3]  }
0x2b: {  	s6 =	sld [smem:$0x3FB4]  }
0x2c: {  	s7 =	sld [smem:$0x3FB5]  }
0x2d: {  	s3 =	simm.s32 $0x108;
	s8 =	sld [smem:$0x3FB6]  }
0x2e: {  	s3 =	simm.s32 @!p0 $0x1082;
	s9 =	sld [smem:$0x3FB7]  }
0x2f: {  	lr =	sadd.s32 s0, s3;
	s0 =	sld [smem:$0x3FAE]  }
0x30: {  	s3 =	sld [smem:$0x3FB1]  }
0x31: {  	[smem:$0x3FBA] =	sst s10  }
0x32: {  	s10 =	sld [smem:$0x3FB8];
	_ =	sdelay $0x3  }
0x33: {  	p0 =	seq.s32 s10, $0x1;
	s10 =	sld [smem:$0x3FBA];
	_ =	sdelay $0x3  }
0x34: {  	[smem:$0x3FBA] =	sst s10  }
0x35: {  	s10 =	sld [smem:$0x3FB9];
	_ =	sdelay $0x3  }
0x36: {  	p1 =	seq.s32 s10, $0x1;
	s10 =	sld [smem:$0x3FBA];
	_ =	sdelay $0x3  }
0x37: {  	[smem:$0x3FBA] =	sst s10  }
0x38: {  	s10 =	sld [smem:$0x3FBB]  }
0x39: {  	_ = 	snop;
	(pc) =	sbr.ind lr, $3  }
0x3a: {  	_ = 	snop  }
0x3b: {  	_ = 	snop  }
0x3c: {  	p2 =	seq.s32 s10, $0x1;
	s10 =	sld [smem:$0x3FBA]  }
0x3d: {  	_ =	shalt  }
0x3e: {  	_ =	shalt  }
0x3f: {  	_ =	shalt  }
0x40: {  	_ =	shalt  }
0x41: {  	_ =	shalt  }
0x42: {  	_ =	shalt  }
0x43: {  	_ =	shalt  }
0x44: {  	_ =	shalt  }
0x45: {  	_ =	shalt  }
0x46: {  	_ =	shalt  }
0x47: {  	_ =	shalt  }
0x48: {  	_ =	shalt  }
0x49: {  	_ =	shalt  }
0x4a: {  	_ =	shalt  }
0x4b: {  	_ =	shalt  }
0x4c: {  	_ =	shalt  }
0x4d: {  	_ =	shalt  }
0x4e: {  	_ =	shalt  }
0x4f: {  	_ =	shalt  }
0x50: {  	_ =	shalt  }
0x51: {  	_ =	shalt  }
0x52: {  	_ =	shalt  }
0x53: {  	_ =	shalt  }
0x54: {  	_ =	shalt  }
0x55: {  	_ =	shalt  }
0x56: {  	_ =	shalt  }
0x57: {  	_ =	shalt  }
0x58: {  	_ =	shalt  }
0x59: {  	_ =	shalt  }
0x5a: {  	_ =	shalt  }
0x5b: {  	_ =	shalt  }
0x5c: {  	_ =	shalt  }
0x5d: {  	_ =	shalt  }
0x5e: {  	_ =	shalt  }
0x5f: {  	_ =	shalt  }
0x60: {  	_ =	shalt  }
0x61: {  	_ =	shalt  }
0x62: {  	_ =	shalt  }
0x63: {  	_ =	shalt  }
0x64: {  	_ =	shalt  }
0x65: {  	_ =	shalt  }
0x66: {  	_ =	shalt  }
0x67: {  	_ =	shalt  }
0x68: {  	_ =	shalt  }
0x69: {  	_ =	shalt  }
0x6a: {  	_ =	shalt  }
0x6b: {  	_ =	shalt  }
0x6c: {  	_ =	shalt  }
0x6d: {  	_ =	shalt  }
0x6e: {  	_ =	shalt  }
0x6f: {  	_ =	shalt  }
0x70: {  	_ =	shalt  }
0x71: {  	_ =	shalt  }
0x72: {  	_ =	shalt  }
0x73: {  	_ =	shalt  }
0x74: {  	_ =	shalt  }
0x75: {  	_ =	shalt  }
0x76: {  	_ =	shalt  }
0x77: {  	_ =	shalt  }
0x78: {  	_ =	shalt  }
0x79: {  	_ =	shalt  }
0x7a: {  	_ =	shalt  }
0x7b: {  	_ =	shalt  }
0x7c: {  	_ =	shalt  }
0x7d: {  	_ =	shalt  }
0x7e: {  	_ =	shalt  }
0x7f: {  	_ =	shalt  }
0x80: {  	_ =	shalt  }
0x81: {  	_ =	shalt  }
0x82: {  	_ =	shalt  }
0x83: {  	_ =	shalt  }
0x84: {  	_ =	shalt  }
0x85: {  	_ =	shalt  }
0x86: {  	_ =	shalt  }
0x87: {  	_ =	shalt  }
.Lfunc_end0:
.L_simem_size_0:
called_computation.3_lowered:
.L_overlay_start_0:
0x88: {  	s2 =	sld [smem:$0x3FD9]  }
0x89: {  	s3 =	sld [smem:$0x3FFE];
	_ =	sdelay $0x1  }
0x8a: {  	s1 =	srdreg.scid  }
0x8b: {  	s0 =	sand.u32 $0x1, s1  }
0x8c: {  	s14 =	sshll.u32 s0, $0xA;
	s2 =	sadd.s32 s3, s2  }
0x8d: {  	s2 =	sadd.s32 s2, s14  }
0x8e: {  	[smem:$0x3FC6] =	sst s2  }
0x8f: {  	_ = 	snop  }
0x90: {  	s2 =	sld [smem:$0x3FD0];
	_ =	sdelay $0x2  }
0x91: {  	s15 =	simm.s32 $0xA;
	s4 =	simm.s32 $0x10  }
0x92: {  	[smem:s4], [sflag:s15] =	dma.local [hbm:s2], $0x1  }
0x93: {  	_ =	swait.eq [sflag:s15], $0x1  }
0x94: {  	[sflag:s15] =	ssyncset.done $0x0  }
0x95: {  	[sflag:s15] =	ssyncadd.s32 $0xFFFFFFFF  }
0x96: {  	s16 =	sld [smem:$0x10];
	(tm) =	ssettm $0x1  }
0x97: {  	s17 =	sld [smem:$0x3FFB];
	_ =	sdelay $0x3  }
0x98: {  	_ =	strace s17  }
0x99: {  	s3 =	sld [smem:$0x3FFC];
	_ =	sdelay $0x3  }
0x9a: {  	_ =	strace s3  }
0x9b: {  	s3 =	sld [smem:$0x3FFD];
	_ =	sdelay $0x3  }
0x9c: {  	_ =	strace s3  }
0x9d: {  	_ =	strace $0x8FFFFFFF  }
0x9e: {  	s18 =	sld [smem:$0x3FDB];
	_ =	sdelay $0x1  }
0x9f: {  	s19 =	simm.s32 $_scs_section_size  }
0xa0: {  	s5 =	simm.s32 $_size__tile_overlayer_lowered;
	s6 =	simm.s32 $_tile_overlayer_lowered  }
0xa1: {  	s22 =	simm.s32 $0x1BFF;
	s21 =	sshll.u32 s6, $0x1;
	s3 =	sadd.s32 s19, s18  }
0xa2: {  	s7 =	simm.s32 $0x0;
	s20 =	sshll.u32 s5, $0x1;
	s5 =	sadd.s32 s21, s3  }
0xa3: {  	[timem:s7], [sflag:s22] =	dma.local [hbm:s5], s20  }
0xa4: {  	_ =	swait.ge [sflag:s22], s20  }
0xa5: {  	s4 =	ssub.s32 $0x0, s20;
	[sflag:s22] =	ssyncset.done $0x0  }
0xa6: {  	[sflag:s22] =	ssyncadd.s32 s4;
	_ =	sdelay $0x1  }
0xa7: {  	s23 =	simm.s32 $0x1B8B  }
0xa8: {  	_ =	swait.ge [sflag:s23], $0x1  }
0xa9: {  	[sflag:s23] =	ssyncset.done $0x0  }
0xaa: {  	s25 =	simm.s32 $0x1B8E;
	s24 =	sld [smem:$0x3FFE];
	[sflag:s23] =	ssyncadd.s32 $0xFFFFFFFF  }
0xab: {  	s26 =	simm.s32 $execute0_lowered;
	[smem:$0x3FD2] =	sst s25  }
0xac: {  	s5 =	sshll.u32 s26, $0x1;
	_ =	strace $0x8000004F;
	[dreg:$0x1] =	wrdreg $0xFFFFFFFF  }
0xad: {  	s28 =	simm.s32 $_size_execute0_lowered;
	s3 =	sadd.s32 s3, s5;
	[dreg:$0x0] =	wrdreg $0x0  }
0xae: {  	s5 =	sshll.u32 s28, $0x1;
	[dreg:$0x2] =	wrdreg s3  }
0xaf: {  	[dreg:$0x3] =	wrdreg s5  }
0xb0: {  	[dreg:$0x4] =	wrdreg $0xC0  }
0xb1: {  	_ =	task [dreg:s7], $0x5FFFF  }
0xb2: {  	[dreg:$0x1] =	wrdreg $0xFFFFFFFF  }
0xb3: {  	[dreg:$0x0] =	wrdreg $0x60  }
0xb4: {  	[dreg:$0x2] =	wrdreg s24  }
0xb5: {  	[dreg:$0x3] =	wrdreg s16  }
0xb6: {  	[dreg:$0x4] =	wrdreg $0x9  }
0xb7: {  	_ =	task.clear_ibuf [dreg:s7], $0x5FFFF;
	_ =	strace $0x9000004F  }
0xb8: {  	s29 =	simm.s32 $0x9;
	_ =	strace $0x80000051  }
0xb9: {  	_ =	swait.ge [sflag:s29], $0x1  }
0xba: {  	[sflag:s29] =	ssyncadd.s32 $0xFFFFFFFF  }
0xbb: {  	_ =	strace $0x90000051  }
0xbc: {  	_ =	sfence  }
0xbd: {  	s30 =	sld [smem:$0x0];
	_ =	sdelay $0x2  }
0xbe: {  	s31 =	sshll.u32 s1, $0xD;
	s1 =	sshrl.u32 s1, $0x2  }
0xbf: {  	s3 =	sand.u32 $0x4000, s31;
	s1 =	sadd.s32 s1, s30  }
0xc0: {  	s0 =	sor.u32 s3, s0;
	s1 =	sshll.u32 s1, $0x11  }
0xc1: {  	s0 =	sor.u32 s1, s0  }
0xc2: {  	s0 =	sadd.s32 $0x8F2B, s0  }
0xc3: {  	[sflag:s0] =	ssyncadd.remote.s32 $0x1  }
0xc4: {  	_ =	sfence.sel $0xFFFF  }
0xc5: {  	[dreg:$0x0] =	wrdreg $0xFFFFFFFF;
	(pc) =	sbr.abs _section_cstart, $3  }
0xc6: {  	[dreg:$0x1] =	wrdreg $0xFFFFFFFF  }
0xc7: {  	_ =	task.clear_ibuf [dreg:s7], $0x2FFFF;
	_ =	strace $0x9FFFFFFF  }
0xc8: {  	(tm) =	ssettm $0x7FFFFFFF  }
0xc9: {  	_ =	shalt  }
tec
execute0_lowered:
.L_overlay_start_1:
0x0: {  	(tag) =	ssettag $0x1  }
0x1: {  	s1 =	srdreg.scid;
	s4 =	rddreg [dreg:$0x0]  }
0x2: {  	s0 =	stileid.u32;
	s5 =	rddreg [dreg:$0x1]  }
0x3: {  	s17 =	simm.s32 $0x80;
	s18 =	simm.s32 $0x900;
	s19 =	simm.s32 $0x1100  }
0x4: {  	s20 =	simm.s32 $0x1900;
	s21 =	simm.s32 $0x2100;
	s22 =	simm.s32 $0x2900  }
0x5: {  	s24 =	simm.s32 $0x3100;
	s25 =	simm.s32 $0x3900;
	s26 =	simm.s32 $0x4100  }
0x6: {  	s9 =	simm.s32 $0x5100;
	s10 =	simm.s32 $0x5900;
	s1 =	sand.u32 $0x1, s1  }
0x7: {  	s11 =	simm.s32 $0x6100;
	s2 =	sshll.u32 s0, $0x9;
	s3 =	sshll.u32 s1, $0x8  }
0x8: {  	s12 =	simm.s32 $0x6900;
	s3 =	sor.u32 s3, s2;
	s2 =	simm.s32 $0x0  }
0x9: {  	s13 =	simm.s32 $0x7100;
	s14 =	simm.s32 $0x7900;
	[smem:$0x7FF] =	sst s2  }
0xa: {  	s15 =	simm.s32 $0x8100;
	_ =	strace $0x80000050;
	[dreg:$0x5] =	wrdreg s17  }
0xb: {  	s28 =	simm.s32 $0xE100;
	s29 =	simm.s32 $0xE900;
	[dreg:$0x6] =	wrdreg s18  }
0xc: {  	s30 =	simm.s32 $0xF100;
	s1 =	ssub.s32 $0x2, s1;
	[dreg:$0x7] =	wrdreg s19  }
0xd: {  	s31 =	simm.s32 $0xF900;
	s23 =	sshrl.u32 s1, $0x1;
	[dreg:$0x8] =	wrdreg s20  }
0xe: {  	s6 =	sshrl.u32 s3, $0x3;
	s7 =	sshll.u32 s3, $0x5;
	[dreg:$0x9] =	wrdreg s21  }
0xf: {  	s1 =	ssub.s32 s1, s23;
	s23 =	simm.s32 $0xC100;
	[dreg:$0xa] =	wrdreg s22  }
0x10: {  	s3 =	sadd.s32 s5, s6;
	s16 =	sadd.s32 s7, s4;
	[dreg:$0xb] =	wrdreg s24  }
0x11: {  	s4 =	sadd.s32 $0x84C00, s4;
	[dreg:$0xc] =	wrdreg s25;
	s7 =	simm.s32 $0x100  }
0x12: {  	[dreg:$0xd] =	wrdreg s26;
	s17 =	simm.s32 $0x9100;
	s18 =	simm.s32 $0x9900  }
0x13: {  	s19 =	simm.s32 $0xA100;
	s20 =	simm.s32 $0xA900;
	s21 =	simm.s32 $0xB100  }
0x14: {  	s22 =	simm.s32 $0xB900;
	s24 =	simm.s32 $0xC900;
	s6 =	sadd.s32 $0x10, s3  }
0x15: {  	v2 =	vlaneseq.u32;
	s25 =	simm.s32 $0xD100;
	s5 =	sadd.s32 $0x164C00, s16;
	[dreg:$0x3] =	wrdreg s6  }
0x16: {  	vm0 =	vmmov $0xffff;
	v1 =	vshrl.u32 v2, $0x3;
	s26 =	simm.s32 $0xD900;
	s16 =	simm.s32 $0x8900;
	[dreg:$0x4] =	wrdreg s5  }
0x17: {  	v0 =	vand.u32 $0x7, v2;
	v2 =	vor.u32 $0x8, v2;
	v1 =	vmul.u32 $0x8, v1;
	s5 =	smax.u32 s1, $0x1;
	s6 =	simm.s32 $0x2;
	s1 =	simm.s32 $0x1  }
.LBB2_1:
0x18: {  	[tilespmem:s2], [sflag:$0x2] =	stream.linear.gather [hbm4b:s3+s2], $0x80, $0x38;
	[tilespmem:$0x10100] =	vst v63  }
0x19: {  	_ =	swait.ge [sflag:s6], $0x80  }
0x1a: {  	s0 =	rddreg [dreg:$0x3];
	[sflag:s6] =	ssyncset.done $0x0  }
0x1b: {  	s8 =	rddreg [dreg:$0x5];
	[sflag:s6] =	ssyncadd.s32 $0xFFFFFF80  }
0x1c: {  	[tilespmem:s8], [sflag:$0x2] =	stream.linear.gather [hbm4b:s0+s2], $0x80, $0x38;
	[tilespmem:$0x10100] =	vst v63  }
0x1d: {  	_ =	swait.ge [sflag:s6], $0x80  }
0x1e: {  	[sflag:s6] =	ssyncset.done $0x0  }
0x1f: {  	[sflag:s6] =	ssyncadd.s32 $0xFFFFFF80  }
0x20: {  	v3 =	vld [tilespmem:$0x0];
	_ =	sdelay $0x4  }
0x21: {  	v4 =	vshll.u32 v3, $0x1  }
0x22: {  	v3 =	vand.u32 $0x7, v3;
	v4 =	vand.u32 $0xFFFFFFF0, v4  }
0x23: {  	v3 =	vor.u32 v3, v4  }
0x24: {  	v4 =	vperm.xlane v3, v0;
	_ =	sdelay $0x1  }
0x25: {  	v3 =	vperm.xlane v3, v2;
	v4 =	vadd.s32 v1, v4;
	_ =	sdelay $0x1  }
0x26: {  	v3 =	vadd.s32 v1, v3;
	_ =	sdelay $0x2  }
0x27: {  	[tilespmem:s7], [sflag:$0x1] =	stream.indirect_vreg.gather [hbm4b:s4+s2], $0x80, v4, vm0, $0xb8;
	[tilespmem:$0x10100] =	vst v63  }
0x28: {  	s8 =	rddreg [dreg:$0x6]  }
0x29: {  	[tilespmem:s8], [sflag:$0x1] =	stream.indirect_vreg.gather [hbm4b:s4+s2], $0x80, v3, vm0, $0xb8;
	[tilespmem:$0x10100] =	vst v63  }
0x2a: {  	v3 =	vld [tilespmem:$0x10];
	_ =	sdelay $0x4  }
0x2b: {  	v49 =	vshll.u32 v3, $0x1  }
0x2c: {  	v3 =	vand.u32 $0x7, v3;
	v4 =	vand.u32 $0xFFFFFFF0, v49  }
0x2d: {  	v3 =	vor.u32 v3, v4  }
0x2e: {  	v4 =	vperm.xlane v3, v0;
	_ =	sdelay $0x1  }
0x2f: {  	v3 =	vperm.xlane v3, v2;
	v4 =	vadd.s32 v1, v4;
	_ =	sdelay $0x1  }
0x30: {  	v3 =	vadd.s32 v1, v3;
	_ =	sdelay $0x1  }
0x31: {  	s0 =	rddreg [dreg:$0x7]  }
0x32: {  	[tilespmem:s0], [sflag:$0x1] =	stream.indirect_vreg.gather [hbm4b:s4+s2], $0x80, v4, vm0, $0xb8;
	[tilespmem:$0x10100] =	vst v63  }
0x33: {  	s8 =	rddreg [dreg:$0x8]  }
0x34: {  	[tilespmem:s8], [sflag:$0x1] =	stream.indirect_vreg.gather [hbm4b:s4+s2], $0x80, v3, vm0, $0xb8;
	[tilespmem:$0x10100] =	vst v63  }
0x35: {  	v3 =	vld [tilespmem:$0x20];
	_ =	sdelay $0x4  }
0x36: {  	v50 =	vshll.u32 v3, $0x1  }
0x37: {  	v3 =	vand.u32 $0x7, v3;
	v4 =	vand.u32 $0xFFFFFFF0, v50  }
0x38: {  	v3 =	vor.u32 v3, v4  }
0x39: {  	v4 =	vperm.xlane v3, v0;
	_ =	sdelay $0x1  }
0x3a: {  	v3 =	vperm.xlane v3, v2;
	v4 =	vadd.s32 v1, v4;
	_ =	sdelay $0x1  }
0x3b: {  	v3 =	vadd.s32 v1, v3;
	_ =	sdelay $0x1  }
0x3c: {  	s0 =	rddreg [dreg:$0x9]  }
0x3d: {  	[tilespmem:s0], [sflag:$0x1] =	stream.indirect_vreg.gather [hbm4b:s4+s2], $0x80, v4, vm0, $0xb8;
	[tilespmem:$0x10100] =	vst v63  }
0x3e: {  	s8 =	rddreg [dreg:$0xa]  }
0x3f: {  	[tilespmem:s8], [sflag:$0x1] =	stream.indirect_vreg.gather [hbm4b:s4+s2], $0x80, v3, vm0, $0xb8;
	[tilespmem:$0x10100] =	vst v63  }
0x40: {  	v3 =	vld [tilespmem:$0x30];
	_ =	sdelay $0x4  }
0x41: {  	v51 =	vshll.u32 v3, $0x1  }
0x42: {  	v3 =	vand.u32 $0x7, v3;
	v4 =	vand.u32 $0xFFFFFFF0, v51  }
0x43: {  	v3 =	vor.u32 v3, v4  }
0x44: {  	v4 =	vperm.xlane v3, v0;
	_ =	sdelay $0x1  }
0x45: {  	v3 =	vperm.xlane v3, v2;
	v4 =	vadd.s32 v1, v4;
	_ =	sdelay $0x1  }
0x46: {  	v3 =	vadd.s32 v1, v3;
	_ =	sdelay $0x1  }
0x47: {  	s0 =	rddreg [dreg:$0xb]  }
0x48: {  	[tilespmem:s0], [sflag:$0x1] =	stream.indirect_vreg.gather [hbm4b:s4+s2], $0x80, v4, vm0, $0xb8;
	[tilespmem:$0x10100] =	vst v63  }
0x49: {  	s8 =	rddreg [dreg:$0xc]  }
0x4a: {  	[tilespmem:s8], [sflag:$0x1] =	stream.indirect_vreg.gather [hbm4b:s4+s2], $0x80, v3, vm0, $0xb8;
	[tilespmem:$0x10100] =	vst v63  }
0x4b: {  	v3 =	vld [tilespmem:$0x40];
	_ =	sdelay $0x4  }
0x4c: {  	v52 =	vshll.u32 v3, $0x1  }
0x4d: {  	v3 =	vand.u32 $0x7, v3;
	v4 =	vand.u32 $0xFFFFFFF0, v52  }
0x4e: {  	v3 =	vor.u32 v3, v4  }
0x4f: {  	v4 =	vperm.xlane v3, v0;
	_ =	sdelay $0x1  }
0x50: {  	v3 =	vperm.xlane v3, v2;
	v4 =	vadd.s32 v1, v4;
	_ =	sdelay $0x1  }
0x51: {  	v3 =	vadd.s32 v1, v3;
	_ =	sdelay $0x1  }
0x52: {  	s8 =	rddreg [dreg:$0xd]  }
0x53: {  	[tilespmem:s8], [sflag:$0x1] =	stream.indirect_vreg.gather [hbm4b:s4+s2], $0x80, v4, vm0, $0xb8;
	[tilespmem:$0x10100] =	vst v63  }
0x54: {  	s8 =	simm.s32 $0x4900  }
0x55: {  	[tilespmem:s8], [sflag:$0x1] =	stream.indirect_vreg.gather [hbm4b:s4+s2], $0x80, v3, vm0, $0xb8;
	[tilespmem:$0x10100] =	vst v63  }
0x56: {  	v3 =	vld [tilespmem:$0x50];
	_ =	sdelay $0x4  }
0x57: {  	v53 =	vshll.u32 v3, $0x1  }
0x58: {  	v3 =	vand.u32 $0x7, v3;
	v4 =	vand.u32 $0xFFFFFFF0, v53  }
0x59: {  	v3 =	vor.u32 v3, v4  }
0x5a: {  	v4 =	vperm.xlane v3, v0;
	_ =	sdelay $0x1  }
0x5b: {  	v3 =	vperm.xlane v3, v2;
	v4 =	vadd.s32 v1, v4;
	_ =	sdelay $0x1  }
0x5c: {  	v3 =	vadd.s32 v1, v3;
	_ =	sdelay $0x2  }
0x5d: {  	[tilespmem:s9], [sflag:$0x1] =	stream.indirect_vreg.gather [hbm4b:s4+s2], $0x80, v4, vm0, $0xb8;
	[tilespmem:$0x10100] =	vst v63  }
0x5e: {  	_ = 	snop  }
0x5f: {  	[tilespmem:s10], [sflag:$0x1] =	stream.indirect_vreg.gather [hbm4b:s4+s2], $0x80, v3, vm0, $0xb8;
	[tilespmem:$0x10100] =	vst v63  }
0x60: {  	v3 =	vld [tilespmem:$0x60];
	_ =	sdelay $0x4  }
0x61: {  	v54 =	vshll.u32 v3, $0x1  }
0x62: {  	v3 =	vand.u32 $0x7, v3;
	v4 =	vand.u32 $0xFFFFFFF0, v54  }
0x63: {  	v3 =	vor.u32 v3, v4  }
0x64: {  	v4 =	vperm.xlane v3, v0;
	_ =	sdelay $0x1  }
0x65: {  	v3 =	vperm.xlane v3, v2;
	v4 =	vadd.s32 v1, v4;
	_ =	sdelay $0x1  }
0x66: {  	v3 =	vadd.s32 v1, v3;
	_ =	sdelay $0x2  }
0x67: {  	[tilespmem:s11], [sflag:$0x1] =	stream.indirect_vreg.gather [hbm4b:s4+s2], $0x80, v4, vm0, $0xb8;
	[tilespmem:$0x10100] =	vst v63  }
0x68: {  	_ = 	snop  }
0x69: {  	[tilespmem:s12], [sflag:$0x1] =	stream.indirect_vreg.gather [hbm4b:s4+s2], $0x80, v3, vm0, $0xb8;
	[tilespmem:$0x10100] =	vst v63  }
0x6a: {  	v3 =	vld [tilespmem:$0x70];
	_ =	sdelay $0x4  }
0x6b: {  	v55 =	vshll.u32 v3, $0x1  }
0x6c: {  	v3 =	vand.u32 $0x7, v3;
	v4 =	vand.u32 $0xFFFFFFF0, v55  }
0x6d: {  	v3 =	vor.u32 v3, v4  }
0x6e: {  	v4 =	vperm.xlane v3, v0;
	_ =	sdelay $0x1  }
0x6f: {  	v3 =	vperm.xlane v3, v2;
	v4 =	vadd.s32 v1, v4;
	_ =	sdelay $0x1  }
0x70: {  	v3 =	vadd.s32 v1, v3;
	_ =	sdelay $0x2  }
0x71: {  	[tilespmem:s13], [sflag:$0x1] =	stream.indirect_vreg.gather [hbm4b:s4+s2], $0x80, v4, vm0, $0xb8;
	[tilespmem:$0x10100] =	vst v63  }
0x72: {  	_ = 	snop  }
0x73: {  	[tilespmem:s14], [sflag:$0x1] =	stream.indirect_vreg.gather [hbm4b:s4+s2], $0x80, v3, vm0, $0xb8;
	[tilespmem:$0x10100] =	vst v63  }
0x74: {  	v3 =	vld [tilespmem:$0x80];
	_ =	sdelay $0x4  }
0x75: {  	v56 =	vshll.u32 v3, $0x1  }
0x76: {  	v3 =	vand.u32 $0x7, v3;
	v4 =	vand.u32 $0xFFFFFFF0, v56  }
0x77: {  	v3 =	vor.u32 v3, v4  }
0x78: {  	v4 =	vperm.xlane v3, v0;
	_ =	sdelay $0x1  }
0x79: {  	v3 =	vperm.xlane v3, v2;
	v4 =	vadd.s32 v1, v4;
	_ =	sdelay $0x1  }
0x7a: {  	v3 =	vadd.s32 v1, v3;
	_ =	sdelay $0x2  }
0x7b: {  	[tilespmem:s15], [sflag:$0x1] =	stream.indirect_vreg.gather [hbm4b:s4+s2], $0x80, v4, vm0, $0xb8;
	[tilespmem:$0x10100] =	vst v63  }
0x7c: {  	_ = 	snop  }
0x7d: {  	[tilespmem:s16], [sflag:$0x1] =	stream.indirect_vreg.gather [hbm4b:s4+s2], $0x80, v3, vm0, $0xb8;
	[tilespmem:$0x10100] =	vst v63  }
0x7e: {  	v3 =	vld [tilespmem:$0x90];
	_ =	sdelay $0x4  }
0x7f: {  	v57 =	vshll.u32 v3, $0x1  }
0x80: {  	v3 =	vand.u32 $0x7, v3;
	v4 =	vand.u32 $0xFFFFFFF0, v57  }
0x81: {  	v3 =	vor.u32 v3, v4  }
0x82: {  	v4 =	vperm.xlane v3, v0;
	_ =	sdelay $0x1  }
0x83: {  	v3 =	vperm.xlane v3, v2;
	v4 =	vadd.s32 v1, v4;
	_ =	sdelay $0x1  }
0x84: {  	v3 =	vadd.s32 v1, v3;
	_ =	sdelay $0x2  }
0x85: {  	[tilespmem:s17], [sflag:$0x1] =	stream.indirect_vreg.gather [hbm4b:s4+s2], $0x80, v4, vm0, $0xb8;
	[tilespmem:$0x10100] =	vst v63  }
0x86: {  	_ = 	snop  }
0x87: {  	[tilespmem:s18], [sflag:$0x1] =	stream.indirect_vreg.gather [hbm4b:s4+s2], $0x80, v3, vm0, $0xb8;
	[tilespmem:$0x10100] =	vst v63  }
0x88: {  	v3 =	vld [tilespmem:$0xA0];
	_ =	sdelay $0x4  }
0x89: {  	v58 =	vshll.u32 v3, $0x1  }
0x8a: {  	v3 =	vand.u32 $0x7, v3;
	v4 =	vand.u32 $0xFFFFFFF0, v58  }
0x8b: {  	v3 =	vor.u32 v3, v4  }
0x8c: {  	v4 =	vperm.xlane v3, v0;
	_ =	sdelay $0x1  }
0x8d: {  	v3 =	vperm.xlane v3, v2;
	v4 =	vadd.s32 v1, v4;
	_ =	sdelay $0x1  }
0x8e: {  	v3 =	vadd.s32 v1, v3;
	_ =	sdelay $0x2  }
0x8f: {  	[tilespmem:s19], [sflag:$0x1] =	stream.indirect_vreg.gather [hbm4b:s4+s2], $0x80, v4, vm0, $0xb8;
	[tilespmem:$0x10100] =	vst v63  }
0x90: {  	_ = 	snop  }
0x91: {  	[tilespmem:s20], [sflag:$0x1] =	stream.indirect_vreg.gather [hbm4b:s4+s2], $0x80, v3, vm0, $0xb8;
	[tilespmem:$0x10100] =	vst v63  }
0x92: {  	v3 =	vld [tilespmem:$0xB0];
	_ =	sdelay $0x4  }
0x93: {  	v59 =	vshll.u32 v3, $0x1  }
0x94: {  	v3 =	vand.u32 $0x7, v3;
	v4 =	vand.u32 $0xFFFFFFF0, v59  }
0x95: {  	v3 =	vor.u32 v3, v4  }
0x96: {  	v4 =	vperm.xlane v3, v0;
	_ =	sdelay $0x1  }
0x97: {  	v3 =	vperm.xlane v3, v2;
	v4 =	vadd.s32 v1, v4;
	_ =	sdelay $0x1  }
0x98: {  	v3 =	vadd.s32 v1, v3;
	_ =	sdelay $0x2  }
0x99: {  	[tilespmem:s21], [sflag:$0x1] =	stream.indirect_vreg.gather [hbm4b:s4+s2], $0x80, v4, vm0, $0xb8;
	[tilespmem:$0x10100] =	vst v63  }
0x9a: {  	_ = 	snop  }
0x9b: {  	[tilespmem:s22], [sflag:$0x1] =	stream.indirect_vreg.gather [hbm4b:s4+s2], $0x80, v3, vm0, $0xb8;
	[tilespmem:$0x10100] =	vst v63  }
0x9c: {  	v3 =	vld [tilespmem:$0xC0];
	_ =	sdelay $0x4  }
0x9d: {  	v60 =	vshll.u32 v3, $0x1  }
0x9e: {  	v3 =	vand.u32 $0x7, v3;
	v4 =	vand.u32 $0xFFFFFFF0, v60  }
0x9f: {  	v3 =	vor.u32 v3, v4  }
0xa0: {  	v4 =	vperm.xlane v3, v0;
	_ =	sdelay $0x1  }
0xa1: {  	v3 =	vperm.xlane v3, v2;
	v4 =	vadd.s32 v1, v4;
	_ =	sdelay $0x1  }
0xa2: {  	v3 =	vadd.s32 v1, v3;
	_ =	sdelay $0x2  }
0xa3: {  	[tilespmem:s23], [sflag:$0x1] =	stream.indirect_vreg.gather [hbm4b:s4+s2], $0x80, v4, vm0, $0xb8;
	[tilespmem:$0x10100] =	vst v63  }
0xa4: {  	_ = 	snop  }
0xa5: {  	[tilespmem:s24], [sflag:$0x1] =	stream.indirect_vreg.gather [hbm4b:s4+s2], $0x80, v3, vm0, $0xb8;
	[tilespmem:$0x10100] =	vst v63  }
0xa6: {  	v3 =	vld [tilespmem:$0xD0];
	_ =	sdelay $0x4  }
0xa7: {  	v61 =	vshll.u32 v3, $0x1  }
0xa8: {  	v3 =	vand.u32 $0x7, v3;
	v4 =	vand.u32 $0xFFFFFFF0, v61  }
0xa9: {  	v3 =	vor.u32 v3, v4  }
0xaa: {  	v4 =	vperm.xlane v3, v0;
	_ =	sdelay $0x1  }
0xab: {  	v3 =	vperm.xlane v3, v2;
	v4 =	vadd.s32 v1, v4;
	_ =	sdelay $0x1  }
0xac: {  	v3 =	vadd.s32 v1, v3;
	_ =	sdelay $0x2  }
0xad: {  	[tilespmem:s25], [sflag:$0x1] =	stream.indirect_vreg.gather [hbm4b:s4+s2], $0x80, v4, vm0, $0xb8;
	[tilespmem:$0x10100] =	vst v63  }
0xae: {  	_ = 	snop  }
0xaf: {  	[tilespmem:s26], [sflag:$0x1] =	stream.indirect_vreg.gather [hbm4b:s4+s2], $0x80, v3, vm0, $0xb8;
	[tilespmem:$0x10100] =	vst v63  }
0xb0: {  	v3 =	vld [tilespmem:$0xE0];
	_ =	sdelay $0x4  }
0xb1: {  	v62 =	vshll.u32 v3, $0x1  }
0xb2: {  	v3 =	vand.u32 $0x7, v3;
	v4 =	vand.u32 $0xFFFFFFF0, v62  }
0xb3: {  	v3 =	vor.u32 v3, v4  }
0xb4: {  	v4 =	vperm.xlane v3, v0;
	_ =	sdelay $0x1  }
0xb5: {  	v3 =	vperm.xlane v3, v2;
	v4 =	vadd.s32 v1, v4;
	_ =	sdelay $0x1  }
0xb6: {  	v3 =	vadd.s32 v1, v3;
	_ =	sdelay $0x2  }
0xb7: {  	[tilespmem:s28], [sflag:$0x1] =	stream.indirect_vreg.gather [hbm4b:s4+s2], $0x80, v4, vm0, $0xb8;
	[tilespmem:$0x10100] =	vst v63  }
0xb8: {  	_ = 	snop  }
0xb9: {  	[tilespmem:s29], [sflag:$0x1] =	stream.indirect_vreg.gather [hbm4b:s4+s2], $0x80, v3, vm0, $0xb8;
	[tilespmem:$0x10100] =	vst v63  }
0xba: {  	v3 =	vld [tilespmem:$0xF0];
	_ =	sdelay $0x4  }
0xbb: {  	v63 =	vshll.u32 v3, $0x1  }
0xbc: {  	v3 =	vand.u32 $0x7, v3;
	v4 =	vand.u32 $0xFFFFFFF0, v63  }
0xbd: {  	v3 =	vor.u32 v3, v4  }
0xbe: {  	v4 =	vperm.xlane v3, v0;
	_ =	sdelay $0x1  }
0xbf: {  	v3 =	vperm.xlane v3, v2;
	v4 =	vadd.s32 v1, v4;
	_ =	sdelay $0x1  }
0xc0: {  	v3 =	vadd.s32 v1, v3;
	_ =	sdelay $0x2  }
0xc1: {  	[tilespmem:s30], [sflag:$0x1] =	stream.indirect_vreg.gather [hbm4b:s4+s2], $0x80, v4, vm0, $0xb8;
	[tilespmem:$0x10100] =	vst v63  }
0xc2: {  	_ = 	snop  }
0xc3: {  	[tilespmem:s31], [sflag:$0x1] =	stream.indirect_vreg.gather [hbm4b:s4+s2], $0x80, v3, vm0, $0xb8;
	[tilespmem:$0x10100] =	vst v63  }
0xc4: {  	_ =	swait.ge [sflag:s1], $0x8000  }
0xc5: {  	[sflag:s1] =	ssyncset.done $0x0  }
0xc6: {  	[sflag:s1] =	ssyncadd.s32 $0xFFFF8000  }
0xc7: {  	_ =	swait.ge [sflag:s1], $0x8000  }
0xc8: {  	p0 =	sne.s32 s5, $0x1;
	[sflag:s1] =	ssyncset.done $0x0  }
.Ltmp0:
0xc9: {  	s8 =	rddreg [dreg:$0x4];
	[sflag:s1] =	ssyncadd.s32 $0xFFFF8000;
	(pc) =	sbr.rel @p0 .LBB2_1-.Ltmp0, $4  }
0xca: {  	[hbm4b:s8+s2] =	stream.linear.scatter [tilespmem:s7], [sflag:$0x2], $0x10000, $0x38;
	[tilespmem:$0x10100] =	vst v63  }
0xcb: {  	_ =	swait.ge [sflag:s6], $0x10000  }
0xcc: {  	[sflag:s6] =	ssyncset.done $0x0  }
0xcd: {  	s5 =	sadd.s32 $0xFFFFFFFF, s5;
	[sflag:s6] =	ssyncadd.s32 $0xFFFF0000  }
0xce: {  	_ =	sfence.sel $0x180000  }
0xcf: {  	[bflag:$0x0] =	sbarrier.arrive $0xFFFF  }
0xd0: {  	_ =	strace $0x90000050  }
0xd1: {  	s0 =	stileid.u32;
	[bflag:$0x2] =	sbarrier.arrive $0xFFFF  }
0xd2: {  	p0 =	sne.s32 s0, $0x0;
	s0 =	rddreg [dreg:$0x2]  }
0xd3: {  	s0 =	sadd.s32 @!p0 $0x100000, s0  }
0xd4: {  	[sflag:s0] =	ssyncadd.tile.s32 @!p0 $0x1;
	_ =	shalt  }
.Lfunc_end2:
_tile_overlayer_lowered:
.L_overlay_start_2:
0xd5: {  	(tag) =	ssettag $0x2  }
0xd6: {  	s0 =	rddreg [dreg:$0x0];
	s2 =	stileid.u32  }
0xd7: {  	s1 =	rddreg [dreg:$0x1];
	p0 =	sne.s32 s2, $0x0  }
0xd8: {  	s3 =	rddreg [dreg:$0x2];
	[bflag:$0x3] =	sbarrier.arrive $0xFFFF;
	s2 =	simm.s32 @!p0 $0x1C02  }
0xd9: {  	[timem:s3], [sflag:s2] =	dma.local @!p0 [hbm:s0], s1  }
0xda: {  	s0 =	simm.s32 @!p0 $0x2  }
0xdb: {  	_ =	swait.ge @!p0 [sflag:s0], s1  }
0xdc: {  	s1 =	ssub.s32 @!p0 $0x0, s1;
	[sflag:s0] =	ssyncset.done @!p0 $0x0  }
0xdd: {  	[sflag:s0] =	ssyncadd.s32 @!p0 s1  }
0xde: {  	[bflag:$0x3] =	sbarrier.arrive $0xFFFF  }
0xdf: {  	_ =	shalt  }

</sc_bundles>
